<compile_context>
chip_gen: v7x
topology: tpu7x:2x2x1
jax: 0.10.2.dev20260603
libtpu: 0.0.44.dev20260713+nightly
codegen_flags: <defaults>
</compile_context>

<pallas_src>
import functools

import jax
import jax.numpy as jnp
from jax import lax
from jax.experimental import pallas as pl
from jax.experimental.pallas import tpu as pltpu
from jax.experimental.pallas import tpu_sc as plsc

NUM_EMB = 1000000
DIM = 64
BATCH = 16384
FIELDS = 26
NW = 32
B_PER_W = BATCH // NW
N_BLOCK = FIELDS
NBUF = 2


def _make_gather():
    mesh = plsc.VectorSubcoreMesh(core_axis_name="c", subcore_axis_name="s")

    @functools.partial(
        pl.kernel,
        mesh=mesh,
        out_type=jax.ShapeDtypeStruct((FIELDS, BATCH, DIM), jnp.float32),
        scratch_types=[
            pltpu.VMEM((FIELDS, B_PER_W), jnp.int32),
            pltpu.VMEM((NBUF, B_PER_W, DIM), jnp.float32),
            pltpu.SemaphoreType.DMA,
            pltpu.SemaphoreType.DMA,
            pltpu.SemaphoreType.DMA,
            pltpu.SemaphoreType.DMA,
        ],
        compiler_params=pltpu.CompilerParams(use_tc_tiling_on_sc=False),
    )
    def gather_kernel(tok_hbm, table_hbm, out_hbm, idx_v, rows_v,
                      gs0, gs1, os0, os1):
        gsems = [gs0, gs1]
        osems = [os0, os1]
        wid = lax.axis_index("s") * 2 + lax.axis_index("c")
        b_base = wid * B_PER_W

        pltpu.sync_copy(tok_hbm.at[:, pl.ds(b_base, B_PER_W)], idx_v)

        def fire_gather(f, b):
            pltpu.async_copy(
                table_hbm.at[idx_v.at[f]], rows_v.at[b], gsems[b]
            )

        def drain_gather(b):
            pltpu.make_async_copy(
                table_hbm.at[pl.ds(0, B_PER_W)], rows_v.at[b], gsems[b]
            ).wait()

        def fire_store(f, b):
            pltpu.async_copy(
                rows_v.at[b],
                out_hbm.at[f, pl.ds(b_base, B_PER_W)],
                osems[b],
            )

        def drain_store(b):
            pltpu.make_async_copy(
                rows_v.at[b], out_hbm.at[0, pl.ds(0, B_PER_W)], osems[b]
            ).wait()

        fire_gather(0, 0)
        for f in range(N_BLOCK):
            nxt = f + 1
            if nxt < N_BLOCK:
                b_nxt = nxt % NBUF
                if nxt >= NBUF:
                    drain_store(b_nxt)
                fire_gather(nxt, b_nxt)
            b = f % NBUF
            drain_gather(b)
            fire_store(f, b)
        for f in range(N_BLOCK - NBUF, N_BLOCK):
            drain_store(f % NBUF)

    return gather_kernel


_gather = _make_gather()


def _tc_transpose_body(x_ref, o_ref):
    x = x_ref[0]
    ys = []
    for j in range(8):
        z = x[j].reshape(128, DIM).T
        ys.append(z.reshape(8, 8, 128))
    o_ref[0] = jnp.stack(ys, axis=1)


_tc_transpose = pl.pallas_call(
    _tc_transpose_body,
    grid=(FIELDS, BATCH // 128 // 8),
    in_specs=[
        pl.BlockSpec((1, 8, DIM, 128), lambda f, t: (f, t, 0, 0)),
    ],
    out_specs=pl.BlockSpec((1, 8, 8, 8, 128), lambda f, t: (f, 0, t, 0, 0)),
    out_shape=jax.ShapeDtypeStruct((FIELDS, 8, BATCH // 128, 8, 128),
                                   jnp.float32),
)


def kernel(tokens_ids, weights):
    tok_t = tokens_ids.astype(jnp.int32).T
    out3 = _gather(tok_t, weights)
    return out3.transpose(1, 0, 2)

# --- scband reference (transcript-rebuilt; emitter-appended) ---
"""Pipeline reference for scband-embedding-88356067213893 (READ-ONLY COPY).

The authoritative reference and input builder live on the scoring server;
editing this copy changes nothing except your own understanding.
"""

import jax, jax.numpy as jnp
import numpy as np

NUM_EMBEDDINGS = 1000000
EMBEDDING_DIM = 64
BATCH = 16384
FIELDS = 26


def setup_inputs(seed: int = 0) -> dict:
    key = jax.random.key(seed)
    k_idx, k_w = jax.random.split(key)
    tokens_ids = jax.random.randint(k_idx, (BATCH, FIELDS), 0, NUM_EMBEDDINGS, dtype=jnp.int64 if jax.config.jax_enable_x64 else jnp.int32)
    # trunc_normal(mean=0, std=1, a=-3, b=3)
    weights = jax.random.truncated_normal(k_w, -3.0, 3.0, (NUM_EMBEDDINGS, EMBEDDING_DIM), dtype=jnp.float32)
    return {"tokens_ids": tokens_ids, "weights": weights}


def reference(tokens_ids, weights):
    # Faithful to: self.weights[tokens_ids]
    return jnp.take(weights, tokens_ids, axis=0)

if __name__ == "__main__":
    import jax
    _d = setup_inputs()
    print(jax.jit(kernel)(*tuple(_d.values())))

</pallas_src>

<mosaic_0001>
#map = affine_map<(d0, d1) -> (0, 0)>
#map1 = affine_map<(d0, d1) -> (0, 0, 0)>
module attributes {stable_mosaic.version = 14 : i64} {
  func.func @gather_kernel(%arg0: i32, %arg1: i32, %arg2: memref<26x16384xi32, #tpu.memory_space<hbm>>, %arg3: memref<1000000x64xf32, #tpu.memory_space<hbm>>, %arg4: memref<26x16384x64xf32, #tpu.memory_space<hbm>>, %arg5: memref<26x512xi32, #tpu.memory_space<vmem>>, %arg6: memref<2x512x64xf32, #tpu.memory_space<vmem>>, %arg7: memref<!tpu.dma_semaphore, #tpu.memory_space<semaphore_mem>>, %arg8: memref<!tpu.dma_semaphore, #tpu.memory_space<semaphore_mem>>, %arg9: memref<!tpu.dma_semaphore, #tpu.memory_space<semaphore_mem>>, %arg10: memref<!tpu.dma_semaphore, #tpu.memory_space<semaphore_mem>>) attributes {dimension_semantics = [#tpu.dimension_semantics<core_parallel>, #tpu.dimension_semantics<subcore_parallel>], iteration_bounds = array<i64: 2, 16>, scalar_prefetch = 0 : i64, scratch_operands = 6 : i64, tpu.core_type = #tpu.core_type<sc_vector_subcore>, window_params = [{transform_indices = #map}, {transform_indices = #map}, {transform_indices = #map1}]} {
    %mul3A = arith.constant 2 : i32
    %mul3A_0 = arith.muli %arg1, %mul3A : i32
    %add3A = arith.addi %mul3A_0, %arg0 : i32
    %mul3A_1 = arith.constant 512 : i32
    %mul3A_2 = arith.muli %add3A, %mul3A_1 : i32
    "tpu.region"() ({
      %run_scoped3A = tpu.sem_alloc : memref<!tpu.dma_semaphore, #tpu.memory_space<semaphore_mem>>
      %dma_start3A_1587 = arith.constant 0 : i32
      %dma_start3A_1588 = tpu.memref_slice %arg2[%dma_start3A_1587, %mul3A_2] : memref<26x16384xi32, #tpu.memory_space<hbm>> -> memref<26x512xi32, #tpu.memory_space<hbm>>
      %dma_start3A_1589 = arith.constant 0 : i32
      %dma_start3A_1590 = tpu.memref_slice %arg2[%dma_start3A_1589, %mul3A_2] : memref<26x16384xi32, #tpu.memory_space<hbm>> -> memref<26x512xi32, #tpu.memory_space<hbm>>
      tpu.enqueue_dma source(%dma_start3A_1590 : memref<26x512xi32, #tpu.memory_space<hbm>>) target(%arg5 : memref<26x512xi32, #tpu.memory_space<vmem>>) target_semaphore(%run_scoped3A : memref<!tpu.dma_semaphore, #tpu.memory_space<semaphore_mem>>)
      %dma_wait3A_1591 = arith.constant 0 : i32
      %dma_wait3A_1592 = tpu.memref_slice %arg2[%dma_wait3A_1591, %mul3A_2] : memref<26x16384xi32, #tpu.memory_space<hbm>> -> memref<26x512xi32, #tpu.memory_space<hbm>>
      %dma_wait3A_1593 = arith.constant 0 : i32
      %dma_wait3A_1594 = tpu.memref_slice %arg2[%dma_wait3A_1593, %mul3A_2] : memref<26x16384xi32, #tpu.memory_space<hbm>> -> memref<26x512xi32, #tpu.memory_space<hbm>>
      tpu.wait_dma2 semaphore(%run_scoped3A : memref<!tpu.dma_semaphore, #tpu.memory_space<semaphore_mem>>) src(%dma_wait3A_1594 : memref<26x512xi32, #tpu.memory_space<hbm>>) dst(%arg5 : memref<26x512xi32, #tpu.memory_space<vmem>>)
      tpu.yield
    }) : () -> ()
    %dma_start3A = arith.constant 0 : i32
    %dma_start3A_3 = arith.constant 0 : i32
    %dma_start3A_4 = arith.constant 0 : i32
    %dma_start3A_5 = arith.constant 0 : i32
    %dma_start3A_6 = tpu.memref_slice %arg6[%dma_start3A_3, %dma_start3A_4, %dma_start3A_5] : memref<2x512x64xf32, #tpu.memory_space<vmem>> -> memref<1x512x64xf32, #tpu.memory_space<vmem>>
    %dma_start3A_7 = tpu.memref_squeeze %dma_start3A_6 : memref<1x512x64xf32, #tpu.memory_space<vmem>> -> memref<512x64xf32, #tpu.memory_space<vmem>>
    %dma_start3A_8 = arith.constant 0 : i32
    %dma_start3A_9 = tpu.memref_slice %arg5[%dma_start3A, %dma_start3A_8] : memref<26x512xi32, #tpu.memory_space<vmem>> -> memref<1x512xi32, #tpu.memory_space<vmem>>
    %dma_start3A_10 = tpu.memref_squeeze %dma_start3A_9 : memref<1x512xi32, #tpu.memory_space<vmem>> -> memref<512xi32, #tpu.memory_space<vmem>>
    %dma_start3A_11 = arith.constant 0 : i32
    %dma_start3A_12 = arith.constant 0 : i32
    %dma_start3A_13 = tpu.memref_slice %arg3[%dma_start3A_11, %dma_start3A_12] : memref<1000000x64xf32, #tpu.memory_space<hbm>> -> memref<1000000x64xf32, #tpu.memory_space<hbm>>
    tpu.enqueue_indirect_dma source(%dma_start3A_13 : memref<1000000x64xf32, #tpu.memory_space<hbm>>) target(%dma_start3A_7 : memref<512x64xf32, #tpu.memory_space<vmem>>) offsets(%dma_start3A_10 : memref<512xi32, #tpu.memory_space<vmem>>) semaphore(%arg7 : memref<!tpu.dma_semaphore, #tpu.memory_space<semaphore_mem>>)
    %dma_start3A_14 = arith.constant 1 : i32
    %dma_start3A_15 = arith.constant 1 : i32
    %dma_start3A_16 = arith.constant 0 : i32
    %dma_start3A_17 = arith.constant 0 : i32
    %dma_start3A_18 = tpu.memref_slice %arg6[%dma_start3A_15, %dma_start3A_16, %dma_start3A_17] : memref<2x512x64xf32, #tpu.memory_space<vmem>> -> memref<1x512x64xf32, #tpu.memory_space<vmem>>
    %dma_start3A_19 = tpu.memref_squeeze %dma_start3A_18 : memref<1x512x64xf32, #tpu.memory_space<vmem>> -> memref<512x64xf32, #tpu.memory_space<vmem>>
    %dma_start3A_20 = arith.constant 0 : i32
    %dma_start3A_21 = tpu.memref_slice %arg5[%dma_start3A_14, %dma_start3A_20] : memref<26x512xi32, #tpu.memory_space<vmem>> -> memref<1x512xi32, #tpu.memory_space<vmem>>
    %dma_start3A_22 = tpu.memref_squeeze %dma_start3A_21 : memref<1x512xi32, #tpu.memory_space<vmem>> -> memref<512xi32, #tpu.memory_space<vmem>>
    %dma_start3A_23 = arith.constant 0 : i32
    %dma_start3A_24 = arith.constant 0 : i32
    %dma_start3A_25 = tpu.memref_slice %arg3[%dma_start3A_23, %dma_start3A_24] : memref<1000000x64xf32, #tpu.memory_space<hbm>> -> memref<1000000x64xf32, #tpu.memory_space<hbm>>
    tpu.enqueue_indirect_dma source(%dma_start3A_25 : memref<1000000x64xf32, #tpu.memory_space<hbm>>) target(%dma_start3A_19 : memref<512x64xf32, #tpu.memory_space<vmem>>) offsets(%dma_start3A_22 : memref<512xi32, #tpu.memory_space<vmem>>) semaphore(%arg8 : memref<!tpu.dma_semaphore, #tpu.memory_space<semaphore_mem>>)
    %dma_wait3A = arith.constant 0 : i32
    %dma_wait3A_26 = arith.constant 0 : i32
    %dma_wait3A_27 = arith.constant 0 : i32
    %dma_wait3A_28 = tpu.memref_slice %arg6[%dma_wait3A, %dma_wait3A_26, %dma_wait3A_27] : memref<2x512x64xf32, #tpu.memory_space<vmem>> -> memref<1x512x64xf32, #tpu.memory_space<vmem>>
    %dma_wait3A_29 = tpu.memref_squeeze %dma_wait3A_28 : memref<1x512x64xf32, #tpu.memory_space<vmem>> -> memref<512x64xf32, #tpu.memory_space<vmem>>
    %dma_wait3A_30 = arith.constant 0 : i32
    %dma_wait3A_31 = arith.constant 0 : i32
    %dma_wait3A_32 = tpu.memref_slice %arg3[%dma_wait3A_30, %dma_wait3A_31] : memref<1000000x64xf32, #tpu.memory_space<hbm>> -> memref<512x64xf32, #tpu.memory_space<hbm>>
    %dma_wait3A_33 = arith.constant 0 : i32
    %dma_wait3A_34 = arith.constant 0 : i32
    %dma_wait3A_35 = tpu.memref_slice %arg6[%dma_wait3A, %dma_wait3A_33, %dma_wait3A_34] : memref<2x512x64xf32, #tpu.memory_space<vmem>> -> memref<1x512x64xf32, #tpu.memory_space<vmem>>
    %dma_wait3A_36 = tpu.memref_squeeze %dma_wait3A_35 : memref<1x512x64xf32, #tpu.memory_space<vmem>> -> memref<512x64xf32, #tpu.memory_space<vmem>>
    %dma_wait3A_37 = arith.constant 0 : i32
    %dma_wait3A_38 = arith.constant 0 : i32
    %dma_wait3A_39 = tpu.memref_slice %arg3[%dma_wait3A_37, %dma_wait3A_38] : memref<1000000x64xf32, #tpu.memory_space<hbm>> -> memref<512x64xf32, #tpu.memory_space<hbm>>
    tpu.wait_dma2 semaphore(%arg7 : memref<!tpu.dma_semaphore, #tpu.memory_space<semaphore_mem>>) src(%dma_wait3A_39 : memref<512x64xf32, #tpu.memory_space<hbm>>) dst(%dma_wait3A_36 : memref<512x64xf32, #tpu.memory_space<vmem>>)
    %dma_start3A_40 = arith.constant 0 : i32
    %dma_start3A_41 = arith.constant 0 : i32
    %dma_start3A_42 = arith.constant 0 : i32
    %dma_start3A_43 = arith.constant 0 : i32
    %dma_start3A_44 = tpu.memref_slice %arg6[%dma_start3A_40, %dma_start3A_42, %dma_start3A_43] : memref<2x512x64xf32, #tpu.memory_space<vmem>> -> memref<1x512x64xf32, #tpu.memory_space<vmem>>
    %dma_start3A_45 = tpu.memref_squeeze %dma_start3A_44 : memref<1x512x64xf32, #tpu.memory_space<vmem>> -> memref<512x64xf32, #tpu.memory_space<vmem>>
    %dma_start3A_46 = arith.constant 0 : i32
    %dma_start3A_47 = tpu.memref_slice %arg4[%dma_start3A_41, %mul3A_2, %dma_start3A_46] : memref<26x16384x64xf32, #tpu.memory_space<hbm>> -> memref<1x512x64xf32, #tpu.memory_space<hbm>>
    %dma_start3A_48 = tpu.memref_squeeze %dma_start3A_47 : memref<1x512x64xf32, #tpu.memory_space<hbm>> -> memref<512x64xf32, #tpu.memory_space<hbm>>
    %dma_start3A_49 = arith.constant 0 : i32
    %dma_start3A_50 = tpu.memref_slice %arg4[%dma_start3A_41, %mul3A_2, %dma_start3A_49] : memref<26x16384x64xf32, #tpu.memory_space<hbm>> -> memref<1x512x64xf32, #tpu.memory_space<hbm>>
    %dma_start3A_51 = tpu.memref_squeeze %dma_start3A_50 : memref<1x512x64xf32, #tpu.memory_space<hbm>> -> memref<512x64xf32, #tpu.memory_space<hbm>>
    %dma_start3A_52 = arith.constant 0 : i32
    %dma_start3A_53 = arith.constant 0 : i32
    %dma_start3A_54 = tpu.memref_slice %arg6[%dma_start3A_40, %dma_start3A_52, %dma_start3A_53] : memref<2x512x64xf32, #tpu.memory_space<vmem>> -> memref<1x512x64xf32, #tpu.memory_space<vmem>>
    %dma_start3A_55 = tpu.memref_squeeze %dma_start3A_54 : memref<1x512x64xf32, #tpu.memory_space<vmem>> -> memref<512x64xf32, #tpu.memory_space<vmem>>
    tpu.enqueue_dma source(%dma_start3A_55 : memref<512x64xf32, #tpu.memory_space<vmem>>) target(%dma_start3A_51 : memref<512x64xf32, #tpu.memory_space<hbm>>) target_semaphore(%arg9 : memref<!tpu.dma_semaphore, #tpu.memory_space<semaphore_mem>>)
    %dma_wait3A_56 = arith.constant 0 : i32
    %dma_wait3A_57 = arith.constant 0 : i32
    %dma_wait3A_58 = arith.constant 0 : i32
    %dma_wait3A_59 = arith.constant 0 : i32
    %dma_wait3A_60 = tpu.memref_slice %arg6[%dma_wait3A_56, %dma_wait3A_58, %dma_wait3A_59] : memref<2x512x64xf32, #tpu.memory_space<vmem>> -> memref<1x512x64xf32, #tpu.memory_space<vmem>>
    %dma_wait3A_61 = tpu.memref_squeeze %dma_wait3A_60 : memref<1x512x64xf32, #tpu.memory_space<vmem>> -> memref<512x64xf32, #tpu.memory_space<vmem>>
    %dma_wait3A_62 = arith.constant 0 : i32
    %dma_wait3A_63 = arith.constant 0 : i32
    %dma_wait3A_64 = tpu.memref_slice %arg4[%dma_wait3A_57, %dma_wait3A_62, %dma_wait3A_63] : memref<26x16384x64xf32, #tpu.memory_space<hbm>> -> memref<1x512x64xf32, #tpu.memory_space<hbm>>
    %dma_wait3A_65 = tpu.memref_squeeze %dma_wait3A_64 : memref<1x512x64xf32, #tpu.memory_space<hbm>> -> memref<512x64xf32, #tpu.memory_space<hbm>>
    %dma_wait3A_66 = arith.constant 0 : i32
    %dma_wait3A_67 = arith.constant 0 : i32
    %dma_wait3A_68 = tpu.memref_slice %arg4[%dma_wait3A_57, %dma_wait3A_66, %dma_wait3A_67] : memref<26x16384x64xf32, #tpu.memory_space<hbm>> -> memref<1x512x64xf32, #tpu.memory_space<hbm>>
    %dma_wait3A_69 = tpu.memref_squeeze %dma_wait3A_68 : memref<1x512x64xf32, #tpu.memory_space<hbm>> -> memref<512x64xf32, #tpu.memory_space<hbm>>
    %dma_wait3A_70 = arith.constant 0 : i32
    %dma_wait3A_71 = arith.constant 0 : i32
    %dma_wait3A_72 = tpu.memref_slice %arg6[%dma_wait3A_56, %dma_wait3A_70, %dma_wait3A_71] : memref<2x512x64xf32, #tpu.memory_space<vmem>> -> memref<1x512x64xf32, #tpu.memory_space<vmem>>
    %dma_wait3A_73 = tpu.memref_squeeze %dma_wait3A_72 : memref<1x512x64xf32, #tpu.memory_space<vmem>> -> memref<512x64xf32, #tpu.memory_space<vmem>>
    tpu.wait_dma2 semaphore(%arg9 : memref<!tpu.dma_semaphore, #tpu.memory_space<semaphore_mem>>) src(%dma_wait3A_73 : memref<512x64xf32, #tpu.memory_space<vmem>>) dst(%dma_wait3A_69 : memref<512x64xf32, #tpu.memory_space<hbm>>)
    %dma_start3A_74 = arith.constant 2 : i32
    %dma_start3A_75 = arith.constant 0 : i32
    %dma_start3A_76 = arith.constant 0 : i32
    %dma_start3A_77 = arith.constant 0 : i32
    %dma_start3A_78 = tpu.memref_slice %arg6[%dma_start3A_75, %dma_start3A_76, %dma_start3A_77] : memref<2x512x64xf32, #tpu.memory_space<vmem>> -> memref<1x512x64xf32, #tpu.memory_space<vmem>>
    %dma_start3A_79 = tpu.memref_squeeze %dma_start3A_78 : memref<1x512x64xf32, #tpu.memory_space<vmem>> -> memref<512x64xf32, #tpu.memory_space<vmem>>
    %dma_start3A_80 = arith.constant 0 : i32
    %dma_start3A_81 = tpu.memref_slice %arg5[%dma_start3A_74, %dma_start3A_80] : memref<26x512xi32, #tpu.memory_space<vmem>> -> memref<1x512xi32, #tpu.memory_space<vmem>>
    %dma_start3A_82 = tpu.memref_squeeze %dma_start3A_81 : memref<1x512xi32, #tpu.memory_space<vmem>> -> memref<512xi32, #tpu.memory_space<vmem>>
    %dma_start3A_83 = arith.constant 0 : i32
    %dma_start3A_84 = arith.constant 0 : i32
    %dma_start3A_85 = tpu.memref_slice %arg3[%dma_start3A_83, %dma_start3A_84] : memref<1000000x64xf32, #tpu.memory_space<hbm>> -> memref<1000000x64xf32, #tpu.memory_space<hbm>>
    tpu.enqueue_indirect_dma source(%dma_start3A_85 : memref<1000000x64xf32, #tpu.memory_space<hbm>>) target(%dma_start3A_79 : memref<512x64xf32, #tpu.memory_space<vmem>>) offsets(%dma_start3A_82 : memref<512xi32, #tpu.memory_space<vmem>>) semaphore(%arg7 : memref<!tpu.dma_semaphore, #tpu.memory_space<semaphore_mem>>)
    %dma_wait3A_86 = arith.constant 1 : i32
    %dma_wait3A_87 = arith.constant 0 : i32
    %dma_wait3A_88 = arith.constant 0 : i32
    %dma_wait3A_89 = tpu.memref_slice %arg6[%dma_wait3A_86, %dma_wait3A_87, %dma_wait3A_88] : memref<2x512x64xf32, #tpu.memory_space<vmem>> -> memref<1x512x64xf32, #tpu.memory_space<vmem>>
    %dma_wait3A_90 = tpu.memref_squeeze %dma_wait3A_89 : memref<1x512x64xf32, #tpu.memory_space<vmem>> -> memref<512x64xf32, #tpu.memory_space<vmem>>
    %dma_wait3A_91 = arith.constant 0 : i32
    %dma_wait3A_92 = arith.constant 0 : i32
    %dma_wait3A_93 = tpu.memref_slice %arg3[%dma_wait3A_91, %dma_wait3A_92] : memref<1000000x64xf32, #tpu.memory_space<hbm>> -> memref<512x64xf32, #tpu.memory_space<hbm>>
    %dma_wait3A_94 = arith.constant 0 : i32
    %dma_wait3A_95 = arith.constant 0 : i32
    %dma_wait3A_96 = tpu.memref_slice %arg6[%dma_wait3A_86, %dma_wait3A_94, %dma_wait3A_95] : memref<2x512x64xf32, #tpu.memory_space<vmem>> -> memref<1x512x64xf32, #tpu.memory_space<vmem>>
    %dma_wait3A_97 = tpu.memref_squeeze %dma_wait3A_96 : memref<1x512x64xf32, #tpu.memory_space<vmem>> -> memref<512x64xf32, #tpu.memory_space<vmem>>
    %dma_wait3A_98 = arith.constant 0 : i32
    %dma_wait3A_99 = arith.constant 0 : i32
    %dma_wait3A_100 = tpu.memref_slice %arg3[%dma_wait3A_98, %dma_wait3A_99] : memref<1000000x64xf32, #tpu.memory_space<hbm>> -> memref<512x64xf32, #tpu.memory_space<hbm>>
    tpu.wait_dma2 semaphore(%arg8 : memref<!tpu.dma_semaphore, #tpu.memory_space<semaphore_mem>>) src(%dma_wait3A_100 : memref<512x64xf32, #tpu.memory_space<hbm>>) dst(%dma_wait3A_97 : memref<512x64xf32, #tpu.memory_space<vmem>>)
    %dma_start3A_101 = arith.constant 1 : i32
    %dma_start3A_102 = arith.constant 1 : i32
    %dma_start3A_103 = arith.constant 0 : i32
    %dma_start3A_104 = arith.constant 0 : i32
    %dma_start3A_105 = tpu.memref_slice %arg6[%dma_start3A_101, %dma_start3A_103, %dma_start3A_104] : memref<2x512x64xf32, #tpu.memory_space<vmem>> -> memref<1x512x64xf32, #tpu.memory_space<vmem>>
    %dma_start3A_106 = tpu.memref_squeeze %dma_start3A_105 : memref<1x512x64xf32, #tpu.memory_space<vmem>> -> memref<512x64xf32, #tpu.memory_space<vmem>>
    %dma_start3A_107 = arith.constant 0 : i32
    %dma_start3A_108 = tpu.memref_slice %arg4[%dma_start3A_102, %mul3A_2, %dma_start3A_107] : memref<26x16384x64xf32, #tpu.memory_space<hbm>> -> memref<1x512x64xf32, #tpu.memory_space<hbm>>
    %dma_start3A_109 = tpu.memref_squeeze %dma_start3A_108 : memref<1x512x64xf32, #tpu.memory_space<hbm>> -> memref<512x64xf32, #tpu.memory_space<hbm>>
    %dma_start3A_110 = arith.constant 0 : i32
    %dma_start3A_111 = tpu.memref_slice %arg4[%dma_start3A_102, %mul3A_2, %dma_start3A_110] : memref<26x16384x64xf32, #tpu.memory_space<hbm>> -> memref<1x512x64xf32, #tpu.memory_space<hbm>>
    %dma_start3A_112 = tpu.memref_squeeze %dma_start3A_111 : memref<1x512x64xf32, #tpu.memory_space<hbm>> -> memref<512x64xf32, #tpu.memory_space<hbm>>
    %dma_start3A_113 = arith.constant 0 : i32
    %dma_start3A_114 = arith.constant 0 : i32
    %dma_start3A_115 = tpu.memref_slice %arg6[%dma_start3A_101, %dma_start3A_113, %dma_start3A_114] : memref<2x512x64xf32, #tpu.memory_space<vmem>> -> memref<1x512x64xf32, #tpu.memory_space<vmem>>
    %dma_start3A_116 = tpu.memref_squeeze %dma_start3A_115 : memref<1x512x64xf32, #tpu.memory_space<vmem>> -> memref<512x64xf32, #tpu.memory_space<vmem>>
    tpu.enqueue_dma source(%dma_start3A_116 : memref<512x64xf32, #tpu.memory_space<vmem>>) target(%dma_start3A_112 : memref<512x64xf32, #tpu.memory_space<hbm>>) target_semaphore(%arg10 : memref<!tpu.dma_semaphore, #tpu.memory_space<semaphore_mem>>)
    %dma_wait3A_117 = arith.constant 1 : i32
    %dma_wait3A_118 = arith.constant 0 : i32
    %dma_wait3A_119 = arith.constant 0 : i32
    %dma_wait3A_120 = arith.constant 0 : i32
    %dma_wait3A_121 = tpu.memref_slice %arg6[%dma_wait3A_117, %dma_wait3A_119, %dma_wait3A_120] : memref<2x512x64xf32, #tpu.memory_space<vmem>> -> memref<1x512x64xf32, #tpu.memory_space<vmem>>
    %dma_wait3A_122 = tpu.memref_squeeze %dma_wait3A_121 : memref<1x512x64xf32, #tpu.memory_space<vmem>> -> memref<512x64xf32, #tpu.memory_space<vmem>>
    %dma_wait3A_123 = arith.constant 0 : i32
    %dma_wait3A_124 = arith.constant 0 : i32
    %dma_wait3A_125 = tpu.memref_slice %arg4[%dma_wait3A_118, %dma_wait3A_123, %dma_wait3A_124] : memref<26x16384x64xf32, #tpu.memory_space<hbm>> -> memref<1x512x64xf32, #tpu.memory_space<hbm>>
    %dma_wait3A_126 = tpu.memref_squeeze %dma_wait3A_125 : memref<1x512x64xf32, #tpu.memory_space<hbm>> -> memref<512x64xf32, #tpu.memory_space<hbm>>
    %dma_wait3A_127 = arith.constant 0 : i32
    %dma_wait3A_128 = arith.constant 0 : i32
    %dma_wait3A_129 = tpu.memref_slice %arg4[%dma_wait3A_118, %dma_wait3A_127, %dma_wait3A_128] : memref<26x16384x64xf32, #tpu.memory_space<hbm>> -> memref<1x512x64xf32, #tpu.memory_space<hbm>>
    %dma_wait3A_130 = tpu.memref_squeeze %dma_wait3A_129 : memref<1x512x64xf32, #tpu.memory_space<hbm>> -> memref<512x64xf32, #tpu.memory_space<hbm>>
    %dma_wait3A_131 = arith.constant 0 : i32
    %dma_wait3A_132 = arith.constant 0 : i32
    %dma_wait3A_133 = tpu.memref_slice %arg6[%dma_wait3A_117, %dma_wait3A_131, %dma_wait3A_132] : memref<2x512x64xf32, #tpu.memory_space<vmem>> -> memref<1x512x64xf32, #tpu.memory_space<vmem>>
    %dma_wait3A_134 = tpu.memref_squeeze %dma_wait3A_133 : memref<1x512x64xf32, #tpu.memory_space<vmem>> -> memref<512x64xf32, #tpu.memory_space<vmem>>
    tpu.wait_dma2 semaphore(%arg10 : memref<!tpu.dma_semaphore, #tpu.memory_space<semaphore_mem>>) src(%dma_wait3A_134 : memref<512x64xf32, #tpu.memory_space<vmem>>) dst(%dma_wait3A_130 : memref<512x64xf32, #tpu.memory_space<hbm>>)
    %dma_start3A_135 = arith.constant 3 : i32
    %dma_start3A_136 = arith.constant 1 : i32
    %dma_start3A_137 = arith.constant 0 : i32
    %dma_start3A_138 = arith.constant 0 : i32
    %dma_start3A_139 = tpu.memref_slice %arg6[%dma_start3A_136, %dma_start3A_137, %dma_start3A_138] : memref<2x512x64xf32, #tpu.memory_space<vmem>> -> memref<1x512x64xf32, #tpu.memory_space<vmem>>
    %dma_start3A_140 = tpu.memref_squeeze %dma_start3A_139 : memref<1x512x64xf32, #tpu.memory_space<vmem>> -> memref<512x64xf32, #tpu.memory_space<vmem>>
    %dma_start3A_141 = arith.constant 0 : i32
    %dma_start3A_142 = tpu.memref_slice %arg5[%dma_start3A_135, %dma_start3A_141] : memref<26x512xi32, #tpu.memory_space<vmem>> -> memref<1x512xi32, #tpu.memory_space<vmem>>
    %dma_start3A_143 = tpu.memref_squeeze %dma_start3A_142 : memref<1x512xi32, #tpu.memory_space<vmem>> -> memref<512xi32, #tpu.memory_space<vmem>>
    %dma_start3A_144 = arith.constant 0 : i32
    %dma_start3A_145 = arith.constant 0 : i32
    %dma_start3A_146 = tpu.memref_slice %arg3[%dma_start3A_144, %dma_start3A_145] : memref<1000000x64xf32, #tpu.memory_space<hbm>> -> memref<1000000x64xf32, #tpu.memory_space<hbm>>
    tpu.enqueue_indirect_dma source(%dma_start3A_146 : memref<1000000x64xf32, #tpu.memory_space<hbm>>) target(%dma_start3A_140 : memref<512x64xf32, #tpu.memory_space<vmem>>) offsets(%dma_start3A_143 : memref<512xi32, #tpu.memory_space<vmem>>) semaphore(%arg8 : memref<!tpu.dma_semaphore, #tpu.memory_space<semaphore_mem>>)
    %dma_wait3A_147 = arith.constant 0 : i32
    %dma_wait3A_148 = arith.constant 0 : i32
    %dma_wait3A_149 = arith.constant 0 : i32
    %dma_wait3A_150 = tpu.memref_slice %arg6[%dma_wait3A_147, %dma_wait3A_148, %dma_wait3A_149] : memref<2x512x64xf32, #tpu.memory_space<vmem>> -> memref<1x512x64xf32, #tpu.memory_space<vmem>>
    %dma_wait3A_151 = tpu.memref_squeeze %dma_wait3A_150 : memref<1x512x64xf32, #tpu.memory_space<vmem>> -> memref<512x64xf32, #tpu.memory_space<vmem>>
    %dma_wait3A_152 = arith.constant 0 : i32
    %dma_wait3A_153 = arith.constant 0 : i32
    %dma_wait3A_154 = tpu.memref_slice %arg3[%dma_wait3A_152, %dma_wait3A_153] : memref<1000000x64xf32, #tpu.memory_space<hbm>> -> memref<512x64xf32, #tpu.memory_space<hbm>>
    %dma_wait3A_155 = arith.constant 0 : i32
    %dma_wait3A_156 = arith.constant 0 : i32
    %dma_wait3A_157 = tpu.memref_slice %arg6[%dma_wait3A_147, %dma_wait3A_155, %dma_wait3A_156] : memref<2x512x64xf32, #tpu.memory_space<vmem>> -> memref<1x512x64xf32, #tpu.memory_space<vmem>>
    %dma_wait3A_158 = tpu.memref_squeeze %dma_wait3A_157 : memref<1x512x64xf32, #tpu.memory_space<vmem>> -> memref<512x64xf32, #tpu.memory_space<vmem>>
    %dma_wait3A_159 = arith.constant 0 : i32
    %dma_wait3A_160 = arith.constant 0 : i32
    %dma_wait3A_161 = tpu.memref_slice %arg3[%dma_wait3A_159, %dma_wait3A_160] : memref<1000000x64xf32, #tpu.memory_space<hbm>> -> memref<512x64xf32, #tpu.memory_space<hbm>>
    tpu.wait_dma2 semaphore(%arg7 : memref<!tpu.dma_semaphore, #tpu.memory_space<semaphore_mem>>) src(%dma_wait3A_161 : memref<512x64xf32, #tpu.memory_space<hbm>>) dst(%dma_wait3A_158 : memref<512x64xf32, #tpu.memory_space<vmem>>)
    %dma_start3A_162 = arith.constant 0 : i32
    %dma_start3A_163 = arith.constant 2 : i32
    %dma_start3A_164 = arith.constant 0 : i32
    %dma_start3A_165 = arith.constant 0 : i32
    %dma_start3A_166 = tpu.memref_slice %arg6[%dma_start3A_162, %dma_start3A_164, %dma_start3A_165] : memref<2x512x64xf32, #tpu.memory_space<vmem>> -> memref<1x512x64xf32, #tpu.memory_space<vmem>>
    %dma_start3A_167 = tpu.memref_squeeze %dma_start3A_166 : memref<1x512x64xf32, #tpu.memory_space<vmem>> -> memref<512x64xf32, #tpu.memory_space<vmem>>
    %dma_start3A_168 = arith.constant 0 : i32
    %dma_start3A_169 = tpu.memref_slice %arg4[%dma_start3A_163, %mul3A_2, %dma_start3A_168] : memref<26x16384x64xf32, #tpu.memory_space<hbm>> -> memref<1x512x64xf32, #tpu.memory_space<hbm>>
    %dma_start3A_170 = tpu.memref_squeeze %dma_start3A_169 : memref<1x512x64xf32, #tpu.memory_space<hbm>> -> memref<512x64xf32, #tpu.memory_space<hbm>>
    %dma_start3A_171 = arith.constant 0 : i32
    %dma_start3A_172 = tpu.memref_slice %arg4[%dma_start3A_163, %mul3A_2, %dma_start3A_171] : memref<26x16384x64xf32, #tpu.memory_space<hbm>> -> memref<1x512x64xf32, #tpu.memory_space<hbm>>
    %dma_start3A_173 = tpu.memref_squeeze %dma_start3A_172 : memref<1x512x64xf32, #tpu.memory_space<hbm>> -> memref<512x64xf32, #tpu.memory_space<hbm>>
    %dma_start3A_174 = arith.constant 0 : i32
    %dma_start3A_175 = arith.constant 0 : i32
    %dma_start3A_176 = tpu.memref_slice %arg6[%dma_start3A_162, %dma_start3A_174, %dma_start3A_175] : memref<2x512x64xf32, #tpu.memory_space<vmem>> -> memref<1x512x64xf32, #tpu.memory_space<vmem>>
    %dma_start3A_177 = tpu.memref_squeeze %dma_start3A_176 : memref<1x512x64xf32, #tpu.memory_space<vmem>> -> memref<512x64xf32, #tpu.memory_space<vmem>>
    tpu.enqueue_dma source(%dma_start3A_177 : memref<512x64xf32, #tpu.memory_space<vmem>>) target(%dma_start3A_173 : memref<512x64xf32, #tpu.memory_space<hbm>>) target_semaphore(%arg9 : memref<!tpu.dma_semaphore, #tpu.memory_space<semaphore_mem>>)
    %dma_wait3A_178 = arith.constant 0 : i32
    %dma_wait3A_179 = arith.constant 0 : i32
    %dma_wait3A_180 = arith.constant 0 : i32
    %dma_wait3A_181 = arith.constant 0 : i32
    %dma_wait3A_182 = tpu.memref_slice %arg6[%dma_wait3A_178, %dma_wait3A_180, %dma_wait3A_181] : memref<2x512x64xf32, #tpu.memory_space<vmem>> -> memref<1x512x64xf32, #tpu.memory_space<vmem>>
    %dma_wait3A_183 = tpu.memref_squeeze %dma_wait3A_182 : memref<1x512x64xf32, #tpu.memory_space<vmem>> -> memref<512x64xf32, #tpu.memory_space<vmem>>
    %dma_wait3A_184 = arith.constant 0 : i32
    %dma_wait3A_185 = arith.constant 0 : i32
    %dma_wait3A_186 = tpu.memref_slice %arg4[%dma_wait3A_179, %dma_wait3A_184, %dma_wait3A_185] : memref<26x16384x64xf32, #tpu.memory_space<hbm>> -> memref<1x512x64xf32, #tpu.memory_space<hbm>>
    %dma_wait3A_187 = tpu.memref_squeeze %dma_wait3A_186 : memref<1x512x64xf32, #tpu.memory_space<hbm>> -> memref<512x64xf32, #tpu.memory_space<hbm>>
    %dma_wait3A_188 = arith.constant 0 : i32
    %dma_wait3A_189 = arith.constant 0 : i32
    %dma_wait3A_190 = tpu.memref_slice %arg4[%dma_wait3A_179, %dma_wait3A_188, %dma_wait3A_189] : memref<26x16384x64xf32, #tpu.memory_space<hbm>> -> memref<1x512x64xf32, #tpu.memory_space<hbm>>
    %dma_wait3A_191 = tpu.memref_squeeze %dma_wait3A_190 : memref<1x512x64xf32, #tpu.memory_space<hbm>> -> memref<512x64xf32, #tpu.memory_space<hbm>>
    %dma_wait3A_192 = arith.constant 0 : i32
    %dma_wait3A_193 = arith.constant 0 : i32
    %dma_wait3A_194 = tpu.memref_slice %arg6[%dma_wait3A_178, %dma_wait3A_192, %dma_wait3A_193] : memref<2x512x64xf32, #tpu.memory_space<vmem>> -> memref<1x512x64xf32, #tpu.memory_space<vmem>>
    %dma_wait3A_195 = tpu.memref_squeeze %dma_wait3A_194 : memref<1x512x64xf32, #tpu.memory_space<vmem>> -> memref<512x64xf32, #tpu.memory_space<vmem>>
    tpu.wait_dma2 semaphore(%arg9 : memref<!tpu.dma_semaphore, #tpu.memory_space<semaphore_mem>>) src(%dma_wait3A_195 : memref<512x64xf32, #tpu.memory_space<vmem>>) dst(%dma_wait3A_191 : memref<512x64xf32, #tpu.memory_space<hbm>>)
    %dma_start3A_196 = arith.constant 4 : i32
    %dma_start3A_197 = arith.constant 0 : i32
    %dma_start3A_198 = arith.constant 0 : i32
    %dma_start3A_199 = arith.constant 0 : i32
    %dma_start3A_200 = tpu.memref_slice %arg6[%dma_start3A_197, %dma_start3A_198, %dma_start3A_199] : memref<2x512x64xf32, #tpu.memory_space<vmem>> -> memref<1x512x64xf32, #tpu.memory_space<vmem>>
    %dma_start3A_201 = tpu.memref_squeeze %dma_start3A_200 : memref<1x512x64xf32, #tpu.memory_space<vmem>> -> memref<512x64xf32, #tpu.memory_space<vmem>>
    %dma_start3A_202 = arith.constant 0 : i32
    %dma_start3A_203 = tpu.memref_slice %arg5[%dma_start3A_196, %dma_start3A_202] : memref<26x512xi32, #tpu.memory_space<vmem>> -> memref<1x512xi32, #tpu.memory_space<vmem>>
    %dma_start3A_204 = tpu.memref_squeeze %dma_start3A_203 : memref<1x512xi32, #tpu.memory_space<vmem>> -> memref<512xi32, #tpu.memory_space<vmem>>
    %dma_start3A_205 = arith.constant 0 : i32
    %dma_start3A_206 = arith.constant 0 : i32
    %dma_start3A_207 = tpu.memref_slice %arg3[%dma_start3A_205, %dma_start3A_206] : memref<1000000x64xf32, #tpu.memory_space<hbm>> -> memref<1000000x64xf32, #tpu.memory_space<hbm>>
    tpu.enqueue_indirect_dma source(%dma_start3A_207 : memref<1000000x64xf32, #tpu.memory_space<hbm>>) target(%dma_start3A_201 : memref<512x64xf32, #tpu.memory_space<vmem>>) offsets(%dma_start3A_204 : memref<512xi32, #tpu.memory_space<vmem>>) semaphore(%arg7 : memref<!tpu.dma_semaphore, #tpu.memory_space<semaphore_mem>>)
    %dma_wait3A_208 = arith.constant 1 : i32
    %dma_wait3A_209 = arith.constant 0 : i32
    %dma_wait3A_210 = arith.constant 0 : i32
    %dma_wait3A_211 = tpu.memref_slice %arg6[%dma_wait3A_208, %dma_wait3A_209, %dma_wait3A_210] : memref<2x512x64xf32, #tpu.memory_space<vmem>> -> memref<1x512x64xf32, #tpu.memory_space<vmem>>
    %dma_wait3A_212 = tpu.memref_squeeze %dma_wait3A_211 : memref<1x512x64xf32, #tpu.memory_space<vmem>> -> memref<512x64xf32, #tpu.memory_space<vmem>>
    %dma_wait3A_213 = arith.constant 0 : i32
    %dma_wait3A_214 = arith.constant 0 : i32
    %dma_wait3A_215 = tpu.memref_slice %arg3[%dma_wait3A_213, %dma_wait3A_214] : memref<1000000x64xf32, #tpu.memory_space<hbm>> -> memref<512x64xf32, #tpu.memory_space<hbm>>
    %dma_wait3A_216 = arith.constant 0 : i32
    %dma_wait3A_217 = arith.constant 0 : i32
    %dma_wait3A_218 = tpu.memref_slice %arg6[%dma_wait3A_208, %dma_wait3A_216, %dma_wait3A_217] : memref<2x512x64xf32, #tpu.memory_space<vmem>> -> memref<1x512x64xf32, #tpu.memory_space<vmem>>
    %dma_wait3A_219 = tpu.memref_squeeze %dma_wait3A_218 : memref<1x512x64xf32, #tpu.memory_space<vmem>> -> memref<512x64xf32, #tpu.memory_space<vmem>>
    %dma_wait3A_220 = arith.constant 0 : i32
    %dma_wait3A_221 = arith.constant 0 : i32
    %dma_wait3A_222 = tpu.memref_slice %arg3[%dma_wait3A_220, %dma_wait3A_221] : memref<1000000x64xf32, #tpu.memory_space<hbm>> -> memref<512x64xf32, #tpu.memory_space<hbm>>
    tpu.wait_dma2 semaphore(%arg8 : memref<!tpu.dma_semaphore, #tpu.memory_space<semaphore_mem>>) src(%dma_wait3A_222 : memref<512x64xf32, #tpu.memory_space<hbm>>) dst(%dma_wait3A_219 : memref<512x64xf32, #tpu.memory_space<vmem>>)
    %dma_start3A_223 = arith.constant 1 : i32
    %dma_start3A_224 = arith.constant 3 : i32
    %dma_start3A_225 = arith.constant 0 : i32
    %dma_start3A_226 = arith.constant 0 : i32
    %dma_start3A_227 = tpu.memref_slice %arg6[%dma_start3A_223, %dma_start3A_225, %dma_start3A_226] : memref<2x512x64xf32, #tpu.memory_space<vmem>> -> memref<1x512x64xf32, #tpu.memory_space<vmem>>
    %dma_start3A_228 = tpu.memref_squeeze %dma_start3A_227 : memref<1x512x64xf32, #tpu.memory_space<vmem>> -> memref<512x64xf32, #tpu.memory_space<vmem>>
    %dma_start3A_229 = arith.constant 0 : i32
    %dma_start3A_230 = tpu.memref_slice %arg4[%dma_start3A_224, %mul3A_2, %dma_start3A_229] : memref<26x16384x64xf32, #tpu.memory_space<hbm>> -> memref<1x512x64xf32, #tpu.memory_space<hbm>>
    %dma_start3A_231 = tpu.memref_squeeze %dma_start3A_230 : memref<1x512x64xf32, #tpu.memory_space<hbm>> -> memref<512x64xf32, #tpu.memory_space<hbm>>
    %dma_start3A_232 = arith.constant 0 : i32
    %dma_start3A_233 = tpu.memref_slice %arg4[%dma_start3A_224, %mul3A_2, %dma_start3A_232] : memref<26x16384x64xf32, #tpu.memory_space<hbm>> -> memref<1x512x64xf32, #tpu.memory_space<hbm>>
    %dma_start3A_234 = tpu.memref_squeeze %dma_start3A_233 : memref<1x512x64xf32, #tpu.memory_space<hbm>> -> memref<512x64xf32, #tpu.memory_space<hbm>>
    %dma_start3A_235 = arith.constant 0 : i32
    %dma_start3A_236 = arith.constant 0 : i32
    %dma_start3A_237 = tpu.memref_slice %arg6[%dma_start3A_223, %dma_start3A_235, %dma_start3A_236] : memref<2x512x64xf32, #tpu.memory_space<vmem>> -> memref<1x512x64xf32, #tpu.memory_space<vmem>>
    %dma_start3A_238 = tpu.memref_squeeze %dma_start3A_237 : memref<1x512x64xf32, #tpu.memory_space<vmem>> -> memref<512x64xf32, #tpu.memory_space<vmem>>
    tpu.enqueue_dma source(%dma_start3A_238 : memref<512x64xf32, #tpu.memory_space<vmem>>) target(%dma_start3A_234 : memref<512x64xf32, #tpu.memory_space<hbm>>) target_semaphore(%arg10 : memref<!tpu.dma_semaphore, #tpu.memory_space<semaphore_mem>>)
    %dma_wait3A_239 = arith.constant 1 : i32
    %dma_wait3A_240 = arith.constant 0 : i32
    %dma_wait3A_241 = arith.constant 0 : i32
    %dma_wait3A_242 = arith.constant 0 : i32
    %dma_wait3A_243 = tpu.memref_slice %arg6[%dma_wait3A_239, %dma_wait3A_241, %dma_wait3A_242] : memref<2x512x64xf32, #tpu.memory_space<vmem>> -> memref<1x512x64xf32, #tpu.memory_space<vmem>>
    %dma_wait3A_244 = tpu.memref_squeeze %dma_wait3A_243 : memref<1x512x64xf32, #tpu.memory_space<vmem>> -> memref<512x64xf32, #tpu.memory_space<vmem>>
    %dma_wait3A_245 = arith.constant 0 : i32
    %dma_wait3A_246 = arith.constant 0 : i32
    %dma_wait3A_247 = tpu.memref_slice %arg4[%dma_wait3A_240, %dma_wait3A_245, %dma_wait3A_246] : memref<26x16384x64xf32, #tpu.memory_space<hbm>> -> memref<1x512x64xf32, #tpu.memory_space<hbm>>
    %dma_wait3A_248 = tpu.memref_squeeze %dma_wait3A_247 : memref<1x512x64xf32, #tpu.memory_space<hbm>> -> memref<512x64xf32, #tpu.memory_space<hbm>>
    %dma_wait3A_249 = arith.constant 0 : i32
    %dma_wait3A_250 = arith.constant 0 : i32
    %dma_wait3A_251 = tpu.memref_slice %arg4[%dma_wait3A_240, %dma_wait3A_249, %dma_wait3A_250] : memref<26x16384x64xf32, #tpu.memory_space<hbm>> -> memref<1x512x64xf32, #tpu.memory_space<hbm>>
    %dma_wait3A_252 = tpu.memref_squeeze %dma_wait3A_251 : memref<1x512x64xf32, #tpu.memory_space<hbm>> -> memref<512x64xf32, #tpu.memory_space<hbm>>
    %dma_wait3A_253 = arith.constant 0 : i32
    %dma_wait3A_254 = arith.constant 0 : i32
    %dma_wait3A_255 = tpu.memref_slice %arg6[%dma_wait3A_239, %dma_wait3A_253, %dma_wait3A_254] : memref<2x512x64xf32, #tpu.memory_space<vmem>> -> memref<1x512x64xf32, #tpu.memory_space<vmem>>
    %dma_wait3A_256 = tpu.memref_squeeze %dma_wait3A_255 : memref<1x512x64xf32, #tpu.memory_space<vmem>> -> memref<512x64xf32, #tpu.memory_space<vmem>>
    tpu.wait_dma2 semaphore(%arg10 : memref<!tpu.dma_semaphore, #tpu.memory_space<semaphore_mem>>) src(%dma_wait3A_256 : memref<512x64xf32, #tpu.memory_space<vmem>>) dst(%dma_wait3A_252 : memref<512x64xf32, #tpu.memory_space<hbm>>)
    %dma_start3A_257 = arith.constant 5 : i32
    %dma_start3A_258 = arith.constant 1 : i32
    %dma_start3A_259 = arith.constant 0 : i32
    %dma_start3A_260 = arith.constant 0 : i32
    %dma_start3A_261 = tpu.memref_slice %arg6[%dma_start3A_258, %dma_start3A_259, %dma_start3A_260] : memref<2x512x64xf32, #tpu.memory_space<vmem>> -> memref<1x512x64xf32, #tpu.memory_space<vmem>>
    %dma_start3A_262 = tpu.memref_squeeze %dma_start3A_261 : memref<1x512x64xf32, #tpu.memory_space<vmem>> -> memref<512x64xf32, #tpu.memory_space<vmem>>
    %dma_start3A_263 = arith.constant 0 : i32
    %dma_start3A_264 = tpu.memref_slice %arg5[%dma_start3A_257, %dma_start3A_263] : memref<26x512xi32, #tpu.memory_space<vmem>> -> memref<1x512xi32, #tpu.memory_space<vmem>>
    %dma_start3A_265 = tpu.memref_squeeze %dma_start3A_264 : memref<1x512xi32, #tpu.memory_space<vmem>> -> memref<512xi32, #tpu.memory_space<vmem>>
    %dma_start3A_266 = arith.constant 0 : i32
    %dma_start3A_267 = arith.constant 0 : i32
    %dma_start3A_268 = tpu.memref_slice %arg3[%dma_start3A_266, %dma_start3A_267] : memref<1000000x64xf32, #tpu.memory_space<hbm>> -> memref<1000000x64xf32, #tpu.memory_space<hbm>>
    tpu.enqueue_indirect_dma source(%dma_start3A_268 : memref<1000000x64xf32, #tpu.memory_space<hbm>>) target(%dma_start3A_262 : memref<512x64xf32, #tpu.memory_space<vmem>>) offsets(%dma_start3A_265 : memref<512xi32, #tpu.memory_space<vmem>>) semaphore(%arg8 : memref<!tpu.dma_semaphore, #tpu.memory_space<semaphore_mem>>)
    %dma_wait3A_269 = arith.constant 0 : i32
    %dma_wait3A_270 = arith.constant 0 : i32
    %dma_wait3A_271 = arith.constant 0 : i32
    %dma_wait3A_272 = tpu.memref_slice %arg6[%dma_wait3A_269, %dma_wait3A_270, %dma_wait3A_271] : memref<2x512x64xf32, #tpu.memory_space<vmem>> -> memref<1x512x64xf32, #tpu.memory_space<vmem>>
    %dma_wait3A_273 = tpu.memref_squeeze %dma_wait3A_272 : memref<1x512x64xf32, #tpu.memory_space<vmem>> -> memref<512x64xf32, #tpu.memory_space<vmem>>
    %dma_wait3A_274 = arith.constant 0 : i32
    %dma_wait3A_275 = arith.constant 0 : i32
    %dma_wait3A_276 = tpu.memref_slice %arg3[%dma_wait3A_274, %dma_wait3A_275] : memref<1000000x64xf32, #tpu.memory_space<hbm>> -> memref<512x64xf32, #tpu.memory_space<hbm>>
    %dma_wait3A_277 = arith.constant 0 : i32
    %dma_wait3A_278 = arith.constant 0 : i32
    %dma_wait3A_279 = tpu.memref_slice %arg6[%dma_wait3A_269, %dma_wait3A_277, %dma_wait3A_278] : memref<2x512x64xf32, #tpu.memory_space<vmem>> -> memref<1x512x64xf32, #tpu.memory_space<vmem>>
    %dma_wait3A_280 = tpu.memref_squeeze %dma_wait3A_279 : memref<1x512x64xf32, #tpu.memory_space<vmem>> -> memref<512x64xf32, #tpu.memory_space<vmem>>
    %dma_wait3A_281 = arith.constant 0 : i32
    %dma_wait3A_282 = arith.constant 0 : i32
    %dma_wait3A_283 = tpu.memref_slice %arg3[%dma_wait3A_281, %dma_wait3A_282] : memref<1000000x64xf32, #tpu.memory_space<hbm>> -> memref<512x64xf32, #tpu.memory_space<hbm>>
    tpu.wait_dma2 semaphore(%arg7 : memref<!tpu.dma_semaphore, #tpu.memory_space<semaphore_mem>>) src(%dma_wait3A_283 : memref<512x64xf32, #tpu.memory_space<hbm>>) dst(%dma_wait3A_280 : memref<512x64xf32, #tpu.memory_space<vmem>>)
    %dma_start3A_284 = arith.constant 0 : i32
    %dma_start3A_285 = arith.constant 4 : i32
    %dma_start3A_286 = arith.constant 0 : i32
    %dma_start3A_287 = arith.constant 0 : i32
    %dma_start3A_288 = tpu.memref_slice %arg6[%dma_start3A_284, %dma_start3A_286, %dma_start3A_287] : memref<2x512x64xf32, #tpu.memory_space<vmem>> -> memref<1x512x64xf32, #tpu.memory_space<vmem>>
    %dma_start3A_289 = tpu.memref_squeeze %dma_start3A_288 : memref<1x512x64xf32, #tpu.memory_space<vmem>> -> memref<512x64xf32, #tpu.memory_space<vmem>>
    %dma_start3A_290 = arith.constant 0 : i32
    %dma_start3A_291 = tpu.memref_slice %arg4[%dma_start3A_285, %mul3A_2, %dma_start3A_290] : memref<26x16384x64xf32, #tpu.memory_space<hbm>> -> memref<1x512x64xf32, #tpu.memory_space<hbm>>
    %dma_start3A_292 = tpu.memref_squeeze %dma_start3A_291 : memref<1x512x64xf32, #tpu.memory_space<hbm>> -> memref<512x64xf32, #tpu.memory_space<hbm>>
    %dma_start3A_293 = arith.constant 0 : i32
    %dma_start3A_294 = tpu.memref_slice %arg4[%dma_start3A_285, %mul3A_2, %dma_start3A_293] : memref<26x16384x64xf32, #tpu.memory_space<hbm>> -> memref<1x512x64xf32, #tpu.memory_space<hbm>>
    %dma_start3A_295 = tpu.memref_squeeze %dma_start3A_294 : memref<1x512x64xf32, #tpu.memory_space<hbm>> -> memref<512x64xf32, #tpu.memory_space<hbm>>
    %dma_start3A_296 = arith.constant 0 : i32
    %dma_start3A_297 = arith.constant 0 : i32
    %dma_start3A_298 = tpu.memref_slice %arg6[%dma_start3A_284, %dma_start3A_296, %dma_start3A_297] : memref<2x512x64xf32, #tpu.memory_space<vmem>> -> memref<1x512x64xf32, #tpu.memory_space<vmem>>
    %dma_start3A_299 = tpu.memref_squeeze %dma_start3A_298 : memref<1x512x64xf32, #tpu.memory_space<vmem>> -> memref<512x64xf32, #tpu.memory_space<vmem>>
    tpu.enqueue_dma source(%dma_start3A_299 : memref<512x64xf32, #tpu.memory_space<vmem>>) target(%dma_start3A_295 : memref<512x64xf32, #tpu.memory_space<hbm>>) target_semaphore(%arg9 : memref<!tpu.dma_semaphore, #tpu.memory_space<semaphore_mem>>)
    %dma_wait3A_300 = arith.constant 0 : i32
    %dma_wait3A_301 = arith.constant 0 : i32
    %dma_wait3A_302 = arith.constant 0 : i32
    %dma_wait3A_303 = arith.constant 0 : i32
    %dma_wait3A_304 = tpu.memref_slice %arg6[%dma_wait3A_300, %dma_wait3A_302, %dma_wait3A_303] : memref<2x512x64xf32, #tpu.memory_space<vmem>> -> memref<1x512x64xf32, #tpu.memory_space<vmem>>
    %dma_wait3A_305 = tpu.memref_squeeze %dma_wait3A_304 : memref<1x512x64xf32, #tpu.memory_space<vmem>> -> memref<512x64xf32, #tpu.memory_space<vmem>>
    %dma_wait3A_306 = arith.constant 0 : i32
    %dma_wait3A_307 = arith.constant 0 : i32
    %dma_wait3A_308 = tpu.memref_slice %arg4[%dma_wait3A_301, %dma_wait3A_306, %dma_wait3A_307] : memref<26x16384x64xf32, #tpu.memory_space<hbm>> -> memref<1x512x64xf32, #tpu.memory_space<hbm>>
    %dma_wait3A_309 = tpu.memref_squeeze %dma_wait3A_308 : memref<1x512x64xf32, #tpu.memory_space<hbm>> -> memref<512x64xf32, #tpu.memory_space<hbm>>
    %dma_wait3A_310 = arith.constant 0 : i32
    %dma_wait3A_311 = arith.constant 0 : i32
    %dma_wait3A_312 = tpu.memref_slice %arg4[%dma_wait3A_301, %dma_wait3A_310, %dma_wait3A_311] : memref<26x16384x64xf32, #tpu.memory_space<hbm>> -> memref<1x512x64xf32, #tpu.memory_space<hbm>>
    %dma_wait3A_313 = tpu.memref_squeeze %dma_wait3A_312 : memref<1x512x64xf32, #tpu.memory_space<hbm>> -> memref<512x64xf32, #tpu.memory_space<hbm>>
    %dma_wait3A_314 = arith.constant 0 : i32
    %dma_wait3A_315 = arith.constant 0 : i32
    %dma_wait3A_316 = tpu.memref_slice %arg6[%dma_wait3A_300, %dma_wait3A_314, %dma_wait3A_315] : memref<2x512x64xf32, #tpu.memory_space<vmem>> -> memref<1x512x64xf32, #tpu.memory_space<vmem>>
    %dma_wait3A_317 = tpu.memref_squeeze %dma_wait3A_316 : memref<1x512x64xf32, #tpu.memory_space<vmem>> -> memref<512x64xf32, #tpu.memory_space<vmem>>
    tpu.wait_dma2 semaphore(%arg9 : memref<!tpu.dma_semaphore, #tpu.memory_space<semaphore_mem>>) src(%dma_wait3A_317 : memref<512x64xf32, #tpu.memory_space<vmem>>) dst(%dma_wait3A_313 : memref<512x64xf32, #tpu.memory_space<hbm>>)
    %dma_start3A_318 = arith.constant 6 : i32
    %dma_start3A_319 = arith.constant 0 : i32
    %dma_start3A_320 = arith.constant 0 : i32
    %dma_start3A_321 = arith.constant 0 : i32
    %dma_start3A_322 = tpu.memref_slice %arg6[%dma_start3A_319, %dma_start3A_320, %dma_start3A_321] : memref<2x512x64xf32, #tpu.memory_space<vmem>> -> memref<1x512x64xf32, #tpu.memory_space<vmem>>
    %dma_start3A_323 = tpu.memref_squeeze %dma_start3A_322 : memref<1x512x64xf32, #tpu.memory_space<vmem>> -> memref<512x64xf32, #tpu.memory_space<vmem>>
    %dma_start3A_324 = arith.constant 0 : i32
    %dma_start3A_325 = tpu.memref_slice %arg5[%dma_start3A_318, %dma_start3A_324] : memref<26x512xi32, #tpu.memory_space<vmem>> -> memref<1x512xi32, #tpu.memory_space<vmem>>
    %dma_start3A_326 = tpu.memref_squeeze %dma_start3A_325 : memref<1x512xi32, #tpu.memory_space<vmem>> -> memref<512xi32, #tpu.memory_space<vmem>>
    %dma_start3A_327 = arith.constant 0 : i32
    %dma_start3A_328 = arith.constant 0 : i32
    %dma_start3A_329 = tpu.memref_slice %arg3[%dma_start3A_327, %dma_start3A_328] : memref<1000000x64xf32, #tpu.memory_space<hbm>> -> memref<1000000x64xf32, #tpu.memory_space<hbm>>
    tpu.enqueue_indirect_dma source(%dma_start3A_329 : memref<1000000x64xf32, #tpu.memory_space<hbm>>) target(%dma_start3A_323 : memref<512x64xf32, #tpu.memory_space<vmem>>) offsets(%dma_start3A_326 : memref<512xi32, #tpu.memory_space<vmem>>) semaphore(%arg7 : memref<!tpu.dma_semaphore, #tpu.memory_space<semaphore_mem>>)
    %dma_wait3A_330 = arith.constant 1 : i32
    %dma_wait3A_331 = arith.constant 0 : i32
    %dma_wait3A_332 = arith.constant 0 : i32
    %dma_wait3A_333 = tpu.memref_slice %arg6[%dma_wait3A_330, %dma_wait3A_331, %dma_wait3A_332] : memref<2x512x64xf32, #tpu.memory_space<vmem>> -> memref<1x512x64xf32, #tpu.memory_space<vmem>>
    %dma_wait3A_334 = tpu.memref_squeeze %dma_wait3A_333 : memref<1x512x64xf32, #tpu.memory_space<vmem>> -> memref<512x64xf32, #tpu.memory_space<vmem>>
    %dma_wait3A_335 = arith.constant 0 : i32
    %dma_wait3A_336 = arith.constant 0 : i32
    %dma_wait3A_337 = tpu.memref_slice %arg3[%dma_wait3A_335, %dma_wait3A_336] : memref<1000000x64xf32, #tpu.memory_space<hbm>> -> memref<512x64xf32, #tpu.memory_space<hbm>>
    %dma_wait3A_338 = arith.constant 0 : i32
    %dma_wait3A_339 = arith.constant 0 : i32
    %dma_wait3A_340 = tpu.memref_slice %arg6[%dma_wait3A_330, %dma_wait3A_338, %dma_wait3A_339] : memref<2x512x64xf32, #tpu.memory_space<vmem>> -> memref<1x512x64xf32, #tpu.memory_space<vmem>>
    %dma_wait3A_341 = tpu.memref_squeeze %dma_wait3A_340 : memref<1x512x64xf32, #tpu.memory_space<vmem>> -> memref<512x64xf32, #tpu.memory_space<vmem>>
    %dma_wait3A_342 = arith.constant 0 : i32
    %dma_wait3A_343 = arith.constant 0 : i32
    %dma_wait3A_344 = tpu.memref_slice %arg3[%dma_wait3A_342, %dma_wait3A_343] : memref<1000000x64xf32, #tpu.memory_space<hbm>> -> memref<512x64xf32, #tpu.memory_space<hbm>>
    tpu.wait_dma2 semaphore(%arg8 : memref<!tpu.dma_semaphore, #tpu.memory_space<semaphore_mem>>) src(%dma_wait3A_344 : memref<512x64xf32, #tpu.memory_space<hbm>>) dst(%dma_wait3A_341 : memref<512x64xf32, #tpu.memory_space<vmem>>)
    %dma_start3A_345 = arith.constant 1 : i32
    %dma_start3A_346 = arith.constant 5 : i32
    %dma_start3A_347 = arith.constant 0 : i32
    %dma_start3A_348 = arith.constant 0 : i32
    %dma_start3A_349 = tpu.memref_slice %arg6[%dma_start3A_345, %dma_start3A_347, %dma_start3A_348] : memref<2x512x64xf32, #tpu.memory_space<vmem>> -> memref<1x512x64xf32, #tpu.memory_space<vmem>>
    %dma_start3A_350 = tpu.memref_squeeze %dma_start3A_349 : memref<1x512x64xf32, #tpu.memory_space<vmem>> -> memref<512x64xf32, #tpu.memory_space<vmem>>
    %dma_start3A_351 = arith.constant 0 : i32
    %dma_start3A_352 = tpu.memref_slice %arg4[%dma_start3A_346, %mul3A_2, %dma_start3A_351] : memref<26x16384x64xf32, #tpu.memory_space<hbm>> -> memref<1x512x64xf32, #tpu.memory_space<hbm>>
    %dma_start3A_353 = tpu.memref_squeeze %dma_start3A_352 : memref<1x512x64xf32, #tpu.memory_space<hbm>> -> memref<512x64xf32, #tpu.memory_space<hbm>>
    %dma_start3A_354 = arith.constant 0 : i32
    %dma_start3A_355 = tpu.memref_slice %arg4[%dma_start3A_346, %mul3A_2, %dma_start3A_354] : memref<26x16384x64xf32, #tpu.memory_space<hbm>> -> memref<1x512x64xf32, #tpu.memory_space<hbm>>
    %dma_start3A_356 = tpu.memref_squeeze %dma_start3A_355 : memref<1x512x64xf32, #tpu.memory_space<hbm>> -> memref<512x64xf32, #tpu.memory_space<hbm>>
    %dma_start3A_357 = arith.constant 0 : i32
    %dma_start3A_358 = arith.constant 0 : i32
    %dma_start3A_359 = tpu.memref_slice %arg6[%dma_start3A_345, %dma_start3A_357, %dma_start3A_358] : memref<2x512x64xf32, #tpu.memory_space<vmem>> -> memref<1x512x64xf32, #tpu.memory_space<vmem>>
    %dma_start3A_360 = tpu.memref_squeeze %dma_start3A_359 : memref<1x512x64xf32, #tpu.memory_space<vmem>> -> memref<512x64xf32, #tpu.memory_space<vmem>>
    tpu.enqueue_dma source(%dma_start3A_360 : memref<512x64xf32, #tpu.memory_space<vmem>>) target(%dma_start3A_356 : memref<512x64xf32, #tpu.memory_space<hbm>>) target_semaphore(%arg10 : memref<!tpu.dma_semaphore, #tpu.memory_space<semaphore_mem>>)
    %dma_wait3A_361 = arith.constant 1 : i32
    %dma_wait3A_362 = arith.constant 0 : i32
    %dma_wait3A_363 = arith.constant 0 : i32
    %dma_wait3A_364 = arith.constant 0 : i32
    %dma_wait3A_365 = tpu.memref_slice %arg6[%dma_wait3A_361, %dma_wait3A_363, %dma_wait3A_364] : memref<2x512x64xf32, #tpu.memory_space<vmem>> -> memref<1x512x64xf32, #tpu.memory_space<vmem>>
    %dma_wait3A_366 = tpu.memref_squeeze %dma_wait3A_365 : memref<1x512x64xf32, #tpu.memory_space<vmem>> -> memref<512x64xf32, #tpu.memory_space<vmem>>
    %dma_wait3A_367 = arith.constant 0 : i32
    %dma_wait3A_368 = arith.constant 0 : i32
    %dma_wait3A_369 = tpu.memref_slice %arg4[%dma_wait3A_362, %dma_wait3A_367, %dma_wait3A_368] : memref<26x16384x64xf32, #tpu.memory_space<hbm>> -> memref<1x512x64xf32, #tpu.memory_space<hbm>>
    %dma_wait3A_370 = tpu.memref_squeeze %dma_wait3A_369 : memref<1x512x64xf32, #tpu.memory_space<hbm>> -> memref<512x64xf32, #tpu.memory_space<hbm>>
    %dma_wait3A_371 = arith.constant 0 : i32
    %dma_wait3A_372 = arith.constant 0 : i32
    %dma_wait3A_373 = tpu.memref_slice %arg4[%dma_wait3A_362, %dma_wait3A_371, %dma_wait3A_372] : memref<26x16384x64xf32, #tpu.memory_space<hbm>> -> memref<1x512x64xf32, #tpu.memory_space<hbm>>
    %dma_wait3A_374 = tpu.memref_squeeze %dma_wait3A_373 : memref<1x512x64xf32, #tpu.memory_space<hbm>> -> memref<512x64xf32, #tpu.memory_space<hbm>>
    %dma_wait3A_375 = arith.constant 0 : i32
    %dma_wait3A_376 = arith.constant 0 : i32
    %dma_wait3A_377 = tpu.memref_slice %arg6[%dma_wait3A_361, %dma_wait3A_375, %dma_wait3A_376] : memref<2x512x64xf32, #tpu.memory_space<vmem>> -> memref<1x512x64xf32, #tpu.memory_space<vmem>>
    %dma_wait3A_378 = tpu.memref_squeeze %dma_wait3A_377 : memref<1x512x64xf32, #tpu.memory_space<vmem>> -> memref<512x64xf32, #tpu.memory_space<vmem>>
    tpu.wait_dma2 semaphore(%arg10 : memref<!tpu.dma_semaphore, #tpu.memory_space<semaphore_mem>>) src(%dma_wait3A_378 : memref<512x64xf32, #tpu.memory_space<vmem>>) dst(%dma_wait3A_374 : memref<512x64xf32, #tpu.memory_space<hbm>>)
    %dma_start3A_379 = arith.constant 7 : i32
    %dma_start3A_380 = arith.constant 1 : i32
    %dma_start3A_381 = arith.constant 0 : i32
    %dma_start3A_382 = arith.constant 0 : i32
    %dma_start3A_383 = tpu.memref_slice %arg6[%dma_start3A_380, %dma_start3A_381, %dma_start3A_382] : memref<2x512x64xf32, #tpu.memory_space<vmem>> -> memref<1x512x64xf32, #tpu.memory_space<vmem>>
    %dma_start3A_384 = tpu.memref_squeeze %dma_start3A_383 : memref<1x512x64xf32, #tpu.memory_space<vmem>> -> memref<512x64xf32, #tpu.memory_space<vmem>>
    %dma_start3A_385 = arith.constant 0 : i32
    %dma_start3A_386 = tpu.memref_slice %arg5[%dma_start3A_379, %dma_start3A_385] : memref<26x512xi32, #tpu.memory_space<vmem>> -> memref<1x512xi32, #tpu.memory_space<vmem>>
    %dma_start3A_387 = tpu.memref_squeeze %dma_start3A_386 : memref<1x512xi32, #tpu.memory_space<vmem>> -> memref<512xi32, #tpu.memory_space<vmem>>
    %dma_start3A_388 = arith.constant 0 : i32
    %dma_start3A_389 = arith.constant 0 : i32
    %dma_start3A_390 = tpu.memref_slice %arg3[%dma_start3A_388, %dma_start3A_389] : memref<1000000x64xf32, #tpu.memory_space<hbm>> -> memref<1000000x64xf32, #tpu.memory_space<hbm>>
    tpu.enqueue_indirect_dma source(%dma_start3A_390 : memref<1000000x64xf32, #tpu.memory_space<hbm>>) target(%dma_start3A_384 : memref<512x64xf32, #tpu.memory_space<vmem>>) offsets(%dma_start3A_387 : memref<512xi32, #tpu.memory_space<vmem>>) semaphore(%arg8 : memref<!tpu.dma_semaphore, #tpu.memory_space<semaphore_mem>>)
    %dma_wait3A_391 = arith.constant 0 : i32
    %dma_wait3A_392 = arith.constant 0 : i32
    %dma_wait3A_393 = arith.constant 0 : i32
    %dma_wait3A_394 = tpu.memref_slice %arg6[%dma_wait3A_391, %dma_wait3A_392, %dma_wait3A_393] : memref<2x512x64xf32, #tpu.memory_space<vmem>> -> memref<1x512x64xf32, #tpu.memory_space<vmem>>
    %dma_wait3A_395 = tpu.memref_squeeze %dma_wait3A_394 : memref<1x512x64xf32, #tpu.memory_space<vmem>> -> memref<512x64xf32, #tpu.memory_space<vmem>>
    %dma_wait3A_396 = arith.constant 0 : i32
    %dma_wait3A_397 = arith.constant 0 : i32
    %dma_wait3A_398 = tpu.memref_slice %arg3[%dma_wait3A_396, %dma_wait3A_397] : memref<1000000x64xf32, #tpu.memory_space<hbm>> -> memref<512x64xf32, #tpu.memory_space<hbm>>
    %dma_wait3A_399 = arith.constant 0 : i32
    %dma_wait3A_400 = arith.constant 0 : i32
    %dma_wait3A_401 = tpu.memref_slice %arg6[%dma_wait3A_391, %dma_wait3A_399, %dma_wait3A_400] : memref<2x512x64xf32, #tpu.memory_space<vmem>> -> memref<1x512x64xf32, #tpu.memory_space<vmem>>
    %dma_wait3A_402 = tpu.memref_squeeze %dma_wait3A_401 : memref<1x512x64xf32, #tpu.memory_space<vmem>> -> memref<512x64xf32, #tpu.memory_space<vmem>>
    %dma_wait3A_403 = arith.constant 0 : i32
    %dma_wait3A_404 = arith.constant 0 : i32
    %dma_wait3A_405 = tpu.memref_slice %arg3[%dma_wait3A_403, %dma_wait3A_404] : memref<1000000x64xf32, #tpu.memory_space<hbm>> -> memref<512x64xf32, #tpu.memory_space<hbm>>
    tpu.wait_dma2 semaphore(%arg7 : memref<!tpu.dma_semaphore, #tpu.memory_space<semaphore_mem>>) src(%dma_wait3A_405 : memref<512x64xf32, #tpu.memory_space<hbm>>) dst(%dma_wait3A_402 : memref<512x64xf32, #tpu.memory_space<vmem>>)
    %dma_start3A_406 = arith.constant 0 : i32
    %dma_start3A_407 = arith.constant 6 : i32
    %dma_start3A_408 = arith.constant 0 : i32
    %dma_start3A_409 = arith.constant 0 : i32
    %dma_start3A_410 = tpu.memref_slice %arg6[%dma_start3A_406, %dma_start3A_408, %dma_start3A_409] : memref<2x512x64xf32, #tpu.memory_space<vmem>> -> memref<1x512x64xf32, #tpu.memory_space<vmem>>
    %dma_start3A_411 = tpu.memref_squeeze %dma_start3A_410 : memref<1x512x64xf32, #tpu.memory_space<vmem>> -> memref<512x64xf32, #tpu.memory_space<vmem>>
    %dma_start3A_412 = arith.constant 0 : i32
    %dma_start3A_413 = tpu.memref_slice %arg4[%dma_start3A_407, %mul3A_2, %dma_start3A_412] : memref<26x16384x64xf32, #tpu.memory_space<hbm>> -> memref<1x512x64xf32, #tpu.memory_space<hbm>>
    %dma_start3A_414 = tpu.memref_squeeze %dma_start3A_413 : memref<1x512x64xf32, #tpu.memory_space<hbm>> -> memref<512x64xf32, #tpu.memory_space<hbm>>
    %dma_start3A_415 = arith.constant 0 : i32
    %dma_start3A_416 = tpu.memref_slice %arg4[%dma_start3A_407, %mul3A_2, %dma_start3A_415] : memref<26x16384x64xf32, #tpu.memory_space<hbm>> -> memref<1x512x64xf32, #tpu.memory_space<hbm>>
    %dma_start3A_417 = tpu.memref_squeeze %dma_start3A_416 : memref<1x512x64xf32, #tpu.memory_space<hbm>> -> memref<512x64xf32, #tpu.memory_space<hbm>>
    %dma_start3A_418 = arith.constant 0 : i32
    %dma_start3A_419 = arith.constant 0 : i32
    %dma_start3A_420 = tpu.memref_slice %arg6[%dma_start3A_406, %dma_start3A_418, %dma_start3A_419] : memref<2x512x64xf32, #tpu.memory_space<vmem>> -> memref<1x512x64xf32, #tpu.memory_space<vmem>>
    %dma_start3A_421 = tpu.memref_squeeze %dma_start3A_420 : memref<1x512x64xf32, #tpu.memory_space<vmem>> -> memref<512x64xf32, #tpu.memory_space<vmem>>
    tpu.enqueue_dma source(%dma_start3A_421 : memref<512x64xf32, #tpu.memory_space<vmem>>) target(%dma_start3A_417 : memref<512x64xf32, #tpu.memory_space<hbm>>) target_semaphore(%arg9 : memref<!tpu.dma_semaphore, #tpu.memory_space<semaphore_mem>>)
    %dma_wait3A_422 = arith.constant 0 : i32
    %dma_wait3A_423 = arith.constant 0 : i32
    %dma_wait3A_424 = arith.constant 0 : i32
    %dma_wait3A_425 = arith.constant 0 : i32
    %dma_wait3A_426 = tpu.memref_slice %arg6[%dma_wait3A_422, %dma_wait3A_424, %dma_wait3A_425] : memref<2x512x64xf32, #tpu.memory_space<vmem>> -> memref<1x512x64xf32, #tpu.memory_space<vmem>>
    %dma_wait3A_427 = tpu.memref_squeeze %dma_wait3A_426 : memref<1x512x64xf32, #tpu.memory_space<vmem>> -> memref<512x64xf32, #tpu.memory_space<vmem>>
    %dma_wait3A_428 = arith.constant 0 : i32
    %dma_wait3A_429 = arith.constant 0 : i32
    %dma_wait3A_430 = tpu.memref_slice %arg4[%dma_wait3A_423, %dma_wait3A_428, %dma_wait3A_429] : memref<26x16384x64xf32, #tpu.memory_space<hbm>> -> memref<1x512x64xf32, #tpu.memory_space<hbm>>
    %dma_wait3A_431 = tpu.memref_squeeze %dma_wait3A_430 : memref<1x512x64xf32, #tpu.memory_space<hbm>> -> memref<512x64xf32, #tpu.memory_space<hbm>>
    %dma_wait3A_432 = arith.constant 0 : i32
    %dma_wait3A_433 = arith.constant 0 : i32
    %dma_wait3A_434 = tpu.memref_slice %arg4[%dma_wait3A_423, %dma_wait3A_432, %dma_wait3A_433] : memref<26x16384x64xf32, #tpu.memory_space<hbm>> -> memref<1x512x64xf32, #tpu.memory_space<hbm>>
    %dma_wait3A_435 = tpu.memref_squeeze %dma_wait3A_434 : memref<1x512x64xf32, #tpu.memory_space<hbm>> -> memref<512x64xf32, #tpu.memory_space<hbm>>
    %dma_wait3A_436 = arith.constant 0 : i32
    %dma_wait3A_437 = arith.constant 0 : i32
    %dma_wait3A_438 = tpu.memref_slice %arg6[%dma_wait3A_422, %dma_wait3A_436, %dma_wait3A_437] : memref<2x512x64xf32, #tpu.memory_space<vmem>> -> memref<1x512x64xf32, #tpu.memory_space<vmem>>
    %dma_wait3A_439 = tpu.memref_squeeze %dma_wait3A_438 : memref<1x512x64xf32, #tpu.memory_space<vmem>> -> memref<512x64xf32, #tpu.memory_space<vmem>>
    tpu.wait_dma2 semaphore(%arg9 : memref<!tpu.dma_semaphore, #tpu.memory_space<semaphore_mem>>) src(%dma_wait3A_439 : memref<512x64xf32, #tpu.memory_space<vmem>>) dst(%dma_wait3A_435 : memref<512x64xf32, #tpu.memory_space<hbm>>)
    %dma_start3A_440 = arith.constant 8 : i32
    %dma_start3A_441 = arith.constant 0 : i32
    %dma_start3A_442 = arith.constant 0 : i32
    %dma_start3A_443 = arith.constant 0 : i32
    %dma_start3A_444 = tpu.memref_slice %arg6[%dma_start3A_441, %dma_start3A_442, %dma_start3A_443] : memref<2x512x64xf32, #tpu.memory_space<vmem>> -> memref<1x512x64xf32, #tpu.memory_space<vmem>>
    %dma_start3A_445 = tpu.memref_squeeze %dma_start3A_444 : memref<1x512x64xf32, #tpu.memory_space<vmem>> -> memref<512x64xf32, #tpu.memory_space<vmem>>
    %dma_start3A_446 = arith.constant 0 : i32
    %dma_start3A_447 = tpu.memref_slice %arg5[%dma_start3A_440, %dma_start3A_446] : memref<26x512xi32, #tpu.memory_space<vmem>> -> memref<1x512xi32, #tpu.memory_space<vmem>>
    %dma_start3A_448 = tpu.memref_squeeze %dma_start3A_447 : memref<1x512xi32, #tpu.memory_space<vmem>> -> memref<512xi32, #tpu.memory_space<vmem>>
    %dma_start3A_449 = arith.constant 0 : i32
    %dma_start3A_450 = arith.constant 0 : i32
    %dma_start3A_451 = tpu.memref_slice %arg3[%dma_start3A_449, %dma_start3A_450] : memref<1000000x64xf32, #tpu.memory_space<hbm>> -> memref<1000000x64xf32, #tpu.memory_space<hbm>>
    tpu.enqueue_indirect_dma source(%dma_start3A_451 : memref<1000000x64xf32, #tpu.memory_space<hbm>>) target(%dma_start3A_445 : memref<512x64xf32, #tpu.memory_space<vmem>>) offsets(%dma_start3A_448 : memref<512xi32, #tpu.memory_space<vmem>>) semaphore(%arg7 : memref<!tpu.dma_semaphore, #tpu.memory_space<semaphore_mem>>)
    %dma_wait3A_452 = arith.constant 1 : i32
    %dma_wait3A_453 = arith.constant 0 : i32
    %dma_wait3A_454 = arith.constant 0 : i32
    %dma_wait3A_455 = tpu.memref_slice %arg6[%dma_wait3A_452, %dma_wait3A_453, %dma_wait3A_454] : memref<2x512x64xf32, #tpu.memory_space<vmem>> -> memref<1x512x64xf32, #tpu.memory_space<vmem>>
    %dma_wait3A_456 = tpu.memref_squeeze %dma_wait3A_455 : memref<1x512x64xf32, #tpu.memory_space<vmem>> -> memref<512x64xf32, #tpu.memory_space<vmem>>
    %dma_wait3A_457 = arith.constant 0 : i32
    %dma_wait3A_458 = arith.constant 0 : i32
    %dma_wait3A_459 = tpu.memref_slice %arg3[%dma_wait3A_457, %dma_wait3A_458] : memref<1000000x64xf32, #tpu.memory_space<hbm>> -> memref<512x64xf32, #tpu.memory_space<hbm>>
    %dma_wait3A_460 = arith.constant 0 : i32
    %dma_wait3A_461 = arith.constant 0 : i32
    %dma_wait3A_462 = tpu.memref_slice %arg6[%dma_wait3A_452, %dma_wait3A_460, %dma_wait3A_461] : memref<2x512x64xf32, #tpu.memory_space<vmem>> -> memref<1x512x64xf32, #tpu.memory_space<vmem>>
    %dma_wait3A_463 = tpu.memref_squeeze %dma_wait3A_462 : memref<1x512x64xf32, #tpu.memory_space<vmem>> -> memref<512x64xf32, #tpu.memory_space<vmem>>
    %dma_wait3A_464 = arith.constant 0 : i32
    %dma_wait3A_465 = arith.constant 0 : i32
    %dma_wait3A_466 = tpu.memref_slice %arg3[%dma_wait3A_464, %dma_wait3A_465] : memref<1000000x64xf32, #tpu.memory_space<hbm>> -> memref<512x64xf32, #tpu.memory_space<hbm>>
    tpu.wait_dma2 semaphore(%arg8 : memref<!tpu.dma_semaphore, #tpu.memory_space<semaphore_mem>>) src(%dma_wait3A_466 : memref<512x64xf32, #tpu.memory_space<hbm>>) dst(%dma_wait3A_463 : memref<512x64xf32, #tpu.memory_space<vmem>>)
    %dma_start3A_467 = arith.constant 1 : i32
    %dma_start3A_468 = arith.constant 7 : i32
    %dma_start3A_469 = arith.constant 0 : i32
    %dma_start3A_470 = arith.constant 0 : i32
    %dma_start3A_471 = tpu.memref_slice %arg6[%dma_start3A_467, %dma_start3A_469, %dma_start3A_470] : memref<2x512x64xf32, #tpu.memory_space<vmem>> -> memref<1x512x64xf32, #tpu.memory_space<vmem>>
    %dma_start3A_472 = tpu.memref_squeeze %dma_start3A_471 : memref<1x512x64xf32, #tpu.memory_space<vmem>> -> memref<512x64xf32, #tpu.memory_space<vmem>>
    %dma_start3A_473 = arith.constant 0 : i32
    %dma_start3A_474 = tpu.memref_slice %arg4[%dma_start3A_468, %mul3A_2, %dma_start3A_473] : memref<26x16384x64xf32, #tpu.memory_space<hbm>> -> memref<1x512x64xf32, #tpu.memory_space<hbm>>
    %dma_start3A_475 = tpu.memref_squeeze %dma_start3A_474 : memref<1x512x64xf32, #tpu.memory_space<hbm>> -> memref<512x64xf32, #tpu.memory_space<hbm>>
    %dma_start3A_476 = arith.constant 0 : i32
    %dma_start3A_477 = tpu.memref_slice %arg4[%dma_start3A_468, %mul3A_2, %dma_start3A_476] : memref<26x16384x64xf32, #tpu.memory_space<hbm>> -> memref<1x512x64xf32, #tpu.memory_space<hbm>>
    %dma_start3A_478 = tpu.memref_squeeze %dma_start3A_477 : memref<1x512x64xf32, #tpu.memory_space<hbm>> -> memref<512x64xf32, #tpu.memory_space<hbm>>
    %dma_start3A_479 = arith.constant 0 : i32
    %dma_start3A_480 = arith.constant 0 : i32
    %dma_start3A_481 = tpu.memref_slice %arg6[%dma_start3A_467, %dma_start3A_479, %dma_start3A_480] : memref<2x512x64xf32, #tpu.memory_space<vmem>> -> memref<1x512x64xf32, #tpu.memory_space<vmem>>
    %dma_start3A_482 = tpu.memref_squeeze %dma_start3A_481 : memref<1x512x64xf32, #tpu.memory_space<vmem>> -> memref<512x64xf32, #tpu.memory_space<vmem>>
    tpu.enqueue_dma source(%dma_start3A_482 : memref<512x64xf32, #tpu.memory_space<vmem>>) target(%dma_start3A_478 : memref<512x64xf32, #tpu.memory_space<hbm>>) target_semaphore(%arg10 : memref<!tpu.dma_semaphore, #tpu.memory_space<semaphore_mem>>)
    %dma_wait3A_483 = arith.constant 1 : i32
    %dma_wait3A_484 = arith.constant 0 : i32
    %dma_wait3A_485 = arith.constant 0 : i32
    %dma_wait3A_486 = arith.constant 0 : i32
    %dma_wait3A_487 = tpu.memref_slice %arg6[%dma_wait3A_483, %dma_wait3A_485, %dma_wait3A_486] : memref<2x512x64xf32, #tpu.memory_space<vmem>> -> memref<1x512x64xf32, #tpu.memory_space<vmem>>
    %dma_wait3A_488 = tpu.memref_squeeze %dma_wait3A_487 : memref<1x512x64xf32, #tpu.memory_space<vmem>> -> memref<512x64xf32, #tpu.memory_space<vmem>>
    %dma_wait3A_489 = arith.constant 0 : i32
    %dma_wait3A_490 = arith.constant 0 : i32
    %dma_wait3A_491 = tpu.memref_slice %arg4[%dma_wait3A_484, %dma_wait3A_489, %dma_wait3A_490] : memref<26x16384x64xf32, #tpu.memory_space<hbm>> -> memref<1x512x64xf32, #tpu.memory_space<hbm>>
    %dma_wait3A_492 = tpu.memref_squeeze %dma_wait3A_491 : memref<1x512x64xf32, #tpu.memory_space<hbm>> -> memref<512x64xf32, #tpu.memory_space<hbm>>
    %dma_wait3A_493 = arith.constant 0 : i32
    %dma_wait3A_494 = arith.constant 0 : i32
    %dma_wait3A_495 = tpu.memref_slice %arg4[%dma_wait3A_484, %dma_wait3A_493, %dma_wait3A_494] : memref<26x16384x64xf32, #tpu.memory_space<hbm>> -> memref<1x512x64xf32, #tpu.memory_space<hbm>>
    %dma_wait3A_496 = tpu.memref_squeeze %dma_wait3A_495 : memref<1x512x64xf32, #tpu.memory_space<hbm>> -> memref<512x64xf32, #tpu.memory_space<hbm>>
    %dma_wait3A_497 = arith.constant 0 : i32
    %dma_wait3A_498 = arith.constant 0 : i32
    %dma_wait3A_499 = tpu.memref_slice %arg6[%dma_wait3A_483, %dma_wait3A_497, %dma_wait3A_498] : memref<2x512x64xf32, #tpu.memory_space<vmem>> -> memref<1x512x64xf32, #tpu.memory_space<vmem>>
    %dma_wait3A_500 = tpu.memref_squeeze %dma_wait3A_499 : memref<1x512x64xf32, #tpu.memory_space<vmem>> -> memref<512x64xf32, #tpu.memory_space<vmem>>
    tpu.wait_dma2 semaphore(%arg10 : memref<!tpu.dma_semaphore, #tpu.memory_space<semaphore_mem>>) src(%dma_wait3A_500 : memref<512x64xf32, #tpu.memory_space<vmem>>) dst(%dma_wait3A_496 : memref<512x64xf32, #tpu.memory_space<hbm>>)
    %dma_start3A_501 = arith.constant 9 : i32
    %dma_start3A_502 = arith.constant 1 : i32
    %dma_start3A_503 = arith.constant 0 : i32
    %dma_start3A_504 = arith.constant 0 : i32
    %dma_start3A_505 = tpu.memref_slice %arg6[%dma_start3A_502, %dma_start3A_503, %dma_start3A_504] : memref<2x512x64xf32, #tpu.memory_space<vmem>> -> memref<1x512x64xf32, #tpu.memory_space<vmem>>
    %dma_start3A_506 = tpu.memref_squeeze %dma_start3A_505 : memref<1x512x64xf32, #tpu.memory_space<vmem>> -> memref<512x64xf32, #tpu.memory_space<vmem>>
    %dma_start3A_507 = arith.constant 0 : i32
    %dma_start3A_508 = tpu.memref_slice %arg5[%dma_start3A_501, %dma_start3A_507] : memref<26x512xi32, #tpu.memory_space<vmem>> -> memref<1x512xi32, #tpu.memory_space<vmem>>
    %dma_start3A_509 = tpu.memref_squeeze %dma_start3A_508 : memref<1x512xi32, #tpu.memory_space<vmem>> -> memref<512xi32, #tpu.memory_space<vmem>>
    %dma_start3A_510 = arith.constant 0 : i32
    %dma_start3A_511 = arith.constant 0 : i32
    %dma_start3A_512 = tpu.memref_slice %arg3[%dma_start3A_510, %dma_start3A_511] : memref<1000000x64xf32, #tpu.memory_space<hbm>> -> memref<1000000x64xf32, #tpu.memory_space<hbm>>
    tpu.enqueue_indirect_dma source(%dma_start3A_512 : memref<1000000x64xf32, #tpu.memory_space<hbm>>) target(%dma_start3A_506 : memref<512x64xf32, #tpu.memory_space<vmem>>) offsets(%dma_start3A_509 : memref<512xi32, #tpu.memory_space<vmem>>) semaphore(%arg8 : memref<!tpu.dma_semaphore, #tpu.memory_space<semaphore_mem>>)
    %dma_wait3A_513 = arith.constant 0 : i32
    %dma_wait3A_514 = arith.constant 0 : i32
    %dma_wait3A_515 = arith.constant 0 : i32
    %dma_wait3A_516 = tpu.memref_slice %arg6[%dma_wait3A_513, %dma_wait3A_514, %dma_wait3A_515] : memref<2x512x64xf32, #tpu.memory_space<vmem>> -> memref<1x512x64xf32, #tpu.memory_space<vmem>>
    %dma_wait3A_517 = tpu.memref_squeeze %dma_wait3A_516 : memref<1x512x64xf32, #tpu.memory_space<vmem>> -> memref<512x64xf32, #tpu.memory_space<vmem>>
    %dma_wait3A_518 = arith.constant 0 : i32
    %dma_wait3A_519 = arith.constant 0 : i32
    %dma_wait3A_520 = tpu.memref_slice %arg3[%dma_wait3A_518, %dma_wait3A_519] : memref<1000000x64xf32, #tpu.memory_space<hbm>> -> memref<512x64xf32, #tpu.memory_space<hbm>>
    %dma_wait3A_521 = arith.constant 0 : i32
    %dma_wait3A_522 = arith.constant 0 : i32
    %dma_wait3A_523 = tpu.memref_slice %arg6[%dma_wait3A_513, %dma_wait3A_521, %dma_wait3A_522] : memref<2x512x64xf32, #tpu.memory_space<vmem>> -> memref<1x512x64xf32, #tpu.memory_space<vmem>>
    %dma_wait3A_524 = tpu.memref_squeeze %dma_wait3A_523 : memref<1x512x64xf32, #tpu.memory_space<vmem>> -> memref<512x64xf32, #tpu.memory_space<vmem>>
    %dma_wait3A_525 = arith.constant 0 : i32
    %dma_wait3A_526 = arith.constant 0 : i32
    %dma_wait3A_527 = tpu.memref_slice %arg3[%dma_wait3A_525, %dma_wait3A_526] : memref<1000000x64xf32, #tpu.memory_space<hbm>> -> memref<512x64xf32, #tpu.memory_space<hbm>>
    tpu.wait_dma2 semaphore(%arg7 : memref<!tpu.dma_semaphore, #tpu.memory_space<semaphore_mem>>) src(%dma_wait3A_527 : memref<512x64xf32, #tpu.memory_space<hbm>>) dst(%dma_wait3A_524 : memref<512x64xf32, #tpu.memory_space<vmem>>)
    %dma_start3A_528 = arith.constant 0 : i32
    %dma_start3A_529 = arith.constant 8 : i32
    %dma_start3A_530 = arith.constant 0 : i32
    %dma_start3A_531 = arith.constant 0 : i32
    %dma_start3A_532 = tpu.memref_slice %arg6[%dma_start3A_528, %dma_start3A_530, %dma_start3A_531] : memref<2x512x64xf32, #tpu.memory_space<vmem>> -> memref<1x512x64xf32, #tpu.memory_space<vmem>>
    %dma_start3A_533 = tpu.memref_squeeze %dma_start3A_532 : memref<1x512x64xf32, #tpu.memory_space<vmem>> -> memref<512x64xf32, #tpu.memory_space<vmem>>
    %dma_start3A_534 = arith.constant 0 : i32
    %dma_start3A_535 = tpu.memref_slice %arg4[%dma_start3A_529, %mul3A_2, %dma_start3A_534] : memref<26x16384x64xf32, #tpu.memory_space<hbm>> -> memref<1x512x64xf32, #tpu.memory_space<hbm>>
    %dma_start3A_536 = tpu.memref_squeeze %dma_start3A_535 : memref<1x512x64xf32, #tpu.memory_space<hbm>> -> memref<512x64xf32, #tpu.memory_space<hbm>>
    %dma_start3A_537 = arith.constant 0 : i32
    %dma_start3A_538 = tpu.memref_slice %arg4[%dma_start3A_529, %mul3A_2, %dma_start3A_537] : memref<26x16384x64xf32, #tpu.memory_space<hbm>> -> memref<1x512x64xf32, #tpu.memory_space<hbm>>
    %dma_start3A_539 = tpu.memref_squeeze %dma_start3A_538 : memref<1x512x64xf32, #tpu.memory_space<hbm>> -> memref<512x64xf32, #tpu.memory_space<hbm>>
    %dma_start3A_540 = arith.constant 0 : i32
    %dma_start3A_541 = arith.constant 0 : i32
    %dma_start3A_542 = tpu.memref_slice %arg6[%dma_start3A_528, %dma_start3A_540, %dma_start3A_541] : memref<2x512x64xf32, #tpu.memory_space<vmem>> -> memref<1x512x64xf32, #tpu.memory_space<vmem>>
    %dma_start3A_543 = tpu.memref_squeeze %dma_start3A_542 : memref<1x512x64xf32, #tpu.memory_space<vmem>> -> memref<512x64xf32, #tpu.memory_space<vmem>>
    tpu.enqueue_dma source(%dma_start3A_543 : memref<512x64xf32, #tpu.memory_space<vmem>>) target(%dma_start3A_539 : memref<512x64xf32, #tpu.memory_space<hbm>>) target_semaphore(%arg9 : memref<!tpu.dma_semaphore, #tpu.memory_space<semaphore_mem>>)
    %dma_wait3A_544 = arith.constant 0 : i32
    %dma_wait3A_545 = arith.constant 0 : i32
    %dma_wait3A_546 = arith.constant 0 : i32
    %dma_wait3A_547 = arith.constant 0 : i32
    %dma_wait3A_548 = tpu.memref_slice %arg6[%dma_wait3A_544, %dma_wait3A_546, %dma_wait3A_547] : memref<2x512x64xf32, #tpu.memory_space<vmem>> -> memref<1x512x64xf32, #tpu.memory_space<vmem>>
    %dma_wait3A_549 = tpu.memref_squeeze %dma_wait3A_548 : memref<1x512x64xf32, #tpu.memory_space<vmem>> -> memref<512x64xf32, #tpu.memory_space<vmem>>
    %dma_wait3A_550 = arith.constant 0 : i32
    %dma_wait3A_551 = arith.constant 0 : i32
    %dma_wait3A_552 = tpu.memref_slice %arg4[%dma_wait3A_545, %dma_wait3A_550, %dma_wait3A_551] : memref<26x16384x64xf32, #tpu.memory_space<hbm>> -> memref<1x512x64xf32, #tpu.memory_space<hbm>>
    %dma_wait3A_553 = tpu.memref_squeeze %dma_wait3A_552 : memref<1x512x64xf32, #tpu.memory_space<hbm>> -> memref<512x64xf32, #tpu.memory_space<hbm>>
    %dma_wait3A_554 = arith.constant 0 : i32
    %dma_wait3A_555 = arith.constant 0 : i32
    %dma_wait3A_556 = tpu.memref_slice %arg4[%dma_wait3A_545, %dma_wait3A_554, %dma_wait3A_555] : memref<26x16384x64xf32, #tpu.memory_space<hbm>> -> memref<1x512x64xf32, #tpu.memory_space<hbm>>
    %dma_wait3A_557 = tpu.memref_squeeze %dma_wait3A_556 : memref<1x512x64xf32, #tpu.memory_space<hbm>> -> memref<512x64xf32, #tpu.memory_space<hbm>>
    %dma_wait3A_558 = arith.constant 0 : i32
    %dma_wait3A_559 = arith.constant 0 : i32
    %dma_wait3A_560 = tpu.memref_slice %arg6[%dma_wait3A_544, %dma_wait3A_558, %dma_wait3A_559] : memref<2x512x64xf32, #tpu.memory_space<vmem>> -> memref<1x512x64xf32, #tpu.memory_space<vmem>>
    %dma_wait3A_561 = tpu.memref_squeeze %dma_wait3A_560 : memref<1x512x64xf32, #tpu.memory_space<vmem>> -> memref<512x64xf32, #tpu.memory_space<vmem>>
    tpu.wait_dma2 semaphore(%arg9 : memref<!tpu.dma_semaphore, #tpu.memory_space<semaphore_mem>>) src(%dma_wait3A_561 : memref<512x64xf32, #tpu.memory_space<vmem>>) dst(%dma_wait3A_557 : memref<512x64xf32, #tpu.memory_space<hbm>>)
    %dma_start3A_562 = arith.constant 10 : i32
    %dma_start3A_563 = arith.constant 0 : i32
    %dma_start3A_564 = arith.constant 0 : i32
    %dma_start3A_565 = arith.constant 0 : i32
    %dma_start3A_566 = tpu.memref_slice %arg6[%dma_start3A_563, %dma_start3A_564, %dma_start3A_565] : memref<2x512x64xf32, #tpu.memory_space<vmem>> -> memref<1x512x64xf32, #tpu.memory_space<vmem>>
    %dma_start3A_567 = tpu.memref_squeeze %dma_start3A_566 : memref<1x512x64xf32, #tpu.memory_space<vmem>> -> memref<512x64xf32, #tpu.memory_space<vmem>>
    %dma_start3A_568 = arith.constant 0 : i32
    %dma_start3A_569 = tpu.memref_slice %arg5[%dma_start3A_562, %dma_start3A_568] : memref<26x512xi32, #tpu.memory_space<vmem>> -> memref<1x512xi32, #tpu.memory_space<vmem>>
    %dma_start3A_570 = tpu.memref_squeeze %dma_start3A_569 : memref<1x512xi32, #tpu.memory_space<vmem>> -> memref<512xi32, #tpu.memory_space<vmem>>
    %dma_start3A_571 = arith.constant 0 : i32
    %dma_start3A_572 = arith.constant 0 : i32
    %dma_start3A_573 = tpu.memref_slice %arg3[%dma_start3A_571, %dma_start3A_572] : memref<1000000x64xf32, #tpu.memory_space<hbm>> -> memref<1000000x64xf32, #tpu.memory_space<hbm>>
    tpu.enqueue_indirect_dma source(%dma_start3A_573 : memref<1000000x64xf32, #tpu.memory_space<hbm>>) target(%dma_start3A_567 : memref<512x64xf32, #tpu.memory_space<vmem>>) offsets(%dma_start3A_570 : memref<512xi32, #tpu.memory_space<vmem>>) semaphore(%arg7 : memref<!tpu.dma_semaphore, #tpu.memory_space<semaphore_mem>>)
    %dma_wait3A_574 = arith.constant 1 : i32
    %dma_wait3A_575 = arith.constant 0 : i32
    %dma_wait3A_576 = arith.constant 0 : i32
    %dma_wait3A_577 = tpu.memref_slice %arg6[%dma_wait3A_574, %dma_wait3A_575, %dma_wait3A_576] : memref<2x512x64xf32, #tpu.memory_space<vmem>> -> memref<1x512x64xf32, #tpu.memory_space<vmem>>
    %dma_wait3A_578 = tpu.memref_squeeze %dma_wait3A_577 : memref<1x512x64xf32, #tpu.memory_space<vmem>> -> memref<512x64xf32, #tpu.memory_space<vmem>>
    %dma_wait3A_579 = arith.constant 0 : i32
    %dma_wait3A_580 = arith.constant 0 : i32
    %dma_wait3A_581 = tpu.memref_slice %arg3[%dma_wait3A_579, %dma_wait3A_580] : memref<1000000x64xf32, #tpu.memory_space<hbm>> -> memref<512x64xf32, #tpu.memory_space<hbm>>
    %dma_wait3A_582 = arith.constant 0 : i32
    %dma_wait3A_583 = arith.constant 0 : i32
    %dma_wait3A_584 = tpu.memref_slice %arg6[%dma_wait3A_574, %dma_wait3A_582, %dma_wait3A_583] : memref<2x512x64xf32, #tpu.memory_space<vmem>> -> memref<1x512x64xf32, #tpu.memory_space<vmem>>
    %dma_wait3A_585 = tpu.memref_squeeze %dma_wait3A_584 : memref<1x512x64xf32, #tpu.memory_space<vmem>> -> memref<512x64xf32, #tpu.memory_space<vmem>>
    %dma_wait3A_586 = arith.constant 0 : i32
    %dma_wait3A_587 = arith.constant 0 : i32
    %dma_wait3A_588 = tpu.memref_slice %arg3[%dma_wait3A_586, %dma_wait3A_587] : memref<1000000x64xf32, #tpu.memory_space<hbm>> -> memref<512x64xf32, #tpu.memory_space<hbm>>
    tpu.wait_dma2 semaphore(%arg8 : memref<!tpu.dma_semaphore, #tpu.memory_space<semaphore_mem>>) src(%dma_wait3A_588 : memref<512x64xf32, #tpu.memory_space<hbm>>) dst(%dma_wait3A_585 : memref<512x64xf32, #tpu.memory_space<vmem>>)
    %dma_start3A_589 = arith.constant 1 : i32
    %dma_start3A_590 = arith.constant 9 : i32
    %dma_start3A_591 = arith.constant 0 : i32
    %dma_start3A_592 = arith.constant 0 : i32
    %dma_start3A_593 = tpu.memref_slice %arg6[%dma_start3A_589, %dma_start3A_591, %dma_start3A_592] : memref<2x512x64xf32, #tpu.memory_space<vmem>> -> memref<1x512x64xf32, #tpu.memory_space<vmem>>
    %dma_start3A_594 = tpu.memref_squeeze %dma_start3A_593 : memref<1x512x64xf32, #tpu.memory_space<vmem>> -> memref<512x64xf32, #tpu.memory_space<vmem>>
    %dma_start3A_595 = arith.constant 0 : i32
    %dma_start3A_596 = tpu.memref_slice %arg4[%dma_start3A_590, %mul3A_2, %dma_start3A_595] : memref<26x16384x64xf32, #tpu.memory_space<hbm>> -> memref<1x512x64xf32, #tpu.memory_space<hbm>>
    %dma_start3A_597 = tpu.memref_squeeze %dma_start3A_596 : memref<1x512x64xf32, #tpu.memory_space<hbm>> -> memref<512x64xf32, #tpu.memory_space<hbm>>
    %dma_start3A_598 = arith.constant 0 : i32
    %dma_start3A_599 = tpu.memref_slice %arg4[%dma_start3A_590, %mul3A_2, %dma_start3A_598] : memref<26x16384x64xf32, #tpu.memory_space<hbm>> -> memref<1x512x64xf32, #tpu.memory_space<hbm>>
    %dma_start3A_600 = tpu.memref_squeeze %dma_start3A_599 : memref<1x512x64xf32, #tpu.memory_space<hbm>> -> memref<512x64xf32, #tpu.memory_space<hbm>>
    %dma_start3A_601 = arith.constant 0 : i32
    %dma_start3A_602 = arith.constant 0 : i32
    %dma_start3A_603 = tpu.memref_slice %arg6[%dma_start3A_589, %dma_start3A_601, %dma_start3A_602] : memref<2x512x64xf32, #tpu.memory_space<vmem>> -> memref<1x512x64xf32, #tpu.memory_space<vmem>>
    %dma_start3A_604 = tpu.memref_squeeze %dma_start3A_603 : memref<1x512x64xf32, #tpu.memory_space<vmem>> -> memref<512x64xf32, #tpu.memory_space<vmem>>
    tpu.enqueue_dma source(%dma_start3A_604 : memref<512x64xf32, #tpu.memory_space<vmem>>) target(%dma_start3A_600 : memref<512x64xf32, #tpu.memory_space<hbm>>) target_semaphore(%arg10 : memref<!tpu.dma_semaphore, #tpu.memory_space<semaphore_mem>>)
    %dma_wait3A_605 = arith.constant 1 : i32
    %dma_wait3A_606 = arith.constant 0 : i32
    %dma_wait3A_607 = arith.constant 0 : i32
    %dma_wait3A_608 = arith.constant 0 : i32
    %dma_wait3A_609 = tpu.memref_slice %arg6[%dma_wait3A_605, %dma_wait3A_607, %dma_wait3A_608] : memref<2x512x64xf32, #tpu.memory_space<vmem>> -> memref<1x512x64xf32, #tpu.memory_space<vmem>>
    %dma_wait3A_610 = tpu.memref_squeeze %dma_wait3A_609 : memref<1x512x64xf32, #tpu.memory_space<vmem>> -> memref<512x64xf32, #tpu.memory_space<vmem>>
    %dma_wait3A_611 = arith.constant 0 : i32
    %dma_wait3A_612 = arith.constant 0 : i32
    %dma_wait3A_613 = tpu.memref_slice %arg4[%dma_wait3A_606, %dma_wait3A_611, %dma_wait3A_612] : memref<26x16384x64xf32, #tpu.memory_space<hbm>> -> memref<1x512x64xf32, #tpu.memory_space<hbm>>
    %dma_wait3A_614 = tpu.memref_squeeze %dma_wait3A_613 : memref<1x512x64xf32, #tpu.memory_space<hbm>> -> memref<512x64xf32, #tpu.memory_space<hbm>>
    %dma_wait3A_615 = arith.constant 0 : i32
    %dma_wait3A_616 = arith.constant 0 : i32
    %dma_wait3A_617 = tpu.memref_slice %arg4[%dma_wait3A_606, %dma_wait3A_615, %dma_wait3A_616] : memref<26x16384x64xf32, #tpu.memory_space<hbm>> -> memref<1x512x64xf32, #tpu.memory_space<hbm>>
    %dma_wait3A_618 = tpu.memref_squeeze %dma_wait3A_617 : memref<1x512x64xf32, #tpu.memory_space<hbm>> -> memref<512x64xf32, #tpu.memory_space<hbm>>
    %dma_wait3A_619 = arith.constant 0 : i32
    %dma_wait3A_620 = arith.constant 0 : i32
    %dma_wait3A_621 = tpu.memref_slice %arg6[%dma_wait3A_605, %dma_wait3A_619, %dma_wait3A_620] : memref<2x512x64xf32, #tpu.memory_space<vmem>> -> memref<1x512x64xf32, #tpu.memory_space<vmem>>
    %dma_wait3A_622 = tpu.memref_squeeze %dma_wait3A_621 : memref<1x512x64xf32, #tpu.memory_space<vmem>> -> memref<512x64xf32, #tpu.memory_space<vmem>>
    tpu.wait_dma2 semaphore(%arg10 : memref<!tpu.dma_semaphore, #tpu.memory_space<semaphore_mem>>) src(%dma_wait3A_622 : memref<512x64xf32, #tpu.memory_space<vmem>>) dst(%dma_wait3A_618 : memref<512x64xf32, #tpu.memory_space<hbm>>)
    %dma_start3A_623 = arith.constant 11 : i32
    %dma_start3A_624 = arith.constant 1 : i32
    %dma_start3A_625 = arith.constant 0 : i32
    %dma_start3A_626 = arith.constant 0 : i32
    %dma_start3A_627 = tpu.memref_slice %arg6[%dma_start3A_624, %dma_start3A_625, %dma_start3A_626] : memref<2x512x64xf32, #tpu.memory_space<vmem>> -> memref<1x512x64xf32, #tpu.memory_space<vmem>>
    %dma_start3A_628 = tpu.memref_squeeze %dma_start3A_627 : memref<1x512x64xf32, #tpu.memory_space<vmem>> -> memref<512x64xf32, #tpu.memory_space<vmem>>
    %dma_start3A_629 = arith.constant 0 : i32
    %dma_start3A_630 = tpu.memref_slice %arg5[%dma_start3A_623, %dma_start3A_629] : memref<26x512xi32, #tpu.memory_space<vmem>> -> memref<1x512xi32, #tpu.memory_space<vmem>>
    %dma_start3A_631 = tpu.memref_squeeze %dma_start3A_630 : memref<1x512xi32, #tpu.memory_space<vmem>> -> memref<512xi32, #tpu.memory_space<vmem>>
    %dma_start3A_632 = arith.constant 0 : i32
    %dma_start3A_633 = arith.constant 0 : i32
    %dma_start3A_634 = tpu.memref_slice %arg3[%dma_start3A_632, %dma_start3A_633] : memref<1000000x64xf32, #tpu.memory_space<hbm>> -> memref<1000000x64xf32, #tpu.memory_space<hbm>>
    tpu.enqueue_indirect_dma source(%dma_start3A_634 : memref<1000000x64xf32, #tpu.memory_space<hbm>>) target(%dma_start3A_628 : memref<512x64xf32, #tpu.memory_space<vmem>>) offsets(%dma_start3A_631 : memref<512xi32, #tpu.memory_space<vmem>>) semaphore(%arg8 : memref<!tpu.dma_semaphore, #tpu.memory_space<semaphore_mem>>)
    %dma_wait3A_635 = arith.constant 0 : i32
    %dma_wait3A_636 = arith.constant 0 : i32
    %dma_wait3A_637 = arith.constant 0 : i32
    %dma_wait3A_638 = tpu.memref_slice %arg6[%dma_wait3A_635, %dma_wait3A_636, %dma_wait3A_637] : memref<2x512x64xf32, #tpu.memory_space<vmem>> -> memref<1x512x64xf32, #tpu.memory_space<vmem>>
    %dma_wait3A_639 = tpu.memref_squeeze %dma_wait3A_638 : memref<1x512x64xf32, #tpu.memory_space<vmem>> -> memref<512x64xf32, #tpu.memory_space<vmem>>
    %dma_wait3A_640 = arith.constant 0 : i32
    %dma_wait3A_641 = arith.constant 0 : i32
    %dma_wait3A_642 = tpu.memref_slice %arg3[%dma_wait3A_640, %dma_wait3A_641] : memref<1000000x64xf32, #tpu.memory_space<hbm>> -> memref<512x64xf32, #tpu.memory_space<hbm>>
    %dma_wait3A_643 = arith.constant 0 : i32
    %dma_wait3A_644 = arith.constant 0 : i32
    %dma_wait3A_645 = tpu.memref_slice %arg6[%dma_wait3A_635, %dma_wait3A_643, %dma_wait3A_644] : memref<2x512x64xf32, #tpu.memory_space<vmem>> -> memref<1x512x64xf32, #tpu.memory_space<vmem>>
    %dma_wait3A_646 = tpu.memref_squeeze %dma_wait3A_645 : memref<1x512x64xf32, #tpu.memory_space<vmem>> -> memref<512x64xf32, #tpu.memory_space<vmem>>
    %dma_wait3A_647 = arith.constant 0 : i32
    %dma_wait3A_648 = arith.constant 0 : i32
    %dma_wait3A_649 = tpu.memref_slice %arg3[%dma_wait3A_647, %dma_wait3A_648] : memref<1000000x64xf32, #tpu.memory_space<hbm>> -> memref<512x64xf32, #tpu.memory_space<hbm>>
    tpu.wait_dma2 semaphore(%arg7 : memref<!tpu.dma_semaphore, #tpu.memory_space<semaphore_mem>>) src(%dma_wait3A_649 : memref<512x64xf32, #tpu.memory_space<hbm>>) dst(%dma_wait3A_646 : memref<512x64xf32, #tpu.memory_space<vmem>>)
    %dma_start3A_650 = arith.constant 0 : i32
    %dma_start3A_651 = arith.constant 10 : i32
    %dma_start3A_652 = arith.constant 0 : i32
    %dma_start3A_653 = arith.constant 0 : i32
    %dma_start3A_654 = tpu.memref_slice %arg6[%dma_start3A_650, %dma_start3A_652, %dma_start3A_653] : memref<2x512x64xf32, #tpu.memory_space<vmem>> -> memref<1x512x64xf32, #tpu.memory_space<vmem>>
    %dma_start3A_655 = tpu.memref_squeeze %dma_start3A_654 : memref<1x512x64xf32, #tpu.memory_space<vmem>> -> memref<512x64xf32, #tpu.memory_space<vmem>>
    %dma_start3A_656 = arith.constant 0 : i32
    %dma_start3A_657 = tpu.memref_slice %arg4[%dma_start3A_651, %mul3A_2, %dma_start3A_656] : memref<26x16384x64xf32, #tpu.memory_space<hbm>> -> memref<1x512x64xf32, #tpu.memory_space<hbm>>
    %dma_start3A_658 = tpu.memref_squeeze %dma_start3A_657 : memref<1x512x64xf32, #tpu.memory_space<hbm>> -> memref<512x64xf32, #tpu.memory_space<hbm>>
    %dma_start3A_659 = arith.constant 0 : i32
    %dma_start3A_660 = tpu.memref_slice %arg4[%dma_start3A_651, %mul3A_2, %dma_start3A_659] : memref<26x16384x64xf32, #tpu.memory_space<hbm>> -> memref<1x512x64xf32, #tpu.memory_space<hbm>>
    %dma_start3A_661 = tpu.memref_squeeze %dma_start3A_660 : memref<1x512x64xf32, #tpu.memory_space<hbm>> -> memref<512x64xf32, #tpu.memory_space<hbm>>
    %dma_start3A_662 = arith.constant 0 : i32
    %dma_start3A_663 = arith.constant 0 : i32
    %dma_start3A_664 = tpu.memref_slice %arg6[%dma_start3A_650, %dma_start3A_662, %dma_start3A_663] : memref<2x512x64xf32, #tpu.memory_space<vmem>> -> memref<1x512x64xf32, #tpu.memory_space<vmem>>
    %dma_start3A_665 = tpu.memref_squeeze %dma_start3A_664 : memref<1x512x64xf32, #tpu.memory_space<vmem>> -> memref<512x64xf32, #tpu.memory_space<vmem>>
    tpu.enqueue_dma source(%dma_start3A_665 : memref<512x64xf32, #tpu.memory_space<vmem>>) target(%dma_start3A_661 : memref<512x64xf32, #tpu.memory_space<hbm>>) target_semaphore(%arg9 : memref<!tpu.dma_semaphore, #tpu.memory_space<semaphore_mem>>)
    %dma_wait3A_666 = arith.constant 0 : i32
    %dma_wait3A_667 = arith.constant 0 : i32
    %dma_wait3A_668 = arith.constant 0 : i32
    %dma_wait3A_669 = arith.constant 0 : i32
    %dma_wait3A_670 = tpu.memref_slice %arg6[%dma_wait3A_666, %dma_wait3A_668, %dma_wait3A_669] : memref<2x512x64xf32, #tpu.memory_space<vmem>> -> memref<1x512x64xf32, #tpu.memory_space<vmem>>
    %dma_wait3A_671 = tpu.memref_squeeze %dma_wait3A_670 : memref<1x512x64xf32, #tpu.memory_space<vmem>> -> memref<512x64xf32, #tpu.memory_space<vmem>>
    %dma_wait3A_672 = arith.constant 0 : i32
    %dma_wait3A_673 = arith.constant 0 : i32
    %dma_wait3A_674 = tpu.memref_slice %arg4[%dma_wait3A_667, %dma_wait3A_672, %dma_wait3A_673] : memref<26x16384x64xf32, #tpu.memory_space<hbm>> -> memref<1x512x64xf32, #tpu.memory_space<hbm>>
    %dma_wait3A_675 = tpu.memref_squeeze %dma_wait3A_674 : memref<1x512x64xf32, #tpu.memory_space<hbm>> -> memref<512x64xf32, #tpu.memory_space<hbm>>
    %dma_wait3A_676 = arith.constant 0 : i32
    %dma_wait3A_677 = arith.constant 0 : i32
    %dma_wait3A_678 = tpu.memref_slice %arg4[%dma_wait3A_667, %dma_wait3A_676, %dma_wait3A_677] : memref<26x16384x64xf32, #tpu.memory_space<hbm>> -> memref<1x512x64xf32, #tpu.memory_space<hbm>>
    %dma_wait3A_679 = tpu.memref_squeeze %dma_wait3A_678 : memref<1x512x64xf32, #tpu.memory_space<hbm>> -> memref<512x64xf32, #tpu.memory_space<hbm>>
    %dma_wait3A_680 = arith.constant 0 : i32
    %dma_wait3A_681 = arith.constant 0 : i32
    %dma_wait3A_682 = tpu.memref_slice %arg6[%dma_wait3A_666, %dma_wait3A_680, %dma_wait3A_681] : memref<2x512x64xf32, #tpu.memory_space<vmem>> -> memref<1x512x64xf32, #tpu.memory_space<vmem>>
    %dma_wait3A_683 = tpu.memref_squeeze %dma_wait3A_682 : memref<1x512x64xf32, #tpu.memory_space<vmem>> -> memref<512x64xf32, #tpu.memory_space<vmem>>
    tpu.wait_dma2 semaphore(%arg9 : memref<!tpu.dma_semaphore, #tpu.memory_space<semaphore_mem>>) src(%dma_wait3A_683 : memref<512x64xf32, #tpu.memory_space<vmem>>) dst(%dma_wait3A_679 : memref<512x64xf32, #tpu.memory_space<hbm>>)
    %dma_start3A_684 = arith.constant 12 : i32
    %dma_start3A_685 = arith.constant 0 : i32
    %dma_start3A_686 = arith.constant 0 : i32
    %dma_start3A_687 = arith.constant 0 : i32
    %dma_start3A_688 = tpu.memref_slice %arg6[%dma_start3A_685, %dma_start3A_686, %dma_start3A_687] : memref<2x512x64xf32, #tpu.memory_space<vmem>> -> memref<1x512x64xf32, #tpu.memory_space<vmem>>
    %dma_start3A_689 = tpu.memref_squeeze %dma_start3A_688 : memref<1x512x64xf32, #tpu.memory_space<vmem>> -> memref<512x64xf32, #tpu.memory_space<vmem>>
    %dma_start3A_690 = arith.constant 0 : i32
    %dma_start3A_691 = tpu.memref_slice %arg5[%dma_start3A_684, %dma_start3A_690] : memref<26x512xi32, #tpu.memory_space<vmem>> -> memref<1x512xi32, #tpu.memory_space<vmem>>
    %dma_start3A_692 = tpu.memref_squeeze %dma_start3A_691 : memref<1x512xi32, #tpu.memory_space<vmem>> -> memref<512xi32, #tpu.memory_space<vmem>>
    %dma_start3A_693 = arith.constant 0 : i32
    %dma_start3A_694 = arith.constant 0 : i32
    %dma_start3A_695 = tpu.memref_slice %arg3[%dma_start3A_693, %dma_start3A_694] : memref<1000000x64xf32, #tpu.memory_space<hbm>> -> memref<1000000x64xf32, #tpu.memory_space<hbm>>
    tpu.enqueue_indirect_dma source(%dma_start3A_695 : memref<1000000x64xf32, #tpu.memory_space<hbm>>) target(%dma_start3A_689 : memref<512x64xf32, #tpu.memory_space<vmem>>) offsets(%dma_start3A_692 : memref<512xi32, #tpu.memory_space<vmem>>) semaphore(%arg7 : memref<!tpu.dma_semaphore, #tpu.memory_space<semaphore_mem>>)
    %dma_wait3A_696 = arith.constant 1 : i32
    %dma_wait3A_697 = arith.constant 0 : i32
    %dma_wait3A_698 = arith.constant 0 : i32
    %dma_wait3A_699 = tpu.memref_slice %arg6[%dma_wait3A_696, %dma_wait3A_697, %dma_wait3A_698] : memref<2x512x64xf32, #tpu.memory_space<vmem>> -> memref<1x512x64xf32, #tpu.memory_space<vmem>>
    %dma_wait3A_700 = tpu.memref_squeeze %dma_wait3A_699 : memref<1x512x64xf32, #tpu.memory_space<vmem>> -> memref<512x64xf32, #tpu.memory_space<vmem>>
    %dma_wait3A_701 = arith.constant 0 : i32
    %dma_wait3A_702 = arith.constant 0 : i32
    %dma_wait3A_703 = tpu.memref_slice %arg3[%dma_wait3A_701, %dma_wait3A_702] : memref<1000000x64xf32, #tpu.memory_space<hbm>> -> memref<512x64xf32, #tpu.memory_space<hbm>>
    %dma_wait3A_704 = arith.constant 0 : i32
    %dma_wait3A_705 = arith.constant 0 : i32
    %dma_wait3A_706 = tpu.memref_slice %arg6[%dma_wait3A_696, %dma_wait3A_704, %dma_wait3A_705] : memref<2x512x64xf32, #tpu.memory_space<vmem>> -> memref<1x512x64xf32, #tpu.memory_space<vmem>>
    %dma_wait3A_707 = tpu.memref_squeeze %dma_wait3A_706 : memref<1x512x64xf32, #tpu.memory_space<vmem>> -> memref<512x64xf32, #tpu.memory_space<vmem>>
    %dma_wait3A_708 = arith.constant 0 : i32
    %dma_wait3A_709 = arith.constant 0 : i32
    %dma_wait3A_710 = tpu.memref_slice %arg3[%dma_wait3A_708, %dma_wait3A_709] : memref<1000000x64xf32, #tpu.memory_space<hbm>> -> memref<512x64xf32, #tpu.memory_space<hbm>>
    tpu.wait_dma2 semaphore(%arg8 : memref<!tpu.dma_semaphore, #tpu.memory_space<semaphore_mem>>) src(%dma_wait3A_710 : memref<512x64xf32, #tpu.memory_space<hbm>>) dst(%dma_wait3A_707 : memref<512x64xf32, #tpu.memory_space<vmem>>)
    %dma_start3A_711 = arith.constant 1 : i32
    %dma_start3A_712 = arith.constant 11 : i32
    %dma_start3A_713 = arith.constant 0 : i32
    %dma_start3A_714 = arith.constant 0 : i32
    %dma_start3A_715 = tpu.memref_slice %arg6[%dma_start3A_711, %dma_start3A_713, %dma_start3A_714] : memref<2x512x64xf32, #tpu.memory_space<vmem>> -> memref<1x512x64xf32, #tpu.memory_space<vmem>>
    %dma_start3A_716 = tpu.memref_squeeze %dma_start3A_715 : memref<1x512x64xf32, #tpu.memory_space<vmem>> -> memref<512x64xf32, #tpu.memory_space<vmem>>
    %dma_start3A_717 = arith.constant 0 : i32
    %dma_start3A_718 = tpu.memref_slice %arg4[%dma_start3A_712, %mul3A_2, %dma_start3A_717] : memref<26x16384x64xf32, #tpu.memory_space<hbm>> -> memref<1x512x64xf32, #tpu.memory_space<hbm>>
    %dma_start3A_719 = tpu.memref_squeeze %dma_start3A_718 : memref<1x512x64xf32, #tpu.memory_space<hbm>> -> memref<512x64xf32, #tpu.memory_space<hbm>>
    %dma_start3A_720 = arith.constant 0 : i32
    %dma_start3A_721 = tpu.memref_slice %arg4[%dma_start3A_712, %mul3A_2, %dma_start3A_720] : memref<26x16384x64xf32, #tpu.memory_space<hbm>> -> memref<1x512x64xf32, #tpu.memory_space<hbm>>
    %dma_start3A_722 = tpu.memref_squeeze %dma_start3A_721 : memref<1x512x64xf32, #tpu.memory_space<hbm>> -> memref<512x64xf32, #tpu.memory_space<hbm>>
    %dma_start3A_723 = arith.constant 0 : i32
    %dma_start3A_724 = arith.constant 0 : i32
    %dma_start3A_725 = tpu.memref_slice %arg6[%dma_start3A_711, %dma_start3A_723, %dma_start3A_724] : memref<2x512x64xf32, #tpu.memory_space<vmem>> -> memref<1x512x64xf32, #tpu.memory_space<vmem>>
    %dma_start3A_726 = tpu.memref_squeeze %dma_start3A_725 : memref<1x512x64xf32, #tpu.memory_space<vmem>> -> memref<512x64xf32, #tpu.memory_space<vmem>>
    tpu.enqueue_dma source(%dma_start3A_726 : memref<512x64xf32, #tpu.memory_space<vmem>>) target(%dma_start3A_722 : memref<512x64xf32, #tpu.memory_space<hbm>>) target_semaphore(%arg10 : memref<!tpu.dma_semaphore, #tpu.memory_space<semaphore_mem>>)
    %dma_wait3A_727 = arith.constant 1 : i32
    %dma_wait3A_728 = arith.constant 0 : i32
    %dma_wait3A_729 = arith.constant 0 : i32
    %dma_wait3A_730 = arith.constant 0 : i32
    %dma_wait3A_731 = tpu.memref_slice %arg6[%dma_wait3A_727, %dma_wait3A_729, %dma_wait3A_730] : memref<2x512x64xf32, #tpu.memory_space<vmem>> -> memref<1x512x64xf32, #tpu.memory_space<vmem>>
    %dma_wait3A_732 = tpu.memref_squeeze %dma_wait3A_731 : memref<1x512x64xf32, #tpu.memory_space<vmem>> -> memref<512x64xf32, #tpu.memory_space<vmem>>
    %dma_wait3A_733 = arith.constant 0 : i32
    %dma_wait3A_734 = arith.constant 0 : i32
    %dma_wait3A_735 = tpu.memref_slice %arg4[%dma_wait3A_728, %dma_wait3A_733, %dma_wait3A_734] : memref<26x16384x64xf32, #tpu.memory_space<hbm>> -> memref<1x512x64xf32, #tpu.memory_space<hbm>>
    %dma_wait3A_736 = tpu.memref_squeeze %dma_wait3A_735 : memref<1x512x64xf32, #tpu.memory_space<hbm>> -> memref<512x64xf32, #tpu.memory_space<hbm>>
    %dma_wait3A_737 = arith.constant 0 : i32
    %dma_wait3A_738 = arith.constant 0 : i32
    %dma_wait3A_739 = tpu.memref_slice %arg4[%dma_wait3A_728, %dma_wait3A_737, %dma_wait3A_738] : memref<26x16384x64xf32, #tpu.memory_space<hbm>> -> memref<1x512x64xf32, #tpu.memory_space<hbm>>
    %dma_wait3A_740 = tpu.memref_squeeze %dma_wait3A_739 : memref<1x512x64xf32, #tpu.memory_space<hbm>> -> memref<512x64xf32, #tpu.memory_space<hbm>>
    %dma_wait3A_741 = arith.constant 0 : i32
    %dma_wait3A_742 = arith.constant 0 : i32
    %dma_wait3A_743 = tpu.memref_slice %arg6[%dma_wait3A_727, %dma_wait3A_741, %dma_wait3A_742] : memref<2x512x64xf32, #tpu.memory_space<vmem>> -> memref<1x512x64xf32, #tpu.memory_space<vmem>>
    %dma_wait3A_744 = tpu.memref_squeeze %dma_wait3A_743 : memref<1x512x64xf32, #tpu.memory_space<vmem>> -> memref<512x64xf32, #tpu.memory_space<vmem>>
    tpu.wait_dma2 semaphore(%arg10 : memref<!tpu.dma_semaphore, #tpu.memory_space<semaphore_mem>>) src(%dma_wait3A_744 : memref<512x64xf32, #tpu.memory_space<vmem>>) dst(%dma_wait3A_740 : memref<512x64xf32, #tpu.memory_space<hbm>>)
    %dma_start3A_745 = arith.constant 13 : i32
    %dma_start3A_746 = arith.constant 1 : i32
    %dma_start3A_747 = arith.constant 0 : i32
    %dma_start3A_748 = arith.constant 0 : i32
    %dma_start3A_749 = tpu.memref_slice %arg6[%dma_start3A_746, %dma_start3A_747, %dma_start3A_748] : memref<2x512x64xf32, #tpu.memory_space<vmem>> -> memref<1x512x64xf32, #tpu.memory_space<vmem>>
    %dma_start3A_750 = tpu.memref_squeeze %dma_start3A_749 : memref<1x512x64xf32, #tpu.memory_space<vmem>> -> memref<512x64xf32, #tpu.memory_space<vmem>>
    %dma_start3A_751 = arith.constant 0 : i32
    %dma_start3A_752 = tpu.memref_slice %arg5[%dma_start3A_745, %dma_start3A_751] : memref<26x512xi32, #tpu.memory_space<vmem>> -> memref<1x512xi32, #tpu.memory_space<vmem>>
    %dma_start3A_753 = tpu.memref_squeeze %dma_start3A_752 : memref<1x512xi32, #tpu.memory_space<vmem>> -> memref<512xi32, #tpu.memory_space<vmem>>
    %dma_start3A_754 = arith.constant 0 : i32
    %dma_start3A_755 = arith.constant 0 : i32
    %dma_start3A_756 = tpu.memref_slice %arg3[%dma_start3A_754, %dma_start3A_755] : memref<1000000x64xf32, #tpu.memory_space<hbm>> -> memref<1000000x64xf32, #tpu.memory_space<hbm>>
    tpu.enqueue_indirect_dma source(%dma_start3A_756 : memref<1000000x64xf32, #tpu.memory_space<hbm>>) target(%dma_start3A_750 : memref<512x64xf32, #tpu.memory_space<vmem>>) offsets(%dma_start3A_753 : memref<512xi32, #tpu.memory_space<vmem>>) semaphore(%arg8 : memref<!tpu.dma_semaphore, #tpu.memory_space<semaphore_mem>>)
    %dma_wait3A_757 = arith.constant 0 : i32
    %dma_wait3A_758 = arith.constant 0 : i32
    %dma_wait3A_759 = arith.constant 0 : i32
    %dma_wait3A_760 = tpu.memref_slice %arg6[%dma_wait3A_757, %dma_wait3A_758, %dma_wait3A_759] : memref<2x512x64xf32, #tpu.memory_space<vmem>> -> memref<1x512x64xf32, #tpu.memory_space<vmem>>
    %dma_wait3A_761 = tpu.memref_squeeze %dma_wait3A_760 : memref<1x512x64xf32, #tpu.memory_space<vmem>> -> memref<512x64xf32, #tpu.memory_space<vmem>>
    %dma_wait3A_762 = arith.constant 0 : i32
    %dma_wait3A_763 = arith.constant 0 : i32
    %dma_wait3A_764 = tpu.memref_slice %arg3[%dma_wait3A_762, %dma_wait3A_763] : memref<1000000x64xf32, #tpu.memory_space<hbm>> -> memref<512x64xf32, #tpu.memory_space<hbm>>
    %dma_wait3A_765 = arith.constant 0 : i32
    %dma_wait3A_766 = arith.constant 0 : i32
    %dma_wait3A_767 = tpu.memref_slice %arg6[%dma_wait3A_757, %dma_wait3A_765, %dma_wait3A_766] : memref<2x512x64xf32, #tpu.memory_space<vmem>> -> memref<1x512x64xf32, #tpu.memory_space<vmem>>
    %dma_wait3A_768 = tpu.memref_squeeze %dma_wait3A_767 : memref<1x512x64xf32, #tpu.memory_space<vmem>> -> memref<512x64xf32, #tpu.memory_space<vmem>>
    %dma_wait3A_769 = arith.constant 0 : i32
    %dma_wait3A_770 = arith.constant 0 : i32
    %dma_wait3A_771 = tpu.memref_slice %arg3[%dma_wait3A_769, %dma_wait3A_770] : memref<1000000x64xf32, #tpu.memory_space<hbm>> -> memref<512x64xf32, #tpu.memory_space<hbm>>
    tpu.wait_dma2 semaphore(%arg7 : memref<!tpu.dma_semaphore, #tpu.memory_space<semaphore_mem>>) src(%dma_wait3A_771 : memref<512x64xf32, #tpu.memory_space<hbm>>) dst(%dma_wait3A_768 : memref<512x64xf32, #tpu.memory_space<vmem>>)
    %dma_start3A_772 = arith.constant 0 : i32
    %dma_start3A_773 = arith.constant 12 : i32
    %dma_start3A_774 = arith.constant 0 : i32
    %dma_start3A_775 = arith.constant 0 : i32
    %dma_start3A_776 = tpu.memref_slice %arg6[%dma_start3A_772, %dma_start3A_774, %dma_start3A_775] : memref<2x512x64xf32, #tpu.memory_space<vmem>> -> memref<1x512x64xf32, #tpu.memory_space<vmem>>
    %dma_start3A_777 = tpu.memref_squeeze %dma_start3A_776 : memref<1x512x64xf32, #tpu.memory_space<vmem>> -> memref<512x64xf32, #tpu.memory_space<vmem>>
    %dma_start3A_778 = arith.constant 0 : i32
    %dma_start3A_779 = tpu.memref_slice %arg4[%dma_start3A_773, %mul3A_2, %dma_start3A_778] : memref<26x16384x64xf32, #tpu.memory_space<hbm>> -> memref<1x512x64xf32, #tpu.memory_space<hbm>>
    %dma_start3A_780 = tpu.memref_squeeze %dma_start3A_779 : memref<1x512x64xf32, #tpu.memory_space<hbm>> -> memref<512x64xf32, #tpu.memory_space<hbm>>
    %dma_start3A_781 = arith.constant 0 : i32
    %dma_start3A_782 = tpu.memref_slice %arg4[%dma_start3A_773, %mul3A_2, %dma_start3A_781] : memref<26x16384x64xf32, #tpu.memory_space<hbm>> -> memref<1x512x64xf32, #tpu.memory_space<hbm>>
    %dma_start3A_783 = tpu.memref_squeeze %dma_start3A_782 : memref<1x512x64xf32, #tpu.memory_space<hbm>> -> memref<512x64xf32, #tpu.memory_space<hbm>>
    %dma_start3A_784 = arith.constant 0 : i32
    %dma_start3A_785 = arith.constant 0 : i32
    %dma_start3A_786 = tpu.memref_slice %arg6[%dma_start3A_772, %dma_start3A_784, %dma_start3A_785] : memref<2x512x64xf32, #tpu.memory_space<vmem>> -> memref<1x512x64xf32, #tpu.memory_space<vmem>>
    %dma_start3A_787 = tpu.memref_squeeze %dma_start3A_786 : memref<1x512x64xf32, #tpu.memory_space<vmem>> -> memref<512x64xf32, #tpu.memory_space<vmem>>
    tpu.enqueue_dma source(%dma_start3A_787 : memref<512x64xf32, #tpu.memory_space<vmem>>) target(%dma_start3A_783 : memref<512x64xf32, #tpu.memory_space<hbm>>) target_semaphore(%arg9 : memref<!tpu.dma_semaphore, #tpu.memory_space<semaphore_mem>>)
    %dma_wait3A_788 = arith.constant 0 : i32
    %dma_wait3A_789 = arith.constant 0 : i32
    %dma_wait3A_790 = arith.constant 0 : i32
    %dma_wait3A_791 = arith.constant 0 : i32
    %dma_wait3A_792 = tpu.memref_slice %arg6[%dma_wait3A_788, %dma_wait3A_790, %dma_wait3A_791] : memref<2x512x64xf32, #tpu.memory_space<vmem>> -> memref<1x512x64xf32, #tpu.memory_space<vmem>>
    %dma_wait3A_793 = tpu.memref_squeeze %dma_wait3A_792 : memref<1x512x64xf32, #tpu.memory_space<vmem>> -> memref<512x64xf32, #tpu.memory_space<vmem>>
    %dma_wait3A_794 = arith.constant 0 : i32
    %dma_wait3A_795 = arith.constant 0 : i32
    %dma_wait3A_796 = tpu.memref_slice %arg4[%dma_wait3A_789, %dma_wait3A_794, %dma_wait3A_795] : memref<26x16384x64xf32, #tpu.memory_space<hbm>> -> memref<1x512x64xf32, #tpu.memory_space<hbm>>
    %dma_wait3A_797 = tpu.memref_squeeze %dma_wait3A_796 : memref<1x512x64xf32, #tpu.memory_space<hbm>> -> memref<512x64xf32, #tpu.memory_space<hbm>>
    %dma_wait3A_798 = arith.constant 0 : i32
    %dma_wait3A_799 = arith.constant 0 : i32
    %dma_wait3A_800 = tpu.memref_slice %arg4[%dma_wait3A_789, %dma_wait3A_798, %dma_wait3A_799] : memref<26x16384x64xf32, #tpu.memory_space<hbm>> -> memref<1x512x64xf32, #tpu.memory_space<hbm>>
    %dma_wait3A_801 = tpu.memref_squeeze %dma_wait3A_800 : memref<1x512x64xf32, #tpu.memory_space<hbm>> -> memref<512x64xf32, #tpu.memory_space<hbm>>
    %dma_wait3A_802 = arith.constant 0 : i32
    %dma_wait3A_803 = arith.constant 0 : i32
    %dma_wait3A_804 = tpu.memref_slice %arg6[%dma_wait3A_788, %dma_wait3A_802, %dma_wait3A_803] : memref<2x512x64xf32, #tpu.memory_space<vmem>> -> memref<1x512x64xf32, #tpu.memory_space<vmem>>
    %dma_wait3A_805 = tpu.memref_squeeze %dma_wait3A_804 : memref<1x512x64xf32, #tpu.memory_space<vmem>> -> memref<512x64xf32, #tpu.memory_space<vmem>>
    tpu.wait_dma2 semaphore(%arg9 : memref<!tpu.dma_semaphore, #tpu.memory_space<semaphore_mem>>) src(%dma_wait3A_805 : memref<512x64xf32, #tpu.memory_space<vmem>>) dst(%dma_wait3A_801 : memref<512x64xf32, #tpu.memory_space<hbm>>)
    %dma_start3A_806 = arith.constant 14 : i32
    %dma_start3A_807 = arith.constant 0 : i32
    %dma_start3A_808 = arith.constant 0 : i32
    %dma_start3A_809 = arith.constant 0 : i32
    %dma_start3A_810 = tpu.memref_slice %arg6[%dma_start3A_807, %dma_start3A_808, %dma_start3A_809] : memref<2x512x64xf32, #tpu.memory_space<vmem>> -> memref<1x512x64xf32, #tpu.memory_space<vmem>>
    %dma_start3A_811 = tpu.memref_squeeze %dma_start3A_810 : memref<1x512x64xf32, #tpu.memory_space<vmem>> -> memref<512x64xf32, #tpu.memory_space<vmem>>
    %dma_start3A_812 = arith.constant 0 : i32
    %dma_start3A_813 = tpu.memref_slice %arg5[%dma_start3A_806, %dma_start3A_812] : memref<26x512xi32, #tpu.memory_space<vmem>> -> memref<1x512xi32, #tpu.memory_space<vmem>>
    %dma_start3A_814 = tpu.memref_squeeze %dma_start3A_813 : memref<1x512xi32, #tpu.memory_space<vmem>> -> memref<512xi32, #tpu.memory_space<vmem>>
    %dma_start3A_815 = arith.constant 0 : i32
    %dma_start3A_816 = arith.constant 0 : i32
    %dma_start3A_817 = tpu.memref_slice %arg3[%dma_start3A_815, %dma_start3A_816] : memref<1000000x64xf32, #tpu.memory_space<hbm>> -> memref<1000000x64xf32, #tpu.memory_space<hbm>>
    tpu.enqueue_indirect_dma source(%dma_start3A_817 : memref<1000000x64xf32, #tpu.memory_space<hbm>>) target(%dma_start3A_811 : memref<512x64xf32, #tpu.memory_space<vmem>>) offsets(%dma_start3A_814 : memref<512xi32, #tpu.memory_space<vmem>>) semaphore(%arg7 : memref<!tpu.dma_semaphore, #tpu.memory_space<semaphore_mem>>)
    %dma_wait3A_818 = arith.constant 1 : i32
    %dma_wait3A_819 = arith.constant 0 : i32
    %dma_wait3A_820 = arith.constant 0 : i32
    %dma_wait3A_821 = tpu.memref_slice %arg6[%dma_wait3A_818, %dma_wait3A_819, %dma_wait3A_820] : memref<2x512x64xf32, #tpu.memory_space<vmem>> -> memref<1x512x64xf32, #tpu.memory_space<vmem>>
    %dma_wait3A_822 = tpu.memref_squeeze %dma_wait3A_821 : memref<1x512x64xf32, #tpu.memory_space<vmem>> -> memref<512x64xf32, #tpu.memory_space<vmem>>
    %dma_wait3A_823 = arith.constant 0 : i32
    %dma_wait3A_824 = arith.constant 0 : i32
    %dma_wait3A_825 = tpu.memref_slice %arg3[%dma_wait3A_823, %dma_wait3A_824] : memref<1000000x64xf32, #tpu.memory_space<hbm>> -> memref<512x64xf32, #tpu.memory_space<hbm>>
    %dma_wait3A_826 = arith.constant 0 : i32
    %dma_wait3A_827 = arith.constant 0 : i32
    %dma_wait3A_828 = tpu.memref_slice %arg6[%dma_wait3A_818, %dma_wait3A_826, %dma_wait3A_827] : memref<2x512x64xf32, #tpu.memory_space<vmem>> -> memref<1x512x64xf32, #tpu.memory_space<vmem>>
    %dma_wait3A_829 = tpu.memref_squeeze %dma_wait3A_828 : memref<1x512x64xf32, #tpu.memory_space<vmem>> -> memref<512x64xf32, #tpu.memory_space<vmem>>
    %dma_wait3A_830 = arith.constant 0 : i32
    %dma_wait3A_831 = arith.constant 0 : i32
    %dma_wait3A_832 = tpu.memref_slice %arg3[%dma_wait3A_830, %dma_wait3A_831] : memref<1000000x64xf32, #tpu.memory_space<hbm>> -> memref<512x64xf32, #tpu.memory_space<hbm>>
    tpu.wait_dma2 semaphore(%arg8 : memref<!tpu.dma_semaphore, #tpu.memory_space<semaphore_mem>>) src(%dma_wait3A_832 : memref<512x64xf32, #tpu.memory_space<hbm>>) dst(%dma_wait3A_829 : memref<512x64xf32, #tpu.memory_space<vmem>>)
    %dma_start3A_833 = arith.constant 1 : i32
    %dma_start3A_834 = arith.constant 13 : i32
    %dma_start3A_835 = arith.constant 0 : i32
    %dma_start3A_836 = arith.constant 0 : i32
    %dma_start3A_837 = tpu.memref_slice %arg6[%dma_start3A_833, %dma_start3A_835, %dma_start3A_836] : memref<2x512x64xf32, #tpu.memory_space<vmem>> -> memref<1x512x64xf32, #tpu.memory_space<vmem>>
    %dma_start3A_838 = tpu.memref_squeeze %dma_start3A_837 : memref<1x512x64xf32, #tpu.memory_space<vmem>> -> memref<512x64xf32, #tpu.memory_space<vmem>>
    %dma_start3A_839 = arith.constant 0 : i32
    %dma_start3A_840 = tpu.memref_slice %arg4[%dma_start3A_834, %mul3A_2, %dma_start3A_839] : memref<26x16384x64xf32, #tpu.memory_space<hbm>> -> memref<1x512x64xf32, #tpu.memory_space<hbm>>
    %dma_start3A_841 = tpu.memref_squeeze %dma_start3A_840 : memref<1x512x64xf32, #tpu.memory_space<hbm>> -> memref<512x64xf32, #tpu.memory_space<hbm>>
    %dma_start3A_842 = arith.constant 0 : i32
    %dma_start3A_843 = tpu.memref_slice %arg4[%dma_start3A_834, %mul3A_2, %dma_start3A_842] : memref<26x16384x64xf32, #tpu.memory_space<hbm>> -> memref<1x512x64xf32, #tpu.memory_space<hbm>>
    %dma_start3A_844 = tpu.memref_squeeze %dma_start3A_843 : memref<1x512x64xf32, #tpu.memory_space<hbm>> -> memref<512x64xf32, #tpu.memory_space<hbm>>
    %dma_start3A_845 = arith.constant 0 : i32
    %dma_start3A_846 = arith.constant 0 : i32
    %dma_start3A_847 = tpu.memref_slice %arg6[%dma_start3A_833, %dma_start3A_845, %dma_start3A_846] : memref<2x512x64xf32, #tpu.memory_space<vmem>> -> memref<1x512x64xf32, #tpu.memory_space<vmem>>
    %dma_start3A_848 = tpu.memref_squeeze %dma_start3A_847 : memref<1x512x64xf32, #tpu.memory_space<vmem>> -> memref<512x64xf32, #tpu.memory_space<vmem>>
    tpu.enqueue_dma source(%dma_start3A_848 : memref<512x64xf32, #tpu.memory_space<vmem>>) target(%dma_start3A_844 : memref<512x64xf32, #tpu.memory_space<hbm>>) target_semaphore(%arg10 : memref<!tpu.dma_semaphore, #tpu.memory_space<semaphore_mem>>)
    %dma_wait3A_849 = arith.constant 1 : i32
    %dma_wait3A_850 = arith.constant 0 : i32
    %dma_wait3A_851 = arith.constant 0 : i32
    %dma_wait3A_852 = arith.constant 0 : i32
    %dma_wait3A_853 = tpu.memref_slice %arg6[%dma_wait3A_849, %dma_wait3A_851, %dma_wait3A_852] : memref<2x512x64xf32, #tpu.memory_space<vmem>> -> memref<1x512x64xf32, #tpu.memory_space<vmem>>
    %dma_wait3A_854 = tpu.memref_squeeze %dma_wait3A_853 : memref<1x512x64xf32, #tpu.memory_space<vmem>> -> memref<512x64xf32, #tpu.memory_space<vmem>>
    %dma_wait3A_855 = arith.constant 0 : i32
    %dma_wait3A_856 = arith.constant 0 : i32
    %dma_wait3A_857 = tpu.memref_slice %arg4[%dma_wait3A_850, %dma_wait3A_855, %dma_wait3A_856] : memref<26x16384x64xf32, #tpu.memory_space<hbm>> -> memref<1x512x64xf32, #tpu.memory_space<hbm>>
    %dma_wait3A_858 = tpu.memref_squeeze %dma_wait3A_857 : memref<1x512x64xf32, #tpu.memory_space<hbm>> -> memref<512x64xf32, #tpu.memory_space<hbm>>
    %dma_wait3A_859 = arith.constant 0 : i32
    %dma_wait3A_860 = arith.constant 0 : i32
    %dma_wait3A_861 = tpu.memref_slice %arg4[%dma_wait3A_850, %dma_wait3A_859, %dma_wait3A_860] : memref<26x16384x64xf32, #tpu.memory_space<hbm>> -> memref<1x512x64xf32, #tpu.memory_space<hbm>>
    %dma_wait3A_862 = tpu.memref_squeeze %dma_wait3A_861 : memref<1x512x64xf32, #tpu.memory_space<hbm>> -> memref<512x64xf32, #tpu.memory_space<hbm>>
    %dma_wait3A_863 = arith.constant 0 : i32
    %dma_wait3A_864 = arith.constant 0 : i32
    %dma_wait3A_865 = tpu.memref_slice %arg6[%dma_wait3A_849, %dma_wait3A_863, %dma_wait3A_864] : memref<2x512x64xf32, #tpu.memory_space<vmem>> -> memref<1x512x64xf32, #tpu.memory_space<vmem>>
    %dma_wait3A_866 = tpu.memref_squeeze %dma_wait3A_865 : memref<1x512x64xf32, #tpu.memory_space<vmem>> -> memref<512x64xf32, #tpu.memory_space<vmem>>
    tpu.wait_dma2 semaphore(%arg10 : memref<!tpu.dma_semaphore, #tpu.memory_space<semaphore_mem>>) src(%dma_wait3A_866 : memref<512x64xf32, #tpu.memory_space<vmem>>) dst(%dma_wait3A_862 : memref<512x64xf32, #tpu.memory_space<hbm>>)
    %dma_start3A_867 = arith.constant 15 : i32
    %dma_start3A_868 = arith.constant 1 : i32
    %dma_start3A_869 = arith.constant 0 : i32
    %dma_start3A_870 = arith.constant 0 : i32
    %dma_start3A_871 = tpu.memref_slice %arg6[%dma_start3A_868, %dma_start3A_869, %dma_start3A_870] : memref<2x512x64xf32, #tpu.memory_space<vmem>> -> memref<1x512x64xf32, #tpu.memory_space<vmem>>
    %dma_start3A_872 = tpu.memref_squeeze %dma_start3A_871 : memref<1x512x64xf32, #tpu.memory_space<vmem>> -> memref<512x64xf32, #tpu.memory_space<vmem>>
    %dma_start3A_873 = arith.constant 0 : i32
    %dma_start3A_874 = tpu.memref_slice %arg5[%dma_start3A_867, %dma_start3A_873] : memref<26x512xi32, #tpu.memory_space<vmem>> -> memref<1x512xi32, #tpu.memory_space<vmem>>
    %dma_start3A_875 = tpu.memref_squeeze %dma_start3A_874 : memref<1x512xi32, #tpu.memory_space<vmem>> -> memref<512xi32, #tpu.memory_space<vmem>>
    %dma_start3A_876 = arith.constant 0 : i32
    %dma_start3A_877 = arith.constant 0 : i32
    %dma_start3A_878 = tpu.memref_slice %arg3[%dma_start3A_876, %dma_start3A_877] : memref<1000000x64xf32, #tpu.memory_space<hbm>> -> memref<1000000x64xf32, #tpu.memory_space<hbm>>
    tpu.enqueue_indirect_dma source(%dma_start3A_878 : memref<1000000x64xf32, #tpu.memory_space<hbm>>) target(%dma_start3A_872 : memref<512x64xf32, #tpu.memory_space<vmem>>) offsets(%dma_start3A_875 : memref<512xi32, #tpu.memory_space<vmem>>) semaphore(%arg8 : memref<!tpu.dma_semaphore, #tpu.memory_space<semaphore_mem>>)
    %dma_wait3A_879 = arith.constant 0 : i32
    %dma_wait3A_880 = arith.constant 0 : i32
    %dma_wait3A_881 = arith.constant 0 : i32
    %dma_wait3A_882 = tpu.memref_slice %arg6[%dma_wait3A_879, %dma_wait3A_880, %dma_wait3A_881] : memref<2x512x64xf32, #tpu.memory_space<vmem>> -> memref<1x512x64xf32, #tpu.memory_space<vmem>>
    %dma_wait3A_883 = tpu.memref_squeeze %dma_wait3A_882 : memref<1x512x64xf32, #tpu.memory_space<vmem>> -> memref<512x64xf32, #tpu.memory_space<vmem>>
    %dma_wait3A_884 = arith.constant 0 : i32
    %dma_wait3A_885 = arith.constant 0 : i32
    %dma_wait3A_886 = tpu.memref_slice %arg3[%dma_wait3A_884, %dma_wait3A_885] : memref<1000000x64xf32, #tpu.memory_space<hbm>> -> memref<512x64xf32, #tpu.memory_space<hbm>>
    %dma_wait3A_887 = arith.constant 0 : i32
    %dma_wait3A_888 = arith.constant 0 : i32
    %dma_wait3A_889 = tpu.memref_slice %arg6[%dma_wait3A_879, %dma_wait3A_887, %dma_wait3A_888] : memref<2x512x64xf32, #tpu.memory_space<vmem>> -> memref<1x512x64xf32, #tpu.memory_space<vmem>>
    %dma_wait3A_890 = tpu.memref_squeeze %dma_wait3A_889 : memref<1x512x64xf32, #tpu.memory_space<vmem>> -> memref<512x64xf32, #tpu.memory_space<vmem>>
    %dma_wait3A_891 = arith.constant 0 : i32
    %dma_wait3A_892 = arith.constant 0 : i32
    %dma_wait3A_893 = tpu.memref_slice %arg3[%dma_wait3A_891, %dma_wait3A_892] : memref<1000000x64xf32, #tpu.memory_space<hbm>> -> memref<512x64xf32, #tpu.memory_space<hbm>>
    tpu.wait_dma2 semaphore(%arg7 : memref<!tpu.dma_semaphore, #tpu.memory_space<semaphore_mem>>) src(%dma_wait3A_893 : memref<512x64xf32, #tpu.memory_space<hbm>>) dst(%dma_wait3A_890 : memref<512x64xf32, #tpu.memory_space<vmem>>)
    %dma_start3A_894 = arith.constant 0 : i32
    %dma_start3A_895 = arith.constant 14 : i32
    %dma_start3A_896 = arith.constant 0 : i32
    %dma_start3A_897 = arith.constant 0 : i32
    %dma_start3A_898 = tpu.memref_slice %arg6[%dma_start3A_894, %dma_start3A_896, %dma_start3A_897] : memref<2x512x64xf32, #tpu.memory_space<vmem>> -> memref<1x512x64xf32, #tpu.memory_space<vmem>>
    %dma_start3A_899 = tpu.memref_squeeze %dma_start3A_898 : memref<1x512x64xf32, #tpu.memory_space<vmem>> -> memref<512x64xf32, #tpu.memory_space<vmem>>
    %dma_start3A_900 = arith.constant 0 : i32
    %dma_start3A_901 = tpu.memref_slice %arg4[%dma_start3A_895, %mul3A_2, %dma_start3A_900] : memref<26x16384x64xf32, #tpu.memory_space<hbm>> -> memref<1x512x64xf32, #tpu.memory_space<hbm>>
    %dma_start3A_902 = tpu.memref_squeeze %dma_start3A_901 : memref<1x512x64xf32, #tpu.memory_space<hbm>> -> memref<512x64xf32, #tpu.memory_space<hbm>>
    %dma_start3A_903 = arith.constant 0 : i32
    %dma_start3A_904 = tpu.memref_slice %arg4[%dma_start3A_895, %mul3A_2, %dma_start3A_903] : memref<26x16384x64xf32, #tpu.memory_space<hbm>> -> memref<1x512x64xf32, #tpu.memory_space<hbm>>
    %dma_start3A_905 = tpu.memref_squeeze %dma_start3A_904 : memref<1x512x64xf32, #tpu.memory_space<hbm>> -> memref<512x64xf32, #tpu.memory_space<hbm>>
    %dma_start3A_906 = arith.constant 0 : i32
    %dma_start3A_907 = arith.constant 0 : i32
    %dma_start3A_908 = tpu.memref_slice %arg6[%dma_start3A_894, %dma_start3A_906, %dma_start3A_907] : memref<2x512x64xf32, #tpu.memory_space<vmem>> -> memref<1x512x64xf32, #tpu.memory_space<vmem>>
    %dma_start3A_909 = tpu.memref_squeeze %dma_start3A_908 : memref<1x512x64xf32, #tpu.memory_space<vmem>> -> memref<512x64xf32, #tpu.memory_space<vmem>>
    tpu.enqueue_dma source(%dma_start3A_909 : memref<512x64xf32, #tpu.memory_space<vmem>>) target(%dma_start3A_905 : memref<512x64xf32, #tpu.memory_space<hbm>>) target_semaphore(%arg9 : memref<!tpu.dma_semaphore, #tpu.memory_space<semaphore_mem>>)
    %dma_wait3A_910 = arith.constant 0 : i32
    %dma_wait3A_911 = arith.constant 0 : i32
    %dma_wait3A_912 = arith.constant 0 : i32
    %dma_wait3A_913 = arith.constant 0 : i32
    %dma_wait3A_914 = tpu.memref_slice %arg6[%dma_wait3A_910, %dma_wait3A_912, %dma_wait3A_913] : memref<2x512x64xf32, #tpu.memory_space<vmem>> -> memref<1x512x64xf32, #tpu.memory_space<vmem>>
    %dma_wait3A_915 = tpu.memref_squeeze %dma_wait3A_914 : memref<1x512x64xf32, #tpu.memory_space<vmem>> -> memref<512x64xf32, #tpu.memory_space<vmem>>
    %dma_wait3A_916 = arith.constant 0 : i32
    %dma_wait3A_917 = arith.constant 0 : i32
    %dma_wait3A_918 = tpu.memref_slice %arg4[%dma_wait3A_911, %dma_wait3A_916, %dma_wait3A_917] : memref<26x16384x64xf32, #tpu.memory_space<hbm>> -> memref<1x512x64xf32, #tpu.memory_space<hbm>>
    %dma_wait3A_919 = tpu.memref_squeeze %dma_wait3A_918 : memref<1x512x64xf32, #tpu.memory_space<hbm>> -> memref<512x64xf32, #tpu.memory_space<hbm>>
    %dma_wait3A_920 = arith.constant 0 : i32
    %dma_wait3A_921 = arith.constant 0 : i32
    %dma_wait3A_922 = tpu.memref_slice %arg4[%dma_wait3A_911, %dma_wait3A_920, %dma_wait3A_921] : memref<26x16384x64xf32, #tpu.memory_space<hbm>> -> memref<1x512x64xf32, #tpu.memory_space<hbm>>
    %dma_wait3A_923 = tpu.memref_squeeze %dma_wait3A_922 : memref<1x512x64xf32, #tpu.memory_space<hbm>> -> memref<512x64xf32, #tpu.memory_space<hbm>>
    %dma_wait3A_924 = arith.constant 0 : i32
    %dma_wait3A_925 = arith.constant 0 : i32
    %dma_wait3A_926 = tpu.memref_slice %arg6[%dma_wait3A_910, %dma_wait3A_924, %dma_wait3A_925] : memref<2x512x64xf32, #tpu.memory_space<vmem>> -> memref<1x512x64xf32, #tpu.memory_space<vmem>>
    %dma_wait3A_927 = tpu.memref_squeeze %dma_wait3A_926 : memref<1x512x64xf32, #tpu.memory_space<vmem>> -> memref<512x64xf32, #tpu.memory_space<vmem>>
    tpu.wait_dma2 semaphore(%arg9 : memref<!tpu.dma_semaphore, #tpu.memory_space<semaphore_mem>>) src(%dma_wait3A_927 : memref<512x64xf32, #tpu.memory_space<vmem>>) dst(%dma_wait3A_923 : memref<512x64xf32, #tpu.memory_space<hbm>>)
    %dma_start3A_928 = arith.constant 16 : i32
    %dma_start3A_929 = arith.constant 0 : i32
    %dma_start3A_930 = arith.constant 0 : i32
    %dma_start3A_931 = arith.constant 0 : i32
    %dma_start3A_932 = tpu.memref_slice %arg6[%dma_start3A_929, %dma_start3A_930, %dma_start3A_931] : memref<2x512x64xf32, #tpu.memory_space<vmem>> -> memref<1x512x64xf32, #tpu.memory_space<vmem>>
    %dma_start3A_933 = tpu.memref_squeeze %dma_start3A_932 : memref<1x512x64xf32, #tpu.memory_space<vmem>> -> memref<512x64xf32, #tpu.memory_space<vmem>>
    %dma_start3A_934 = arith.constant 0 : i32
    %dma_start3A_935 = tpu.memref_slice %arg5[%dma_start3A_928, %dma_start3A_934] : memref<26x512xi32, #tpu.memory_space<vmem>> -> memref<1x512xi32, #tpu.memory_space<vmem>>
    %dma_start3A_936 = tpu.memref_squeeze %dma_start3A_935 : memref<1x512xi32, #tpu.memory_space<vmem>> -> memref<512xi32, #tpu.memory_space<vmem>>
    %dma_start3A_937 = arith.constant 0 : i32
    %dma_start3A_938 = arith.constant 0 : i32
    %dma_start3A_939 = tpu.memref_slice %arg3[%dma_start3A_937, %dma_start3A_938] : memref<1000000x64xf32, #tpu.memory_space<hbm>> -> memref<1000000x64xf32, #tpu.memory_space<hbm>>
    tpu.enqueue_indirect_dma source(%dma_start3A_939 : memref<1000000x64xf32, #tpu.memory_space<hbm>>) target(%dma_start3A_933 : memref<512x64xf32, #tpu.memory_space<vmem>>) offsets(%dma_start3A_936 : memref<512xi32, #tpu.memory_space<vmem>>) semaphore(%arg7 : memref<!tpu.dma_semaphore, #tpu.memory_space<semaphore_mem>>)
    %dma_wait3A_940 = arith.constant 1 : i32
    %dma_wait3A_941 = arith.constant 0 : i32
    %dma_wait3A_942 = arith.constant 0 : i32
    %dma_wait3A_943 = tpu.memref_slice %arg6[%dma_wait3A_940, %dma_wait3A_941, %dma_wait3A_942] : memref<2x512x64xf32, #tpu.memory_space<vmem>> -> memref<1x512x64xf32, #tpu.memory_space<vmem>>
    %dma_wait3A_944 = tpu.memref_squeeze %dma_wait3A_943 : memref<1x512x64xf32, #tpu.memory_space<vmem>> -> memref<512x64xf32, #tpu.memory_space<vmem>>
    %dma_wait3A_945 = arith.constant 0 : i32
    %dma_wait3A_946 = arith.constant 0 : i32
    %dma_wait3A_947 = tpu.memref_slice %arg3[%dma_wait3A_945, %dma_wait3A_946] : memref<1000000x64xf32, #tpu.memory_space<hbm>> -> memref<512x64xf32, #tpu.memory_space<hbm>>
    %dma_wait3A_948 = arith.constant 0 : i32
    %dma_wait3A_949 = arith.constant 0 : i32
    %dma_wait3A_950 = tpu.memref_slice %arg6[%dma_wait3A_940, %dma_wait3A_948, %dma_wait3A_949] : memref<2x512x64xf32, #tpu.memory_space<vmem>> -> memref<1x512x64xf32, #tpu.memory_space<vmem>>
    %dma_wait3A_951 = tpu.memref_squeeze %dma_wait3A_950 : memref<1x512x64xf32, #tpu.memory_space<vmem>> -> memref<512x64xf32, #tpu.memory_space<vmem>>
    %dma_wait3A_952 = arith.constant 0 : i32
    %dma_wait3A_953 = arith.constant 0 : i32
    %dma_wait3A_954 = tpu.memref_slice %arg3[%dma_wait3A_952, %dma_wait3A_953] : memref<1000000x64xf32, #tpu.memory_space<hbm>> -> memref<512x64xf32, #tpu.memory_space<hbm>>
    tpu.wait_dma2 semaphore(%arg8 : memref<!tpu.dma_semaphore, #tpu.memory_space<semaphore_mem>>) src(%dma_wait3A_954 : memref<512x64xf32, #tpu.memory_space<hbm>>) dst(%dma_wait3A_951 : memref<512x64xf32, #tpu.memory_space<vmem>>)
    %dma_start3A_955 = arith.constant 1 : i32
    %dma_start3A_956 = arith.constant 15 : i32
    %dma_start3A_957 = arith.constant 0 : i32
    %dma_start3A_958 = arith.constant 0 : i32
    %dma_start3A_959 = tpu.memref_slice %arg6[%dma_start3A_955, %dma_start3A_957, %dma_start3A_958] : memref<2x512x64xf32, #tpu.memory_space<vmem>> -> memref<1x512x64xf32, #tpu.memory_space<vmem>>
    %dma_start3A_960 = tpu.memref_squeeze %dma_start3A_959 : memref<1x512x64xf32, #tpu.memory_space<vmem>> -> memref<512x64xf32, #tpu.memory_space<vmem>>
    %dma_start3A_961 = arith.constant 0 : i32
    %dma_start3A_962 = tpu.memref_slice %arg4[%dma_start3A_956, %mul3A_2, %dma_start3A_961] : memref<26x16384x64xf32, #tpu.memory_space<hbm>> -> memref<1x512x64xf32, #tpu.memory_space<hbm>>
    %dma_start3A_963 = tpu.memref_squeeze %dma_start3A_962 : memref<1x512x64xf32, #tpu.memory_space<hbm>> -> memref<512x64xf32, #tpu.memory_space<hbm>>
    %dma_start3A_964 = arith.constant 0 : i32
    %dma_start3A_965 = tpu.memref_slice %arg4[%dma_start3A_956, %mul3A_2, %dma_start3A_964] : memref<26x16384x64xf32, #tpu.memory_space<hbm>> -> memref<1x512x64xf32, #tpu.memory_space<hbm>>
    %dma_start3A_966 = tpu.memref_squeeze %dma_start3A_965 : memref<1x512x64xf32, #tpu.memory_space<hbm>> -> memref<512x64xf32, #tpu.memory_space<hbm>>
    %dma_start3A_967 = arith.constant 0 : i32
    %dma_start3A_968 = arith.constant 0 : i32
    %dma_start3A_969 = tpu.memref_slice %arg6[%dma_start3A_955, %dma_start3A_967, %dma_start3A_968] : memref<2x512x64xf32, #tpu.memory_space<vmem>> -> memref<1x512x64xf32, #tpu.memory_space<vmem>>
    %dma_start3A_970 = tpu.memref_squeeze %dma_start3A_969 : memref<1x512x64xf32, #tpu.memory_space<vmem>> -> memref<512x64xf32, #tpu.memory_space<vmem>>
    tpu.enqueue_dma source(%dma_start3A_970 : memref<512x64xf32, #tpu.memory_space<vmem>>) target(%dma_start3A_966 : memref<512x64xf32, #tpu.memory_space<hbm>>) target_semaphore(%arg10 : memref<!tpu.dma_semaphore, #tpu.memory_space<semaphore_mem>>)
    %dma_wait3A_971 = arith.constant 1 : i32
    %dma_wait3A_972 = arith.constant 0 : i32
    %dma_wait3A_973 = arith.constant 0 : i32
    %dma_wait3A_974 = arith.constant 0 : i32
    %dma_wait3A_975 = tpu.memref_slice %arg6[%dma_wait3A_971, %dma_wait3A_973, %dma_wait3A_974] : memref<2x512x64xf32, #tpu.memory_space<vmem>> -> memref<1x512x64xf32, #tpu.memory_space<vmem>>
    %dma_wait3A_976 = tpu.memref_squeeze %dma_wait3A_975 : memref<1x512x64xf32, #tpu.memory_space<vmem>> -> memref<512x64xf32, #tpu.memory_space<vmem>>
    %dma_wait3A_977 = arith.constant 0 : i32
    %dma_wait3A_978 = arith.constant 0 : i32
    %dma_wait3A_979 = tpu.memref_slice %arg4[%dma_wait3A_972, %dma_wait3A_977, %dma_wait3A_978] : memref<26x16384x64xf32, #tpu.memory_space<hbm>> -> memref<1x512x64xf32, #tpu.memory_space<hbm>>
    %dma_wait3A_980 = tpu.memref_squeeze %dma_wait3A_979 : memref<1x512x64xf32, #tpu.memory_space<hbm>> -> memref<512x64xf32, #tpu.memory_space<hbm>>
    %dma_wait3A_981 = arith.constant 0 : i32
    %dma_wait3A_982 = arith.constant 0 : i32
    %dma_wait3A_983 = tpu.memref_slice %arg4[%dma_wait3A_972, %dma_wait3A_981, %dma_wait3A_982] : memref<26x16384x64xf32, #tpu.memory_space<hbm>> -> memref<1x512x64xf32, #tpu.memory_space<hbm>>
    %dma_wait3A_984 = tpu.memref_squeeze %dma_wait3A_983 : memref<1x512x64xf32, #tpu.memory_space<hbm>> -> memref<512x64xf32, #tpu.memory_space<hbm>>
    %dma_wait3A_985 = arith.constant 0 : i32
    %dma_wait3A_986 = arith.constant 0 : i32
    %dma_wait3A_987 = tpu.memref_slice %arg6[%dma_wait3A_971, %dma_wait3A_985, %dma_wait3A_986] : memref<2x512x64xf32, #tpu.memory_space<vmem>> -> memref<1x512x64xf32, #tpu.memory_space<vmem>>
    %dma_wait3A_988 = tpu.memref_squeeze %dma_wait3A_987 : memref<1x512x64xf32, #tpu.memory_space<vmem>> -> memref<512x64xf32, #tpu.memory_space<vmem>>
    tpu.wait_dma2 semaphore(%arg10 : memref<!tpu.dma_semaphore, #tpu.memory_space<semaphore_mem>>) src(%dma_wait3A_988 : memref<512x64xf32, #tpu.memory_space<vmem>>) dst(%dma_wait3A_984 : memref<512x64xf32, #tpu.memory_space<hbm>>)
    %dma_start3A_989 = arith.constant 17 : i32
    %dma_start3A_990 = arith.constant 1 : i32
    %dma_start3A_991 = arith.constant 0 : i32
    %dma_start3A_992 = arith.constant 0 : i32
    %dma_start3A_993 = tpu.memref_slice %arg6[%dma_start3A_990, %dma_start3A_991, %dma_start3A_992] : memref<2x512x64xf32, #tpu.memory_space<vmem>> -> memref<1x512x64xf32, #tpu.memory_space<vmem>>
    %dma_start3A_994 = tpu.memref_squeeze %dma_start3A_993 : memref<1x512x64xf32, #tpu.memory_space<vmem>> -> memref<512x64xf32, #tpu.memory_space<vmem>>
    %dma_start3A_995 = arith.constant 0 : i32
    %dma_start3A_996 = tpu.memref_slice %arg5[%dma_start3A_989, %dma_start3A_995] : memref<26x512xi32, #tpu.memory_space<vmem>> -> memref<1x512xi32, #tpu.memory_space<vmem>>
    %dma_start3A_997 = tpu.memref_squeeze %dma_start3A_996 : memref<1x512xi32, #tpu.memory_space<vmem>> -> memref<512xi32, #tpu.memory_space<vmem>>
    %dma_start3A_998 = arith.constant 0 : i32
    %dma_start3A_999 = arith.constant 0 : i32
    %dma_start3A_1000 = tpu.memref_slice %arg3[%dma_start3A_998, %dma_start3A_999] : memref<1000000x64xf32, #tpu.memory_space<hbm>> -> memref<1000000x64xf32, #tpu.memory_space<hbm>>
    tpu.enqueue_indirect_dma source(%dma_start3A_1000 : memref<1000000x64xf32, #tpu.memory_space<hbm>>) target(%dma_start3A_994 : memref<512x64xf32, #tpu.memory_space<vmem>>) offsets(%dma_start3A_997 : memref<512xi32, #tpu.memory_space<vmem>>) semaphore(%arg8 : memref<!tpu.dma_semaphore, #tpu.memory_space<semaphore_mem>>)
    %dma_wait3A_1001 = arith.constant 0 : i32
    %dma_wait3A_1002 = arith.constant 0 : i32
    %dma_wait3A_1003 = arith.constant 0 : i32
    %dma_wait3A_1004 = tpu.memref_slice %arg6[%dma_wait3A_1001, %dma_wait3A_1002, %dma_wait3A_1003] : memref<2x512x64xf32, #tpu.memory_space<vmem>> -> memref<1x512x64xf32, #tpu.memory_space<vmem>>
    %dma_wait3A_1005 = tpu.memref_squeeze %dma_wait3A_1004 : memref<1x512x64xf32, #tpu.memory_space<vmem>> -> memref<512x64xf32, #tpu.memory_space<vmem>>
    %dma_wait3A_1006 = arith.constant 0 : i32
    %dma_wait3A_1007 = arith.constant 0 : i32
    %dma_wait3A_1008 = tpu.memref_slice %arg3[%dma_wait3A_1006, %dma_wait3A_1007] : memref<1000000x64xf32, #tpu.memory_space<hbm>> -> memref<512x64xf32, #tpu.memory_space<hbm>>
    %dma_wait3A_1009 = arith.constant 0 : i32
    %dma_wait3A_1010 = arith.constant 0 : i32
    %dma_wait3A_1011 = tpu.memref_slice %arg6[%dma_wait3A_1001, %dma_wait3A_1009, %dma_wait3A_1010] : memref<2x512x64xf32, #tpu.memory_space<vmem>> -> memref<1x512x64xf32, #tpu.memory_space<vmem>>
    %dma_wait3A_1012 = tpu.memref_squeeze %dma_wait3A_1011 : memref<1x512x64xf32, #tpu.memory_space<vmem>> -> memref<512x64xf32, #tpu.memory_space<vmem>>
    %dma_wait3A_1013 = arith.constant 0 : i32
    %dma_wait3A_1014 = arith.constant 0 : i32
    %dma_wait3A_1015 = tpu.memref_slice %arg3[%dma_wait3A_1013, %dma_wait3A_1014] : memref<1000000x64xf32, #tpu.memory_space<hbm>> -> memref<512x64xf32, #tpu.memory_space<hbm>>
    tpu.wait_dma2 semaphore(%arg7 : memref<!tpu.dma_semaphore, #tpu.memory_space<semaphore_mem>>) src(%dma_wait3A_1015 : memref<512x64xf32, #tpu.memory_space<hbm>>) dst(%dma_wait3A_1012 : memref<512x64xf32, #tpu.memory_space<vmem>>)
    %dma_start3A_1016 = arith.constant 0 : i32
    %dma_start3A_1017 = arith.constant 16 : i32
    %dma_start3A_1018 = arith.constant 0 : i32
    %dma_start3A_1019 = arith.constant 0 : i32
    %dma_start3A_1020 = tpu.memref_slice %arg6[%dma_start3A_1016, %dma_start3A_1018, %dma_start3A_1019] : memref<2x512x64xf32, #tpu.memory_space<vmem>> -> memref<1x512x64xf32, #tpu.memory_space<vmem>>
    %dma_start3A_1021 = tpu.memref_squeeze %dma_start3A_1020 : memref<1x512x64xf32, #tpu.memory_space<vmem>> -> memref<512x64xf32, #tpu.memory_space<vmem>>
    %dma_start3A_1022 = arith.constant 0 : i32
    %dma_start3A_1023 = tpu.memref_slice %arg4[%dma_start3A_1017, %mul3A_2, %dma_start3A_1022] : memref<26x16384x64xf32, #tpu.memory_space<hbm>> -> memref<1x512x64xf32, #tpu.memory_space<hbm>>
    %dma_start3A_1024 = tpu.memref_squeeze %dma_start3A_1023 : memref<1x512x64xf32, #tpu.memory_space<hbm>> -> memref<512x64xf32, #tpu.memory_space<hbm>>
    %dma_start3A_1025 = arith.constant 0 : i32
    %dma_start3A_1026 = tpu.memref_slice %arg4[%dma_start3A_1017, %mul3A_2, %dma_start3A_1025] : memref<26x16384x64xf32, #tpu.memory_space<hbm>> -> memref<1x512x64xf32, #tpu.memory_space<hbm>>
    %dma_start3A_1027 = tpu.memref_squeeze %dma_start3A_1026 : memref<1x512x64xf32, #tpu.memory_space<hbm>> -> memref<512x64xf32, #tpu.memory_space<hbm>>
    %dma_start3A_1028 = arith.constant 0 : i32
    %dma_start3A_1029 = arith.constant 0 : i32
    %dma_start3A_1030 = tpu.memref_slice %arg6[%dma_start3A_1016, %dma_start3A_1028, %dma_start3A_1029] : memref<2x512x64xf32, #tpu.memory_space<vmem>> -> memref<1x512x64xf32, #tpu.memory_space<vmem>>
    %dma_start3A_1031 = tpu.memref_squeeze %dma_start3A_1030 : memref<1x512x64xf32, #tpu.memory_space<vmem>> -> memref<512x64xf32, #tpu.memory_space<vmem>>
    tpu.enqueue_dma source(%dma_start3A_1031 : memref<512x64xf32, #tpu.memory_space<vmem>>) target(%dma_start3A_1027 : memref<512x64xf32, #tpu.memory_space<hbm>>) target_semaphore(%arg9 : memref<!tpu.dma_semaphore, #tpu.memory_space<semaphore_mem>>)
    %dma_wait3A_1032 = arith.constant 0 : i32
    %dma_wait3A_1033 = arith.constant 0 : i32
    %dma_wait3A_1034 = arith.constant 0 : i32
    %dma_wait3A_1035 = arith.constant 0 : i32
    %dma_wait3A_1036 = tpu.memref_slice %arg6[%dma_wait3A_1032, %dma_wait3A_1034, %dma_wait3A_1035] : memref<2x512x64xf32, #tpu.memory_space<vmem>> -> memref<1x512x64xf32, #tpu.memory_space<vmem>>
    %dma_wait3A_1037 = tpu.memref_squeeze %dma_wait3A_1036 : memref<1x512x64xf32, #tpu.memory_space<vmem>> -> memref<512x64xf32, #tpu.memory_space<vmem>>
    %dma_wait3A_1038 = arith.constant 0 : i32
    %dma_wait3A_1039 = arith.constant 0 : i32
    %dma_wait3A_1040 = tpu.memref_slice %arg4[%dma_wait3A_1033, %dma_wait3A_1038, %dma_wait3A_1039] : memref<26x16384x64xf32, #tpu.memory_space<hbm>> -> memref<1x512x64xf32, #tpu.memory_space<hbm>>
    %dma_wait3A_1041 = tpu.memref_squeeze %dma_wait3A_1040 : memref<1x512x64xf32, #tpu.memory_space<hbm>> -> memref<512x64xf32, #tpu.memory_space<hbm>>
    %dma_wait3A_1042 = arith.constant 0 : i32
    %dma_wait3A_1043 = arith.constant 0 : i32
    %dma_wait3A_1044 = tpu.memref_slice %arg4[%dma_wait3A_1033, %dma_wait3A_1042, %dma_wait3A_1043] : memref<26x16384x64xf32, #tpu.memory_space<hbm>> -> memref<1x512x64xf32, #tpu.memory_space<hbm>>
    %dma_wait3A_1045 = tpu.memref_squeeze %dma_wait3A_1044 : memref<1x512x64xf32, #tpu.memory_space<hbm>> -> memref<512x64xf32, #tpu.memory_space<hbm>>
    %dma_wait3A_1046 = arith.constant 0 : i32
    %dma_wait3A_1047 = arith.constant 0 : i32
    %dma_wait3A_1048 = tpu.memref_slice %arg6[%dma_wait3A_1032, %dma_wait3A_1046, %dma_wait3A_1047] : memref<2x512x64xf32, #tpu.memory_space<vmem>> -> memref<1x512x64xf32, #tpu.memory_space<vmem>>
    %dma_wait3A_1049 = tpu.memref_squeeze %dma_wait3A_1048 : memref<1x512x64xf32, #tpu.memory_space<vmem>> -> memref<512x64xf32, #tpu.memory_space<vmem>>
    tpu.wait_dma2 semaphore(%arg9 : memref<!tpu.dma_semaphore, #tpu.memory_space<semaphore_mem>>) src(%dma_wait3A_1049 : memref<512x64xf32, #tpu.memory_space<vmem>>) dst(%dma_wait3A_1045 : memref<512x64xf32, #tpu.memory_space<hbm>>)
    %dma_start3A_1050 = arith.constant 18 : i32
    %dma_start3A_1051 = arith.constant 0 : i32
    %dma_start3A_1052 = arith.constant 0 : i32
    %dma_start3A_1053 = arith.constant 0 : i32
    %dma_start3A_1054 = tpu.memref_slice %arg6[%dma_start3A_1051, %dma_start3A_1052, %dma_start3A_1053] : memref<2x512x64xf32, #tpu.memory_space<vmem>> -> memref<1x512x64xf32, #tpu.memory_space<vmem>>
    %dma_start3A_1055 = tpu.memref_squeeze %dma_start3A_1054 : memref<1x512x64xf32, #tpu.memory_space<vmem>> -> memref<512x64xf32, #tpu.memory_space<vmem>>
    %dma_start3A_1056 = arith.constant 0 : i32
    %dma_start3A_1057 = tpu.memref_slice %arg5[%dma_start3A_1050, %dma_start3A_1056] : memref<26x512xi32, #tpu.memory_space<vmem>> -> memref<1x512xi32, #tpu.memory_space<vmem>>
    %dma_start3A_1058 = tpu.memref_squeeze %dma_start3A_1057 : memref<1x512xi32, #tpu.memory_space<vmem>> -> memref<512xi32, #tpu.memory_space<vmem>>
    %dma_start3A_1059 = arith.constant 0 : i32
    %dma_start3A_1060 = arith.constant 0 : i32
    %dma_start3A_1061 = tpu.memref_slice %arg3[%dma_start3A_1059, %dma_start3A_1060] : memref<1000000x64xf32, #tpu.memory_space<hbm>> -> memref<1000000x64xf32, #tpu.memory_space<hbm>>
    tpu.enqueue_indirect_dma source(%dma_start3A_1061 : memref<1000000x64xf32, #tpu.memory_space<hbm>>) target(%dma_start3A_1055 : memref<512x64xf32, #tpu.memory_space<vmem>>) offsets(%dma_start3A_1058 : memref<512xi32, #tpu.memory_space<vmem>>) semaphore(%arg7 : memref<!tpu.dma_semaphore, #tpu.memory_space<semaphore_mem>>)
    %dma_wait3A_1062 = arith.constant 1 : i32
    %dma_wait3A_1063 = arith.constant 0 : i32
    %dma_wait3A_1064 = arith.constant 0 : i32
    %dma_wait3A_1065 = tpu.memref_slice %arg6[%dma_wait3A_1062, %dma_wait3A_1063, %dma_wait3A_1064] : memref<2x512x64xf32, #tpu.memory_space<vmem>> -> memref<1x512x64xf32, #tpu.memory_space<vmem>>
    %dma_wait3A_1066 = tpu.memref_squeeze %dma_wait3A_1065 : memref<1x512x64xf32, #tpu.memory_space<vmem>> -> memref<512x64xf32, #tpu.memory_space<vmem>>
    %dma_wait3A_1067 = arith.constant 0 : i32
    %dma_wait3A_1068 = arith.constant 0 : i32
    %dma_wait3A_1069 = tpu.memref_slice %arg3[%dma_wait3A_1067, %dma_wait3A_1068] : memref<1000000x64xf32, #tpu.memory_space<hbm>> -> memref<512x64xf32, #tpu.memory_space<hbm>>
    %dma_wait3A_1070 = arith.constant 0 : i32
    %dma_wait3A_1071 = arith.constant 0 : i32
    %dma_wait3A_1072 = tpu.memref_slice %arg6[%dma_wait3A_1062, %dma_wait3A_1070, %dma_wait3A_1071] : memref<2x512x64xf32, #tpu.memory_space<vmem>> -> memref<1x512x64xf32, #tpu.memory_space<vmem>>
    %dma_wait3A_1073 = tpu.memref_squeeze %dma_wait3A_1072 : memref<1x512x64xf32, #tpu.memory_space<vmem>> -> memref<512x64xf32, #tpu.memory_space<vmem>>
    %dma_wait3A_1074 = arith.constant 0 : i32
    %dma_wait3A_1075 = arith.constant 0 : i32
    %dma_wait3A_1076 = tpu.memref_slice %arg3[%dma_wait3A_1074, %dma_wait3A_1075] : memref<1000000x64xf32, #tpu.memory_space<hbm>> -> memref<512x64xf32, #tpu.memory_space<hbm>>
    tpu.wait_dma2 semaphore(%arg8 : memref<!tpu.dma_semaphore, #tpu.memory_space<semaphore_mem>>) src(%dma_wait3A_1076 : memref<512x64xf32, #tpu.memory_space<hbm>>) dst(%dma_wait3A_1073 : memref<512x64xf32, #tpu.memory_space<vmem>>)
    %dma_start3A_1077 = arith.constant 1 : i32
    %dma_start3A_1078 = arith.constant 17 : i32
    %dma_start3A_1079 = arith.constant 0 : i32
    %dma_start3A_1080 = arith.constant 0 : i32
    %dma_start3A_1081 = tpu.memref_slice %arg6[%dma_start3A_1077, %dma_start3A_1079, %dma_start3A_1080] : memref<2x512x64xf32, #tpu.memory_space<vmem>> -> memref<1x512x64xf32, #tpu.memory_space<vmem>>
    %dma_start3A_1082 = tpu.memref_squeeze %dma_start3A_1081 : memref<1x512x64xf32, #tpu.memory_space<vmem>> -> memref<512x64xf32, #tpu.memory_space<vmem>>
    %dma_start3A_1083 = arith.constant 0 : i32
    %dma_start3A_1084 = tpu.memref_slice %arg4[%dma_start3A_1078, %mul3A_2, %dma_start3A_1083] : memref<26x16384x64xf32, #tpu.memory_space<hbm>> -> memref<1x512x64xf32, #tpu.memory_space<hbm>>
    %dma_start3A_1085 = tpu.memref_squeeze %dma_start3A_1084 : memref<1x512x64xf32, #tpu.memory_space<hbm>> -> memref<512x64xf32, #tpu.memory_space<hbm>>
    %dma_start3A_1086 = arith.constant 0 : i32
    %dma_start3A_1087 = tpu.memref_slice %arg4[%dma_start3A_1078, %mul3A_2, %dma_start3A_1086] : memref<26x16384x64xf32, #tpu.memory_space<hbm>> -> memref<1x512x64xf32, #tpu.memory_space<hbm>>
    %dma_start3A_1088 = tpu.memref_squeeze %dma_start3A_1087 : memref<1x512x64xf32, #tpu.memory_space<hbm>> -> memref<512x64xf32, #tpu.memory_space<hbm>>
    %dma_start3A_1089 = arith.constant 0 : i32
    %dma_start3A_1090 = arith.constant 0 : i32
    %dma_start3A_1091 = tpu.memref_slice %arg6[%dma_start3A_1077, %dma_start3A_1089, %dma_start3A_1090] : memref<2x512x64xf32, #tpu.memory_space<vmem>> -> memref<1x512x64xf32, #tpu.memory_space<vmem>>
    %dma_start3A_1092 = tpu.memref_squeeze %dma_start3A_1091 : memref<1x512x64xf32, #tpu.memory_space<vmem>> -> memref<512x64xf32, #tpu.memory_space<vmem>>
    tpu.enqueue_dma source(%dma_start3A_1092 : memref<512x64xf32, #tpu.memory_space<vmem>>) target(%dma_start3A_1088 : memref<512x64xf32, #tpu.memory_space<hbm>>) target_semaphore(%arg10 : memref<!tpu.dma_semaphore, #tpu.memory_space<semaphore_mem>>)
    %dma_wait3A_1093 = arith.constant 1 : i32
    %dma_wait3A_1094 = arith.constant 0 : i32
    %dma_wait3A_1095 = arith.constant 0 : i32
    %dma_wait3A_1096 = arith.constant 0 : i32
    %dma_wait3A_1097 = tpu.memref_slice %arg6[%dma_wait3A_1093, %dma_wait3A_1095, %dma_wait3A_1096] : memref<2x512x64xf32, #tpu.memory_space<vmem>> -> memref<1x512x64xf32, #tpu.memory_space<vmem>>
    %dma_wait3A_1098 = tpu.memref_squeeze %dma_wait3A_1097 : memref<1x512x64xf32, #tpu.memory_space<vmem>> -> memref<512x64xf32, #tpu.memory_space<vmem>>
    %dma_wait3A_1099 = arith.constant 0 : i32
    %dma_wait3A_1100 = arith.constant 0 : i32
    %dma_wait3A_1101 = tpu.memref_slice %arg4[%dma_wait3A_1094, %dma_wait3A_1099, %dma_wait3A_1100] : memref<26x16384x64xf32, #tpu.memory_space<hbm>> -> memref<1x512x64xf32, #tpu.memory_space<hbm>>
    %dma_wait3A_1102 = tpu.memref_squeeze %dma_wait3A_1101 : memref<1x512x64xf32, #tpu.memory_space<hbm>> -> memref<512x64xf32, #tpu.memory_space<hbm>>
    %dma_wait3A_1103 = arith.constant 0 : i32
    %dma_wait3A_1104 = arith.constant 0 : i32
    %dma_wait3A_1105 = tpu.memref_slice %arg4[%dma_wait3A_1094, %dma_wait3A_1103, %dma_wait3A_1104] : memref<26x16384x64xf32, #tpu.memory_space<hbm>> -> memref<1x512x64xf32, #tpu.memory_space<hbm>>
    %dma_wait3A_1106 = tpu.memref_squeeze %dma_wait3A_1105 : memref<1x512x64xf32, #tpu.memory_space<hbm>> -> memref<512x64xf32, #tpu.memory_space<hbm>>
    %dma_wait3A_1107 = arith.constant 0 : i32
    %dma_wait3A_1108 = arith.constant 0 : i32
    %dma_wait3A_1109 = tpu.memref_slice %arg6[%dma_wait3A_1093, %dma_wait3A_1107, %dma_wait3A_1108] : memref<2x512x64xf32, #tpu.memory_space<vmem>> -> memref<1x512x64xf32, #tpu.memory_space<vmem>>
    %dma_wait3A_1110 = tpu.memref_squeeze %dma_wait3A_1109 : memref<1x512x64xf32, #tpu.memory_space<vmem>> -> memref<512x64xf32, #tpu.memory_space<vmem>>
    tpu.wait_dma2 semaphore(%arg10 : memref<!tpu.dma_semaphore, #tpu.memory_space<semaphore_mem>>) src(%dma_wait3A_1110 : memref<512x64xf32, #tpu.memory_space<vmem>>) dst(%dma_wait3A_1106 : memref<512x64xf32, #tpu.memory_space<hbm>>)
    %dma_start3A_1111 = arith.constant 19 : i32
    %dma_start3A_1112 = arith.constant 1 : i32
    %dma_start3A_1113 = arith.constant 0 : i32
    %dma_start3A_1114 = arith.constant 0 : i32
    %dma_start3A_1115 = tpu.memref_slice %arg6[%dma_start3A_1112, %dma_start3A_1113, %dma_start3A_1114] : memref<2x512x64xf32, #tpu.memory_space<vmem>> -> memref<1x512x64xf32, #tpu.memory_space<vmem>>
    %dma_start3A_1116 = tpu.memref_squeeze %dma_start3A_1115 : memref<1x512x64xf32, #tpu.memory_space<vmem>> -> memref<512x64xf32, #tpu.memory_space<vmem>>
    %dma_start3A_1117 = arith.constant 0 : i32
    %dma_start3A_1118 = tpu.memref_slice %arg5[%dma_start3A_1111, %dma_start3A_1117] : memref<26x512xi32, #tpu.memory_space<vmem>> -> memref<1x512xi32, #tpu.memory_space<vmem>>
    %dma_start3A_1119 = tpu.memref_squeeze %dma_start3A_1118 : memref<1x512xi32, #tpu.memory_space<vmem>> -> memref<512xi32, #tpu.memory_space<vmem>>
    %dma_start3A_1120 = arith.constant 0 : i32
    %dma_start3A_1121 = arith.constant 0 : i32
    %dma_start3A_1122 = tpu.memref_slice %arg3[%dma_start3A_1120, %dma_start3A_1121] : memref<1000000x64xf32, #tpu.memory_space<hbm>> -> memref<1000000x64xf32, #tpu.memory_space<hbm>>
    tpu.enqueue_indirect_dma source(%dma_start3A_1122 : memref<1000000x64xf32, #tpu.memory_space<hbm>>) target(%dma_start3A_1116 : memref<512x64xf32, #tpu.memory_space<vmem>>) offsets(%dma_start3A_1119 : memref<512xi32, #tpu.memory_space<vmem>>) semaphore(%arg8 : memref<!tpu.dma_semaphore, #tpu.memory_space<semaphore_mem>>)
    %dma_wait3A_1123 = arith.constant 0 : i32
    %dma_wait3A_1124 = arith.constant 0 : i32
    %dma_wait3A_1125 = arith.constant 0 : i32
    %dma_wait3A_1126 = tpu.memref_slice %arg6[%dma_wait3A_1123, %dma_wait3A_1124, %dma_wait3A_1125] : memref<2x512x64xf32, #tpu.memory_space<vmem>> -> memref<1x512x64xf32, #tpu.memory_space<vmem>>
    %dma_wait3A_1127 = tpu.memref_squeeze %dma_wait3A_1126 : memref<1x512x64xf32, #tpu.memory_space<vmem>> -> memref<512x64xf32, #tpu.memory_space<vmem>>
    %dma_wait3A_1128 = arith.constant 0 : i32
    %dma_wait3A_1129 = arith.constant 0 : i32
    %dma_wait3A_1130 = tpu.memref_slice %arg3[%dma_wait3A_1128, %dma_wait3A_1129] : memref<1000000x64xf32, #tpu.memory_space<hbm>> -> memref<512x64xf32, #tpu.memory_space<hbm>>
    %dma_wait3A_1131 = arith.constant 0 : i32
    %dma_wait3A_1132 = arith.constant 0 : i32
    %dma_wait3A_1133 = tpu.memref_slice %arg6[%dma_wait3A_1123, %dma_wait3A_1131, %dma_wait3A_1132] : memref<2x512x64xf32, #tpu.memory_space<vmem>> -> memref<1x512x64xf32, #tpu.memory_space<vmem>>
    %dma_wait3A_1134 = tpu.memref_squeeze %dma_wait3A_1133 : memref<1x512x64xf32, #tpu.memory_space<vmem>> -> memref<512x64xf32, #tpu.memory_space<vmem>>
    %dma_wait3A_1135 = arith.constant 0 : i32
    %dma_wait3A_1136 = arith.constant 0 : i32
    %dma_wait3A_1137 = tpu.memref_slice %arg3[%dma_wait3A_1135, %dma_wait3A_1136] : memref<1000000x64xf32, #tpu.memory_space<hbm>> -> memref<512x64xf32, #tpu.memory_space<hbm>>
    tpu.wait_dma2 semaphore(%arg7 : memref<!tpu.dma_semaphore, #tpu.memory_space<semaphore_mem>>) src(%dma_wait3A_1137 : memref<512x64xf32, #tpu.memory_space<hbm>>) dst(%dma_wait3A_1134 : memref<512x64xf32, #tpu.memory_space<vmem>>)
    %dma_start3A_1138 = arith.constant 0 : i32
    %dma_start3A_1139 = arith.constant 18 : i32
    %dma_start3A_1140 = arith.constant 0 : i32
    %dma_start3A_1141 = arith.constant 0 : i32
    %dma_start3A_1142 = tpu.memref_slice %arg6[%dma_start3A_1138, %dma_start3A_1140, %dma_start3A_1141] : memref<2x512x64xf32, #tpu.memory_space<vmem>> -> memref<1x512x64xf32, #tpu.memory_space<vmem>>
    %dma_start3A_1143 = tpu.memref_squeeze %dma_start3A_1142 : memref<1x512x64xf32, #tpu.memory_space<vmem>> -> memref<512x64xf32, #tpu.memory_space<vmem>>
    %dma_start3A_1144 = arith.constant 0 : i32
    %dma_start3A_1145 = tpu.memref_slice %arg4[%dma_start3A_1139, %mul3A_2, %dma_start3A_1144] : memref<26x16384x64xf32, #tpu.memory_space<hbm>> -> memref<1x512x64xf32, #tpu.memory_space<hbm>>
    %dma_start3A_1146 = tpu.memref_squeeze %dma_start3A_1145 : memref<1x512x64xf32, #tpu.memory_space<hbm>> -> memref<512x64xf32, #tpu.memory_space<hbm>>
    %dma_start3A_1147 = arith.constant 0 : i32
    %dma_start3A_1148 = tpu.memref_slice %arg4[%dma_start3A_1139, %mul3A_2, %dma_start3A_1147] : memref<26x16384x64xf32, #tpu.memory_space<hbm>> -> memref<1x512x64xf32, #tpu.memory_space<hbm>>
    %dma_start3A_1149 = tpu.memref_squeeze %dma_start3A_1148 : memref<1x512x64xf32, #tpu.memory_space<hbm>> -> memref<512x64xf32, #tpu.memory_space<hbm>>
    %dma_start3A_1150 = arith.constant 0 : i32
    %dma_start3A_1151 = arith.constant 0 : i32
    %dma_start3A_1152 = tpu.memref_slice %arg6[%dma_start3A_1138, %dma_start3A_1150, %dma_start3A_1151] : memref<2x512x64xf32, #tpu.memory_space<vmem>> -> memref<1x512x64xf32, #tpu.memory_space<vmem>>
    %dma_start3A_1153 = tpu.memref_squeeze %dma_start3A_1152 : memref<1x512x64xf32, #tpu.memory_space<vmem>> -> memref<512x64xf32, #tpu.memory_space<vmem>>
    tpu.enqueue_dma source(%dma_start3A_1153 : memref<512x64xf32, #tpu.memory_space<vmem>>) target(%dma_start3A_1149 : memref<512x64xf32, #tpu.memory_space<hbm>>) target_semaphore(%arg9 : memref<!tpu.dma_semaphore, #tpu.memory_space<semaphore_mem>>)
    %dma_wait3A_1154 = arith.constant 0 : i32
    %dma_wait3A_1155 = arith.constant 0 : i32
    %dma_wait3A_1156 = arith.constant 0 : i32
    %dma_wait3A_1157 = arith.constant 0 : i32
    %dma_wait3A_1158 = tpu.memref_slice %arg6[%dma_wait3A_1154, %dma_wait3A_1156, %dma_wait3A_1157] : memref<2x512x64xf32, #tpu.memory_space<vmem>> -> memref<1x512x64xf32, #tpu.memory_space<vmem>>
    %dma_wait3A_1159 = tpu.memref_squeeze %dma_wait3A_1158 : memref<1x512x64xf32, #tpu.memory_space<vmem>> -> memref<512x64xf32, #tpu.memory_space<vmem>>
    %dma_wait3A_1160 = arith.constant 0 : i32
    %dma_wait3A_1161 = arith.constant 0 : i32
    %dma_wait3A_1162 = tpu.memref_slice %arg4[%dma_wait3A_1155, %dma_wait3A_1160, %dma_wait3A_1161] : memref<26x16384x64xf32, #tpu.memory_space<hbm>> -> memref<1x512x64xf32, #tpu.memory_space<hbm>>
    %dma_wait3A_1163 = tpu.memref_squeeze %dma_wait3A_1162 : memref<1x512x64xf32, #tpu.memory_space<hbm>> -> memref<512x64xf32, #tpu.memory_space<hbm>>
    %dma_wait3A_1164 = arith.constant 0 : i32
    %dma_wait3A_1165 = arith.constant 0 : i32
    %dma_wait3A_1166 = tpu.memref_slice %arg4[%dma_wait3A_1155, %dma_wait3A_1164, %dma_wait3A_1165] : memref<26x16384x64xf32, #tpu.memory_space<hbm>> -> memref<1x512x64xf32, #tpu.memory_space<hbm>>
    %dma_wait3A_1167 = tpu.memref_squeeze %dma_wait3A_1166 : memref<1x512x64xf32, #tpu.memory_space<hbm>> -> memref<512x64xf32, #tpu.memory_space<hbm>>
    %dma_wait3A_1168 = arith.constant 0 : i32
    %dma_wait3A_1169 = arith.constant 0 : i32
    %dma_wait3A_1170 = tpu.memref_slice %arg6[%dma_wait3A_1154, %dma_wait3A_1168, %dma_wait3A_1169] : memref<2x512x64xf32, #tpu.memory_space<vmem>> -> memref<1x512x64xf32, #tpu.memory_space<vmem>>
    %dma_wait3A_1171 = tpu.memref_squeeze %dma_wait3A_1170 : memref<1x512x64xf32, #tpu.memory_space<vmem>> -> memref<512x64xf32, #tpu.memory_space<vmem>>
    tpu.wait_dma2 semaphore(%arg9 : memref<!tpu.dma_semaphore, #tpu.memory_space<semaphore_mem>>) src(%dma_wait3A_1171 : memref<512x64xf32, #tpu.memory_space<vmem>>) dst(%dma_wait3A_1167 : memref<512x64xf32, #tpu.memory_space<hbm>>)
    %dma_start3A_1172 = arith.constant 20 : i32
    %dma_start3A_1173 = arith.constant 0 : i32
    %dma_start3A_1174 = arith.constant 0 : i32
    %dma_start3A_1175 = arith.constant 0 : i32
    %dma_start3A_1176 = tpu.memref_slice %arg6[%dma_start3A_1173, %dma_start3A_1174, %dma_start3A_1175] : memref<2x512x64xf32, #tpu.memory_space<vmem>> -> memref<1x512x64xf32, #tpu.memory_space<vmem>>
    %dma_start3A_1177 = tpu.memref_squeeze %dma_start3A_1176 : memref<1x512x64xf32, #tpu.memory_space<vmem>> -> memref<512x64xf32, #tpu.memory_space<vmem>>
    %dma_start3A_1178 = arith.constant 0 : i32
    %dma_start3A_1179 = tpu.memref_slice %arg5[%dma_start3A_1172, %dma_start3A_1178] : memref<26x512xi32, #tpu.memory_space<vmem>> -> memref<1x512xi32, #tpu.memory_space<vmem>>
    %dma_start3A_1180 = tpu.memref_squeeze %dma_start3A_1179 : memref<1x512xi32, #tpu.memory_space<vmem>> -> memref<512xi32, #tpu.memory_space<vmem>>
    %dma_start3A_1181 = arith.constant 0 : i32
    %dma_start3A_1182 = arith.constant 0 : i32
    %dma_start3A_1183 = tpu.memref_slice %arg3[%dma_start3A_1181, %dma_start3A_1182] : memref<1000000x64xf32, #tpu.memory_space<hbm>> -> memref<1000000x64xf32, #tpu.memory_space<hbm>>
    tpu.enqueue_indirect_dma source(%dma_start3A_1183 : memref<1000000x64xf32, #tpu.memory_space<hbm>>) target(%dma_start3A_1177 : memref<512x64xf32, #tpu.memory_space<vmem>>) offsets(%dma_start3A_1180 : memref<512xi32, #tpu.memory_space<vmem>>) semaphore(%arg7 : memref<!tpu.dma_semaphore, #tpu.memory_space<semaphore_mem>>)
    %dma_wait3A_1184 = arith.constant 1 : i32
    %dma_wait3A_1185 = arith.constant 0 : i32
    %dma_wait3A_1186 = arith.constant 0 : i32
    %dma_wait3A_1187 = tpu.memref_slice %arg6[%dma_wait3A_1184, %dma_wait3A_1185, %dma_wait3A_1186] : memref<2x512x64xf32, #tpu.memory_space<vmem>> -> memref<1x512x64xf32, #tpu.memory_space<vmem>>
    %dma_wait3A_1188 = tpu.memref_squeeze %dma_wait3A_1187 : memref<1x512x64xf32, #tpu.memory_space<vmem>> -> memref<512x64xf32, #tpu.memory_space<vmem>>
    %dma_wait3A_1189 = arith.constant 0 : i32
    %dma_wait3A_1190 = arith.constant 0 : i32
    %dma_wait3A_1191 = tpu.memref_slice %arg3[%dma_wait3A_1189, %dma_wait3A_1190] : memref<1000000x64xf32, #tpu.memory_space<hbm>> -> memref<512x64xf32, #tpu.memory_space<hbm>>
    %dma_wait3A_1192 = arith.constant 0 : i32
    %dma_wait3A_1193 = arith.constant 0 : i32
    %dma_wait3A_1194 = tpu.memref_slice %arg6[%dma_wait3A_1184, %dma_wait3A_1192, %dma_wait3A_1193] : memref<2x512x64xf32, #tpu.memory_space<vmem>> -> memref<1x512x64xf32, #tpu.memory_space<vmem>>
    %dma_wait3A_1195 = tpu.memref_squeeze %dma_wait3A_1194 : memref<1x512x64xf32, #tpu.memory_space<vmem>> -> memref<512x64xf32, #tpu.memory_space<vmem>>
    %dma_wait3A_1196 = arith.constant 0 : i32
    %dma_wait3A_1197 = arith.constant 0 : i32
    %dma_wait3A_1198 = tpu.memref_slice %arg3[%dma_wait3A_1196, %dma_wait3A_1197] : memref<1000000x64xf32, #tpu.memory_space<hbm>> -> memref<512x64xf32, #tpu.memory_space<hbm>>
    tpu.wait_dma2 semaphore(%arg8 : memref<!tpu.dma_semaphore, #tpu.memory_space<semaphore_mem>>) src(%dma_wait3A_1198 : memref<512x64xf32, #tpu.memory_space<hbm>>) dst(%dma_wait3A_1195 : memref<512x64xf32, #tpu.memory_space<vmem>>)
    %dma_start3A_1199 = arith.constant 1 : i32
    %dma_start3A_1200 = arith.constant 19 : i32
    %dma_start3A_1201 = arith.constant 0 : i32
    %dma_start3A_1202 = arith.constant 0 : i32
    %dma_start3A_1203 = tpu.memref_slice %arg6[%dma_start3A_1199, %dma_start3A_1201, %dma_start3A_1202] : memref<2x512x64xf32, #tpu.memory_space<vmem>> -> memref<1x512x64xf32, #tpu.memory_space<vmem>>
    %dma_start3A_1204 = tpu.memref_squeeze %dma_start3A_1203 : memref<1x512x64xf32, #tpu.memory_space<vmem>> -> memref<512x64xf32, #tpu.memory_space<vmem>>
    %dma_start3A_1205 = arith.constant 0 : i32
    %dma_start3A_1206 = tpu.memref_slice %arg4[%dma_start3A_1200, %mul3A_2, %dma_start3A_1205] : memref<26x16384x64xf32, #tpu.memory_space<hbm>> -> memref<1x512x64xf32, #tpu.memory_space<hbm>>
    %dma_start3A_1207 = tpu.memref_squeeze %dma_start3A_1206 : memref<1x512x64xf32, #tpu.memory_space<hbm>> -> memref<512x64xf32, #tpu.memory_space<hbm>>
    %dma_start3A_1208 = arith.constant 0 : i32
    %dma_start3A_1209 = tpu.memref_slice %arg4[%dma_start3A_1200, %mul3A_2, %dma_start3A_1208] : memref<26x16384x64xf32, #tpu.memory_space<hbm>> -> memref<1x512x64xf32, #tpu.memory_space<hbm>>
    %dma_start3A_1210 = tpu.memref_squeeze %dma_start3A_1209 : memref<1x512x64xf32, #tpu.memory_space<hbm>> -> memref<512x64xf32, #tpu.memory_space<hbm>>
    %dma_start3A_1211 = arith.constant 0 : i32
    %dma_start3A_1212 = arith.constant 0 : i32
    %dma_start3A_1213 = tpu.memref_slice %arg6[%dma_start3A_1199, %dma_start3A_1211, %dma_start3A_1212] : memref<2x512x64xf32, #tpu.memory_space<vmem>> -> memref<1x512x64xf32, #tpu.memory_space<vmem>>
    %dma_start3A_1214 = tpu.memref_squeeze %dma_start3A_1213 : memref<1x512x64xf32, #tpu.memory_space<vmem>> -> memref<512x64xf32, #tpu.memory_space<vmem>>
    tpu.enqueue_dma source(%dma_start3A_1214 : memref<512x64xf32, #tpu.memory_space<vmem>>) target(%dma_start3A_1210 : memref<512x64xf32, #tpu.memory_space<hbm>>) target_semaphore(%arg10 : memref<!tpu.dma_semaphore, #tpu.memory_space<semaphore_mem>>)
    %dma_wait3A_1215 = arith.constant 1 : i32
    %dma_wait3A_1216 = arith.constant 0 : i32
    %dma_wait3A_1217 = arith.constant 0 : i32
    %dma_wait3A_1218 = arith.constant 0 : i32
    %dma_wait3A_1219 = tpu.memref_slice %arg6[%dma_wait3A_1215, %dma_wait3A_1217, %dma_wait3A_1218] : memref<2x512x64xf32, #tpu.memory_space<vmem>> -> memref<1x512x64xf32, #tpu.memory_space<vmem>>
    %dma_wait3A_1220 = tpu.memref_squeeze %dma_wait3A_1219 : memref<1x512x64xf32, #tpu.memory_space<vmem>> -> memref<512x64xf32, #tpu.memory_space<vmem>>
    %dma_wait3A_1221 = arith.constant 0 : i32
    %dma_wait3A_1222 = arith.constant 0 : i32
    %dma_wait3A_1223 = tpu.memref_slice %arg4[%dma_wait3A_1216, %dma_wait3A_1221, %dma_wait3A_1222] : memref<26x16384x64xf32, #tpu.memory_space<hbm>> -> memref<1x512x64xf32, #tpu.memory_space<hbm>>
    %dma_wait3A_1224 = tpu.memref_squeeze %dma_wait3A_1223 : memref<1x512x64xf32, #tpu.memory_space<hbm>> -> memref<512x64xf32, #tpu.memory_space<hbm>>
    %dma_wait3A_1225 = arith.constant 0 : i32
    %dma_wait3A_1226 = arith.constant 0 : i32
    %dma_wait3A_1227 = tpu.memref_slice %arg4[%dma_wait3A_1216, %dma_wait3A_1225, %dma_wait3A_1226] : memref<26x16384x64xf32, #tpu.memory_space<hbm>> -> memref<1x512x64xf32, #tpu.memory_space<hbm>>
    %dma_wait3A_1228 = tpu.memref_squeeze %dma_wait3A_1227 : memref<1x512x64xf32, #tpu.memory_space<hbm>> -> memref<512x64xf32, #tpu.memory_space<hbm>>
    %dma_wait3A_1229 = arith.constant 0 : i32
    %dma_wait3A_1230 = arith.constant 0 : i32
    %dma_wait3A_1231 = tpu.memref_slice %arg6[%dma_wait3A_1215, %dma_wait3A_1229, %dma_wait3A_1230] : memref<2x512x64xf32, #tpu.memory_space<vmem>> -> memref<1x512x64xf32, #tpu.memory_space<vmem>>
    %dma_wait3A_1232 = tpu.memref_squeeze %dma_wait3A_1231 : memref<1x512x64xf32, #tpu.memory_space<vmem>> -> memref<512x64xf32, #tpu.memory_space<vmem>>
    tpu.wait_dma2 semaphore(%arg10 : memref<!tpu.dma_semaphore, #tpu.memory_space<semaphore_mem>>) src(%dma_wait3A_1232 : memref<512x64xf32, #tpu.memory_space<vmem>>) dst(%dma_wait3A_1228 : memref<512x64xf32, #tpu.memory_space<hbm>>)
    %dma_start3A_1233 = arith.constant 21 : i32
    %dma_start3A_1234 = arith.constant 1 : i32
    %dma_start3A_1235 = arith.constant 0 : i32
    %dma_start3A_1236 = arith.constant 0 : i32
    %dma_start3A_1237 = tpu.memref_slice %arg6[%dma_start3A_1234, %dma_start3A_1235, %dma_start3A_1236] : memref<2x512x64xf32, #tpu.memory_space<vmem>> -> memref<1x512x64xf32, #tpu.memory_space<vmem>>
    %dma_start3A_1238 = tpu.memref_squeeze %dma_start3A_1237 : memref<1x512x64xf32, #tpu.memory_space<vmem>> -> memref<512x64xf32, #tpu.memory_space<vmem>>
    %dma_start3A_1239 = arith.constant 0 : i32
    %dma_start3A_1240 = tpu.memref_slice %arg5[%dma_start3A_1233, %dma_start3A_1239] : memref<26x512xi32, #tpu.memory_space<vmem>> -> memref<1x512xi32, #tpu.memory_space<vmem>>
    %dma_start3A_1241 = tpu.memref_squeeze %dma_start3A_1240 : memref<1x512xi32, #tpu.memory_space<vmem>> -> memref<512xi32, #tpu.memory_space<vmem>>
    %dma_start3A_1242 = arith.constant 0 : i32
    %dma_start3A_1243 = arith.constant 0 : i32
    %dma_start3A_1244 = tpu.memref_slice %arg3[%dma_start3A_1242, %dma_start3A_1243] : memref<1000000x64xf32, #tpu.memory_space<hbm>> -> memref<1000000x64xf32, #tpu.memory_space<hbm>>
    tpu.enqueue_indirect_dma source(%dma_start3A_1244 : memref<1000000x64xf32, #tpu.memory_space<hbm>>) target(%dma_start3A_1238 : memref<512x64xf32, #tpu.memory_space<vmem>>) offsets(%dma_start3A_1241 : memref<512xi32, #tpu.memory_space<vmem>>) semaphore(%arg8 : memref<!tpu.dma_semaphore, #tpu.memory_space<semaphore_mem>>)
    %dma_wait3A_1245 = arith.constant 0 : i32
    %dma_wait3A_1246 = arith.constant 0 : i32
    %dma_wait3A_1247 = arith.constant 0 : i32
    %dma_wait3A_1248 = tpu.memref_slice %arg6[%dma_wait3A_1245, %dma_wait3A_1246, %dma_wait3A_1247] : memref<2x512x64xf32, #tpu.memory_space<vmem>> -> memref<1x512x64xf32, #tpu.memory_space<vmem>>
    %dma_wait3A_1249 = tpu.memref_squeeze %dma_wait3A_1248 : memref<1x512x64xf32, #tpu.memory_space<vmem>> -> memref<512x64xf32, #tpu.memory_space<vmem>>
    %dma_wait3A_1250 = arith.constant 0 : i32
    %dma_wait3A_1251 = arith.constant 0 : i32
    %dma_wait3A_1252 = tpu.memref_slice %arg3[%dma_wait3A_1250, %dma_wait3A_1251] : memref<1000000x64xf32, #tpu.memory_space<hbm>> -> memref<512x64xf32, #tpu.memory_space<hbm>>
    %dma_wait3A_1253 = arith.constant 0 : i32
    %dma_wait3A_1254 = arith.constant 0 : i32
    %dma_wait3A_1255 = tpu.memref_slice %arg6[%dma_wait3A_1245, %dma_wait3A_1253, %dma_wait3A_1254] : memref<2x512x64xf32, #tpu.memory_space<vmem>> -> memref<1x512x64xf32, #tpu.memory_space<vmem>>
    %dma_wait3A_1256 = tpu.memref_squeeze %dma_wait3A_1255 : memref<1x512x64xf32, #tpu.memory_space<vmem>> -> memref<512x64xf32, #tpu.memory_space<vmem>>
    %dma_wait3A_1257 = arith.constant 0 : i32
    %dma_wait3A_1258 = arith.constant 0 : i32
    %dma_wait3A_1259 = tpu.memref_slice %arg3[%dma_wait3A_1257, %dma_wait3A_1258] : memref<1000000x64xf32, #tpu.memory_space<hbm>> -> memref<512x64xf32, #tpu.memory_space<hbm>>
    tpu.wait_dma2 semaphore(%arg7 : memref<!tpu.dma_semaphore, #tpu.memory_space<semaphore_mem>>) src(%dma_wait3A_1259 : memref<512x64xf32, #tpu.memory_space<hbm>>) dst(%dma_wait3A_1256 : memref<512x64xf32, #tpu.memory_space<vmem>>)
    %dma_start3A_1260 = arith.constant 0 : i32
    %dma_start3A_1261 = arith.constant 20 : i32
    %dma_start3A_1262 = arith.constant 0 : i32
    %dma_start3A_1263 = arith.constant 0 : i32
    %dma_start3A_1264 = tpu.memref_slice %arg6[%dma_start3A_1260, %dma_start3A_1262, %dma_start3A_1263] : memref<2x512x64xf32, #tpu.memory_space<vmem>> -> memref<1x512x64xf32, #tpu.memory_space<vmem>>
    %dma_start3A_1265 = tpu.memref_squeeze %dma_start3A_1264 : memref<1x512x64xf32, #tpu.memory_space<vmem>> -> memref<512x64xf32, #tpu.memory_space<vmem>>
    %dma_start3A_1266 = arith.constant 0 : i32
    %dma_start3A_1267 = tpu.memref_slice %arg4[%dma_start3A_1261, %mul3A_2, %dma_start3A_1266] : memref<26x16384x64xf32, #tpu.memory_space<hbm>> -> memref<1x512x64xf32, #tpu.memory_space<hbm>>
    %dma_start3A_1268 = tpu.memref_squeeze %dma_start3A_1267 : memref<1x512x64xf32, #tpu.memory_space<hbm>> -> memref<512x64xf32, #tpu.memory_space<hbm>>
    %dma_start3A_1269 = arith.constant 0 : i32
    %dma_start3A_1270 = tpu.memref_slice %arg4[%dma_start3A_1261, %mul3A_2, %dma_start3A_1269] : memref<26x16384x64xf32, #tpu.memory_space<hbm>> -> memref<1x512x64xf32, #tpu.memory_space<hbm>>
    %dma_start3A_1271 = tpu.memref_squeeze %dma_start3A_1270 : memref<1x512x64xf32, #tpu.memory_space<hbm>> -> memref<512x64xf32, #tpu.memory_space<hbm>>
    %dma_start3A_1272 = arith.constant 0 : i32
    %dma_start3A_1273 = arith.constant 0 : i32
    %dma_start3A_1274 = tpu.memref_slice %arg6[%dma_start3A_1260, %dma_start3A_1272, %dma_start3A_1273] : memref<2x512x64xf32, #tpu.memory_space<vmem>> -> memref<1x512x64xf32, #tpu.memory_space<vmem>>
    %dma_start3A_1275 = tpu.memref_squeeze %dma_start3A_1274 : memref<1x512x64xf32, #tpu.memory_space<vmem>> -> memref<512x64xf32, #tpu.memory_space<vmem>>
    tpu.enqueue_dma source(%dma_start3A_1275 : memref<512x64xf32, #tpu.memory_space<vmem>>) target(%dma_start3A_1271 : memref<512x64xf32, #tpu.memory_space<hbm>>) target_semaphore(%arg9 : memref<!tpu.dma_semaphore, #tpu.memory_space<semaphore_mem>>)
    %dma_wait3A_1276 = arith.constant 0 : i32
    %dma_wait3A_1277 = arith.constant 0 : i32
    %dma_wait3A_1278 = arith.constant 0 : i32
    %dma_wait3A_1279 = arith.constant 0 : i32
    %dma_wait3A_1280 = tpu.memref_slice %arg6[%dma_wait3A_1276, %dma_wait3A_1278, %dma_wait3A_1279] : memref<2x512x64xf32, #tpu.memory_space<vmem>> -> memref<1x512x64xf32, #tpu.memory_space<vmem>>
    %dma_wait3A_1281 = tpu.memref_squeeze %dma_wait3A_1280 : memref<1x512x64xf32, #tpu.memory_space<vmem>> -> memref<512x64xf32, #tpu.memory_space<vmem>>
    %dma_wait3A_1282 = arith.constant 0 : i32
    %dma_wait3A_1283 = arith.constant 0 : i32
    %dma_wait3A_1284 = tpu.memref_slice %arg4[%dma_wait3A_1277, %dma_wait3A_1282, %dma_wait3A_1283] : memref<26x16384x64xf32, #tpu.memory_space<hbm>> -> memref<1x512x64xf32, #tpu.memory_space<hbm>>
    %dma_wait3A_1285 = tpu.memref_squeeze %dma_wait3A_1284 : memref<1x512x64xf32, #tpu.memory_space<hbm>> -> memref<512x64xf32, #tpu.memory_space<hbm>>
    %dma_wait3A_1286 = arith.constant 0 : i32
    %dma_wait3A_1287 = arith.constant 0 : i32
    %dma_wait3A_1288 = tpu.memref_slice %arg4[%dma_wait3A_1277, %dma_wait3A_1286, %dma_wait3A_1287] : memref<26x16384x64xf32, #tpu.memory_space<hbm>> -> memref<1x512x64xf32, #tpu.memory_space<hbm>>
    %dma_wait3A_1289 = tpu.memref_squeeze %dma_wait3A_1288 : memref<1x512x64xf32, #tpu.memory_space<hbm>> -> memref<512x64xf32, #tpu.memory_space<hbm>>
    %dma_wait3A_1290 = arith.constant 0 : i32
    %dma_wait3A_1291 = arith.constant 0 : i32
    %dma_wait3A_1292 = tpu.memref_slice %arg6[%dma_wait3A_1276, %dma_wait3A_1290, %dma_wait3A_1291] : memref<2x512x64xf32, #tpu.memory_space<vmem>> -> memref<1x512x64xf32, #tpu.memory_space<vmem>>
    %dma_wait3A_1293 = tpu.memref_squeeze %dma_wait3A_1292 : memref<1x512x64xf32, #tpu.memory_space<vmem>> -> memref<512x64xf32, #tpu.memory_space<vmem>>
    tpu.wait_dma2 semaphore(%arg9 : memref<!tpu.dma_semaphore, #tpu.memory_space<semaphore_mem>>) src(%dma_wait3A_1293 : memref<512x64xf32, #tpu.memory_space<vmem>>) dst(%dma_wait3A_1289 : memref<512x64xf32, #tpu.memory_space<hbm>>)
    %dma_start3A_1294 = arith.constant 22 : i32
    %dma_start3A_1295 = arith.constant 0 : i32
    %dma_start3A_1296 = arith.constant 0 : i32
    %dma_start3A_1297 = arith.constant 0 : i32
    %dma_start3A_1298 = tpu.memref_slice %arg6[%dma_start3A_1295, %dma_start3A_1296, %dma_start3A_1297] : memref<2x512x64xf32, #tpu.memory_space<vmem>> -> memref<1x512x64xf32, #tpu.memory_space<vmem>>
    %dma_start3A_1299 = tpu.memref_squeeze %dma_start3A_1298 : memref<1x512x64xf32, #tpu.memory_space<vmem>> -> memref<512x64xf32, #tpu.memory_space<vmem>>
    %dma_start3A_1300 = arith.constant 0 : i32
    %dma_start3A_1301 = tpu.memref_slice %arg5[%dma_start3A_1294, %dma_start3A_1300] : memref<26x512xi32, #tpu.memory_space<vmem>> -> memref<1x512xi32, #tpu.memory_space<vmem>>
    %dma_start3A_1302 = tpu.memref_squeeze %dma_start3A_1301 : memref<1x512xi32, #tpu.memory_space<vmem>> -> memref<512xi32, #tpu.memory_space<vmem>>
    %dma_start3A_1303 = arith.constant 0 : i32
    %dma_start3A_1304 = arith.constant 0 : i32
    %dma_start3A_1305 = tpu.memref_slice %arg3[%dma_start3A_1303, %dma_start3A_1304] : memref<1000000x64xf32, #tpu.memory_space<hbm>> -> memref<1000000x64xf32, #tpu.memory_space<hbm>>
    tpu.enqueue_indirect_dma source(%dma_start3A_1305 : memref<1000000x64xf32, #tpu.memory_space<hbm>>) target(%dma_start3A_1299 : memref<512x64xf32, #tpu.memory_space<vmem>>) offsets(%dma_start3A_1302 : memref<512xi32, #tpu.memory_space<vmem>>) semaphore(%arg7 : memref<!tpu.dma_semaphore, #tpu.memory_space<semaphore_mem>>)
    %dma_wait3A_1306 = arith.constant 1 : i32
    %dma_wait3A_1307 = arith.constant 0 : i32
    %dma_wait3A_1308 = arith.constant 0 : i32
    %dma_wait3A_1309 = tpu.memref_slice %arg6[%dma_wait3A_1306, %dma_wait3A_1307, %dma_wait3A_1308] : memref<2x512x64xf32, #tpu.memory_space<vmem>> -> memref<1x512x64xf32, #tpu.memory_space<vmem>>
    %dma_wait3A_1310 = tpu.memref_squeeze %dma_wait3A_1309 : memref<1x512x64xf32, #tpu.memory_space<vmem>> -> memref<512x64xf32, #tpu.memory_space<vmem>>
    %dma_wait3A_1311 = arith.constant 0 : i32
    %dma_wait3A_1312 = arith.constant 0 : i32
    %dma_wait3A_1313 = tpu.memref_slice %arg3[%dma_wait3A_1311, %dma_wait3A_1312] : memref<1000000x64xf32, #tpu.memory_space<hbm>> -> memref<512x64xf32, #tpu.memory_space<hbm>>
    %dma_wait3A_1314 = arith.constant 0 : i32
    %dma_wait3A_1315 = arith.constant 0 : i32
    %dma_wait3A_1316 = tpu.memref_slice %arg6[%dma_wait3A_1306, %dma_wait3A_1314, %dma_wait3A_1315] : memref<2x512x64xf32, #tpu.memory_space<vmem>> -> memref<1x512x64xf32, #tpu.memory_space<vmem>>
    %dma_wait3A_1317 = tpu.memref_squeeze %dma_wait3A_1316 : memref<1x512x64xf32, #tpu.memory_space<vmem>> -> memref<512x64xf32, #tpu.memory_space<vmem>>
    %dma_wait3A_1318 = arith.constant 0 : i32
    %dma_wait3A_1319 = arith.constant 0 : i32
    %dma_wait3A_1320 = tpu.memref_slice %arg3[%dma_wait3A_1318, %dma_wait3A_1319] : memref<1000000x64xf32, #tpu.memory_space<hbm>> -> memref<512x64xf32, #tpu.memory_space<hbm>>
    tpu.wait_dma2 semaphore(%arg8 : memref<!tpu.dma_semaphore, #tpu.memory_space<semaphore_mem>>) src(%dma_wait3A_1320 : memref<512x64xf32, #tpu.memory_space<hbm>>) dst(%dma_wait3A_1317 : memref<512x64xf32, #tpu.memory_space<vmem>>)
    %dma_start3A_1321 = arith.constant 1 : i32
    %dma_start3A_1322 = arith.constant 21 : i32
    %dma_start3A_1323 = arith.constant 0 : i32
    %dma_start3A_1324 = arith.constant 0 : i32
    %dma_start3A_1325 = tpu.memref_slice %arg6[%dma_start3A_1321, %dma_start3A_1323, %dma_start3A_1324] : memref<2x512x64xf32, #tpu.memory_space<vmem>> -> memref<1x512x64xf32, #tpu.memory_space<vmem>>
    %dma_start3A_1326 = tpu.memref_squeeze %dma_start3A_1325 : memref<1x512x64xf32, #tpu.memory_space<vmem>> -> memref<512x64xf32, #tpu.memory_space<vmem>>
    %dma_start3A_1327 = arith.constant 0 : i32
    %dma_start3A_1328 = tpu.memref_slice %arg4[%dma_start3A_1322, %mul3A_2, %dma_start3A_1327] : memref<26x16384x64xf32, #tpu.memory_space<hbm>> -> memref<1x512x64xf32, #tpu.memory_space<hbm>>
    %dma_start3A_1329 = tpu.memref_squeeze %dma_start3A_1328 : memref<1x512x64xf32, #tpu.memory_space<hbm>> -> memref<512x64xf32, #tpu.memory_space<hbm>>
    %dma_start3A_1330 = arith.constant 0 : i32
    %dma_start3A_1331 = tpu.memref_slice %arg4[%dma_start3A_1322, %mul3A_2, %dma_start3A_1330] : memref<26x16384x64xf32, #tpu.memory_space<hbm>> -> memref<1x512x64xf32, #tpu.memory_space<hbm>>
    %dma_start3A_1332 = tpu.memref_squeeze %dma_start3A_1331 : memref<1x512x64xf32, #tpu.memory_space<hbm>> -> memref<512x64xf32, #tpu.memory_space<hbm>>
    %dma_start3A_1333 = arith.constant 0 : i32
    %dma_start3A_1334 = arith.constant 0 : i32
    %dma_start3A_1335 = tpu.memref_slice %arg6[%dma_start3A_1321, %dma_start3A_1333, %dma_start3A_1334] : memref<2x512x64xf32, #tpu.memory_space<vmem>> -> memref<1x512x64xf32, #tpu.memory_space<vmem>>
    %dma_start3A_1336 = tpu.memref_squeeze %dma_start3A_1335 : memref<1x512x64xf32, #tpu.memory_space<vmem>> -> memref<512x64xf32, #tpu.memory_space<vmem>>
    tpu.enqueue_dma source(%dma_start3A_1336 : memref<512x64xf32, #tpu.memory_space<vmem>>) target(%dma_start3A_1332 : memref<512x64xf32, #tpu.memory_space<hbm>>) target_semaphore(%arg10 : memref<!tpu.dma_semaphore, #tpu.memory_space<semaphore_mem>>)
    %dma_wait3A_1337 = arith.constant 1 : i32
    %dma_wait3A_1338 = arith.constant 0 : i32
    %dma_wait3A_1339 = arith.constant 0 : i32
    %dma_wait3A_1340 = arith.constant 0 : i32
    %dma_wait3A_1341 = tpu.memref_slice %arg6[%dma_wait3A_1337, %dma_wait3A_1339, %dma_wait3A_1340] : memref<2x512x64xf32, #tpu.memory_space<vmem>> -> memref<1x512x64xf32, #tpu.memory_space<vmem>>
    %dma_wait3A_1342 = tpu.memref_squeeze %dma_wait3A_1341 : memref<1x512x64xf32, #tpu.memory_space<vmem>> -> memref<512x64xf32, #tpu.memory_space<vmem>>
    %dma_wait3A_1343 = arith.constant 0 : i32
    %dma_wait3A_1344 = arith.constant 0 : i32
    %dma_wait3A_1345 = tpu.memref_slice %arg4[%dma_wait3A_1338, %dma_wait3A_1343, %dma_wait3A_1344] : memref<26x16384x64xf32, #tpu.memory_space<hbm>> -> memref<1x512x64xf32, #tpu.memory_space<hbm>>
    %dma_wait3A_1346 = tpu.memref_squeeze %dma_wait3A_1345 : memref<1x512x64xf32, #tpu.memory_space<hbm>> -> memref<512x64xf32, #tpu.memory_space<hbm>>
    %dma_wait3A_1347 = arith.constant 0 : i32
    %dma_wait3A_1348 = arith.constant 0 : i32
    %dma_wait3A_1349 = tpu.memref_slice %arg4[%dma_wait3A_1338, %dma_wait3A_1347, %dma_wait3A_1348] : memref<26x16384x64xf32, #tpu.memory_space<hbm>> -> memref<1x512x64xf32, #tpu.memory_space<hbm>>
    %dma_wait3A_1350 = tpu.memref_squeeze %dma_wait3A_1349 : memref<1x512x64xf32, #tpu.memory_space<hbm>> -> memref<512x64xf32, #tpu.memory_space<hbm>>
    %dma_wait3A_1351 = arith.constant 0 : i32
    %dma_wait3A_1352 = arith.constant 0 : i32
    %dma_wait3A_1353 = tpu.memref_slice %arg6[%dma_wait3A_1337, %dma_wait3A_1351, %dma_wait3A_1352] : memref<2x512x64xf32, #tpu.memory_space<vmem>> -> memref<1x512x64xf32, #tpu.memory_space<vmem>>
    %dma_wait3A_1354 = tpu.memref_squeeze %dma_wait3A_1353 : memref<1x512x64xf32, #tpu.memory_space<vmem>> -> memref<512x64xf32, #tpu.memory_space<vmem>>
    tpu.wait_dma2 semaphore(%arg10 : memref<!tpu.dma_semaphore, #tpu.memory_space<semaphore_mem>>) src(%dma_wait3A_1354 : memref<512x64xf32, #tpu.memory_space<vmem>>) dst(%dma_wait3A_1350 : memref<512x64xf32, #tpu.memory_space<hbm>>)
    %dma_start3A_1355 = arith.constant 23 : i32
    %dma_start3A_1356 = arith.constant 1 : i32
    %dma_start3A_1357 = arith.constant 0 : i32
    %dma_start3A_1358 = arith.constant 0 : i32
    %dma_start3A_1359 = tpu.memref_slice %arg6[%dma_start3A_1356, %dma_start3A_1357, %dma_start3A_1358] : memref<2x512x64xf32, #tpu.memory_space<vmem>> -> memref<1x512x64xf32, #tpu.memory_space<vmem>>
    %dma_start3A_1360 = tpu.memref_squeeze %dma_start3A_1359 : memref<1x512x64xf32, #tpu.memory_space<vmem>> -> memref<512x64xf32, #tpu.memory_space<vmem>>
    %dma_start3A_1361 = arith.constant 0 : i32
    %dma_start3A_1362 = tpu.memref_slice %arg5[%dma_start3A_1355, %dma_start3A_1361] : memref<26x512xi32, #tpu.memory_space<vmem>> -> memref<1x512xi32, #tpu.memory_space<vmem>>
    %dma_start3A_1363 = tpu.memref_squeeze %dma_start3A_1362 : memref<1x512xi32, #tpu.memory_space<vmem>> -> memref<512xi32, #tpu.memory_space<vmem>>
    %dma_start3A_1364 = arith.constant 0 : i32
    %dma_start3A_1365 = arith.constant 0 : i32
    %dma_start3A_1366 = tpu.memref_slice %arg3[%dma_start3A_1364, %dma_start3A_1365] : memref<1000000x64xf32, #tpu.memory_space<hbm>> -> memref<1000000x64xf32, #tpu.memory_space<hbm>>
    tpu.enqueue_indirect_dma source(%dma_start3A_1366 : memref<1000000x64xf32, #tpu.memory_space<hbm>>) target(%dma_start3A_1360 : memref<512x64xf32, #tpu.memory_space<vmem>>) offsets(%dma_start3A_1363 : memref<512xi32, #tpu.memory_space<vmem>>) semaphore(%arg8 : memref<!tpu.dma_semaphore, #tpu.memory_space<semaphore_mem>>)
    %dma_wait3A_1367 = arith.constant 0 : i32
    %dma_wait3A_1368 = arith.constant 0 : i32
    %dma_wait3A_1369 = arith.constant 0 : i32
    %dma_wait3A_1370 = tpu.memref_slice %arg6[%dma_wait3A_1367, %dma_wait3A_1368, %dma_wait3A_1369] : memref<2x512x64xf32, #tpu.memory_space<vmem>> -> memref<1x512x64xf32, #tpu.memory_space<vmem>>
    %dma_wait3A_1371 = tpu.memref_squeeze %dma_wait3A_1370 : memref<1x512x64xf32, #tpu.memory_space<vmem>> -> memref<512x64xf32, #tpu.memory_space<vmem>>
    %dma_wait3A_1372 = arith.constant 0 : i32
    %dma_wait3A_1373 = arith.constant 0 : i32
    %dma_wait3A_1374 = tpu.memref_slice %arg3[%dma_wait3A_1372, %dma_wait3A_1373] : memref<1000000x64xf32, #tpu.memory_space<hbm>> -> memref<512x64xf32, #tpu.memory_space<hbm>>
    %dma_wait3A_1375 = arith.constant 0 : i32
    %dma_wait3A_1376 = arith.constant 0 : i32
    %dma_wait3A_1377 = tpu.memref_slice %arg6[%dma_wait3A_1367, %dma_wait3A_1375, %dma_wait3A_1376] : memref<2x512x64xf32, #tpu.memory_space<vmem>> -> memref<1x512x64xf32, #tpu.memory_space<vmem>>
    %dma_wait3A_1378 = tpu.memref_squeeze %dma_wait3A_1377 : memref<1x512x64xf32, #tpu.memory_space<vmem>> -> memref<512x64xf32, #tpu.memory_space<vmem>>
    %dma_wait3A_1379 = arith.constant 0 : i32
    %dma_wait3A_1380 = arith.constant 0 : i32
    %dma_wait3A_1381 = tpu.memref_slice %arg3[%dma_wait3A_1379, %dma_wait3A_1380] : memref<1000000x64xf32, #tpu.memory_space<hbm>> -> memref<512x64xf32, #tpu.memory_space<hbm>>
    tpu.wait_dma2 semaphore(%arg7 : memref<!tpu.dma_semaphore, #tpu.memory_space<semaphore_mem>>) src(%dma_wait3A_1381 : memref<512x64xf32, #tpu.memory_space<hbm>>) dst(%dma_wait3A_1378 : memref<512x64xf32, #tpu.memory_space<vmem>>)
    %dma_start3A_1382 = arith.constant 0 : i32
    %dma_start3A_1383 = arith.constant 22 : i32
    %dma_start3A_1384 = arith.constant 0 : i32
    %dma_start3A_1385 = arith.constant 0 : i32
    %dma_start3A_1386 = tpu.memref_slice %arg6[%dma_start3A_1382, %dma_start3A_1384, %dma_start3A_1385] : memref<2x512x64xf32, #tpu.memory_space<vmem>> -> memref<1x512x64xf32, #tpu.memory_space<vmem>>
    %dma_start3A_1387 = tpu.memref_squeeze %dma_start3A_1386 : memref<1x512x64xf32, #tpu.memory_space<vmem>> -> memref<512x64xf32, #tpu.memory_space<vmem>>
    %dma_start3A_1388 = arith.constant 0 : i32
    %dma_start3A_1389 = tpu.memref_slice %arg4[%dma_start3A_1383, %mul3A_2, %dma_start3A_1388] : memref<26x16384x64xf32, #tpu.memory_space<hbm>> -> memref<1x512x64xf32, #tpu.memory_space<hbm>>
    %dma_start3A_1390 = tpu.memref_squeeze %dma_start3A_1389 : memref<1x512x64xf32, #tpu.memory_space<hbm>> -> memref<512x64xf32, #tpu.memory_space<hbm>>
    %dma_start3A_1391 = arith.constant 0 : i32
    %dma_start3A_1392 = tpu.memref_slice %arg4[%dma_start3A_1383, %mul3A_2, %dma_start3A_1391] : memref<26x16384x64xf32, #tpu.memory_space<hbm>> -> memref<1x512x64xf32, #tpu.memory_space<hbm>>
    %dma_start3A_1393 = tpu.memref_squeeze %dma_start3A_1392 : memref<1x512x64xf32, #tpu.memory_space<hbm>> -> memref<512x64xf32, #tpu.memory_space<hbm>>
    %dma_start3A_1394 = arith.constant 0 : i32
    %dma_start3A_1395 = arith.constant 0 : i32
    %dma_start3A_1396 = tpu.memref_slice %arg6[%dma_start3A_1382, %dma_start3A_1394, %dma_start3A_1395] : memref<2x512x64xf32, #tpu.memory_space<vmem>> -> memref<1x512x64xf32, #tpu.memory_space<vmem>>
    %dma_start3A_1397 = tpu.memref_squeeze %dma_start3A_1396 : memref<1x512x64xf32, #tpu.memory_space<vmem>> -> memref<512x64xf32, #tpu.memory_space<vmem>>
    tpu.enqueue_dma source(%dma_start3A_1397 : memref<512x64xf32, #tpu.memory_space<vmem>>) target(%dma_start3A_1393 : memref<512x64xf32, #tpu.memory_space<hbm>>) target_semaphore(%arg9 : memref<!tpu.dma_semaphore, #tpu.memory_space<semaphore_mem>>)
    %dma_wait3A_1398 = arith.constant 0 : i32
    %dma_wait3A_1399 = arith.constant 0 : i32
    %dma_wait3A_1400 = arith.constant 0 : i32
    %dma_wait3A_1401 = arith.constant 0 : i32
    %dma_wait3A_1402 = tpu.memref_slice %arg6[%dma_wait3A_1398, %dma_wait3A_1400, %dma_wait3A_1401] : memref<2x512x64xf32, #tpu.memory_space<vmem>> -> memref<1x512x64xf32, #tpu.memory_space<vmem>>
    %dma_wait3A_1403 = tpu.memref_squeeze %dma_wait3A_1402 : memref<1x512x64xf32, #tpu.memory_space<vmem>> -> memref<512x64xf32, #tpu.memory_space<vmem>>
    %dma_wait3A_1404 = arith.constant 0 : i32
    %dma_wait3A_1405 = arith.constant 0 : i32
    %dma_wait3A_1406 = tpu.memref_slice %arg4[%dma_wait3A_1399, %dma_wait3A_1404, %dma_wait3A_1405] : memref<26x16384x64xf32, #tpu.memory_space<hbm>> -> memref<1x512x64xf32, #tpu.memory_space<hbm>>
    %dma_wait3A_1407 = tpu.memref_squeeze %dma_wait3A_1406 : memref<1x512x64xf32, #tpu.memory_space<hbm>> -> memref<512x64xf32, #tpu.memory_space<hbm>>
    %dma_wait3A_1408 = arith.constant 0 : i32
    %dma_wait3A_1409 = arith.constant 0 : i32
    %dma_wait3A_1410 = tpu.memref_slice %arg4[%dma_wait3A_1399, %dma_wait3A_1408, %dma_wait3A_1409] : memref<26x16384x64xf32, #tpu.memory_space<hbm>> -> memref<1x512x64xf32, #tpu.memory_space<hbm>>
    %dma_wait3A_1411 = tpu.memref_squeeze %dma_wait3A_1410 : memref<1x512x64xf32, #tpu.memory_space<hbm>> -> memref<512x64xf32, #tpu.memory_space<hbm>>
    %dma_wait3A_1412 = arith.constant 0 : i32
    %dma_wait3A_1413 = arith.constant 0 : i32
    %dma_wait3A_1414 = tpu.memref_slice %arg6[%dma_wait3A_1398, %dma_wait3A_1412, %dma_wait3A_1413] : memref<2x512x64xf32, #tpu.memory_space<vmem>> -> memref<1x512x64xf32, #tpu.memory_space<vmem>>
    %dma_wait3A_1415 = tpu.memref_squeeze %dma_wait3A_1414 : memref<1x512x64xf32, #tpu.memory_space<vmem>> -> memref<512x64xf32, #tpu.memory_space<vmem>>
    tpu.wait_dma2 semaphore(%arg9 : memref<!tpu.dma_semaphore, #tpu.memory_space<semaphore_mem>>) src(%dma_wait3A_1415 : memref<512x64xf32, #tpu.memory_space<vmem>>) dst(%dma_wait3A_1411 : memref<512x64xf32, #tpu.memory_space<hbm>>)
    %dma_start3A_1416 = arith.constant 24 : i32
    %dma_start3A_1417 = arith.constant 0 : i32
    %dma_start3A_1418 = arith.constant 0 : i32
    %dma_start3A_1419 = arith.constant 0 : i32
    %dma_start3A_1420 = tpu.memref_slice %arg6[%dma_start3A_1417, %dma_start3A_1418, %dma_start3A_1419] : memref<2x512x64xf32, #tpu.memory_space<vmem>> -> memref<1x512x64xf32, #tpu.memory_space<vmem>>
    %dma_start3A_1421 = tpu.memref_squeeze %dma_start3A_1420 : memref<1x512x64xf32, #tpu.memory_space<vmem>> -> memref<512x64xf32, #tpu.memory_space<vmem>>
    %dma_start3A_1422 = arith.constant 0 : i32
    %dma_start3A_1423 = tpu.memref_slice %arg5[%dma_start3A_1416, %dma_start3A_1422] : memref<26x512xi32, #tpu.memory_space<vmem>> -> memref<1x512xi32, #tpu.memory_space<vmem>>
    %dma_start3A_1424 = tpu.memref_squeeze %dma_start3A_1423 : memref<1x512xi32, #tpu.memory_space<vmem>> -> memref<512xi32, #tpu.memory_space<vmem>>
    %dma_start3A_1425 = arith.constant 0 : i32
    %dma_start3A_1426 = arith.constant 0 : i32
    %dma_start3A_1427 = tpu.memref_slice %arg3[%dma_start3A_1425, %dma_start3A_1426] : memref<1000000x64xf32, #tpu.memory_space<hbm>> -> memref<1000000x64xf32, #tpu.memory_space<hbm>>
    tpu.enqueue_indirect_dma source(%dma_start3A_1427 : memref<1000000x64xf32, #tpu.memory_space<hbm>>) target(%dma_start3A_1421 : memref<512x64xf32, #tpu.memory_space<vmem>>) offsets(%dma_start3A_1424 : memref<512xi32, #tpu.memory_space<vmem>>) semaphore(%arg7 : memref<!tpu.dma_semaphore, #tpu.memory_space<semaphore_mem>>)
    %dma_wait3A_1428 = arith.constant 1 : i32
    %dma_wait3A_1429 = arith.constant 0 : i32
    %dma_wait3A_1430 = arith.constant 0 : i32
    %dma_wait3A_1431 = tpu.memref_slice %arg6[%dma_wait3A_1428, %dma_wait3A_1429, %dma_wait3A_1430] : memref<2x512x64xf32, #tpu.memory_space<vmem>> -> memref<1x512x64xf32, #tpu.memory_space<vmem>>
    %dma_wait3A_1432 = tpu.memref_squeeze %dma_wait3A_1431 : memref<1x512x64xf32, #tpu.memory_space<vmem>> -> memref<512x64xf32, #tpu.memory_space<vmem>>
    %dma_wait3A_1433 = arith.constant 0 : i32
    %dma_wait3A_1434 = arith.constant 0 : i32
    %dma_wait3A_1435 = tpu.memref_slice %arg3[%dma_wait3A_1433, %dma_wait3A_1434] : memref<1000000x64xf32, #tpu.memory_space<hbm>> -> memref<512x64xf32, #tpu.memory_space<hbm>>
    %dma_wait3A_1436 = arith.constant 0 : i32
    %dma_wait3A_1437 = arith.constant 0 : i32
    %dma_wait3A_1438 = tpu.memref_slice %arg6[%dma_wait3A_1428, %dma_wait3A_1436, %dma_wait3A_1437] : memref<2x512x64xf32, #tpu.memory_space<vmem>> -> memref<1x512x64xf32, #tpu.memory_space<vmem>>
    %dma_wait3A_1439 = tpu.memref_squeeze %dma_wait3A_1438 : memref<1x512x64xf32, #tpu.memory_space<vmem>> -> memref<512x64xf32, #tpu.memory_space<vmem>>
    %dma_wait3A_1440 = arith.constant 0 : i32
    %dma_wait3A_1441 = arith.constant 0 : i32
    %dma_wait3A_1442 = tpu.memref_slice %arg3[%dma_wait3A_1440, %dma_wait3A_1441] : memref<1000000x64xf32, #tpu.memory_space<hbm>> -> memref<512x64xf32, #tpu.memory_space<hbm>>
    tpu.wait_dma2 semaphore(%arg8 : memref<!tpu.dma_semaphore, #tpu.memory_space<semaphore_mem>>) src(%dma_wait3A_1442 : memref<512x64xf32, #tpu.memory_space<hbm>>) dst(%dma_wait3A_1439 : memref<512x64xf32, #tpu.memory_space<vmem>>)
    %dma_start3A_1443 = arith.constant 1 : i32
    %dma_start3A_1444 = arith.constant 23 : i32
    %dma_start3A_1445 = arith.constant 0 : i32
    %dma_start3A_1446 = arith.constant 0 : i32
    %dma_start3A_1447 = tpu.memref_slice %arg6[%dma_start3A_1443, %dma_start3A_1445, %dma_start3A_1446] : memref<2x512x64xf32, #tpu.memory_space<vmem>> -> memref<1x512x64xf32, #tpu.memory_space<vmem>>
    %dma_start3A_1448 = tpu.memref_squeeze %dma_start3A_1447 : memref<1x512x64xf32, #tpu.memory_space<vmem>> -> memref<512x64xf32, #tpu.memory_space<vmem>>
    %dma_start3A_1449 = arith.constant 0 : i32
    %dma_start3A_1450 = tpu.memref_slice %arg4[%dma_start3A_1444, %mul3A_2, %dma_start3A_1449] : memref<26x16384x64xf32, #tpu.memory_space<hbm>> -> memref<1x512x64xf32, #tpu.memory_space<hbm>>
    %dma_start3A_1451 = tpu.memref_squeeze %dma_start3A_1450 : memref<1x512x64xf32, #tpu.memory_space<hbm>> -> memref<512x64xf32, #tpu.memory_space<hbm>>
    %dma_start3A_1452 = arith.constant 0 : i32
    %dma_start3A_1453 = tpu.memref_slice %arg4[%dma_start3A_1444, %mul3A_2, %dma_start3A_1452] : memref<26x16384x64xf32, #tpu.memory_space<hbm>> -> memref<1x512x64xf32, #tpu.memory_space<hbm>>
    %dma_start3A_1454 = tpu.memref_squeeze %dma_start3A_1453 : memref<1x512x64xf32, #tpu.memory_space<hbm>> -> memref<512x64xf32, #tpu.memory_space<hbm>>
    %dma_start3A_1455 = arith.constant 0 : i32
    %dma_start3A_1456 = arith.constant 0 : i32
    %dma_start3A_1457 = tpu.memref_slice %arg6[%dma_start3A_1443, %dma_start3A_1455, %dma_start3A_1456] : memref<2x512x64xf32, #tpu.memory_space<vmem>> -> memref<1x512x64xf32, #tpu.memory_space<vmem>>
    %dma_start3A_1458 = tpu.memref_squeeze %dma_start3A_1457 : memref<1x512x64xf32, #tpu.memory_space<vmem>> -> memref<512x64xf32, #tpu.memory_space<vmem>>
    tpu.enqueue_dma source(%dma_start3A_1458 : memref<512x64xf32, #tpu.memory_space<vmem>>) target(%dma_start3A_1454 : memref<512x64xf32, #tpu.memory_space<hbm>>) target_semaphore(%arg10 : memref<!tpu.dma_semaphore, #tpu.memory_space<semaphore_mem>>)
    %dma_wait3A_1459 = arith.constant 1 : i32
    %dma_wait3A_1460 = arith.constant 0 : i32
    %dma_wait3A_1461 = arith.constant 0 : i32
    %dma_wait3A_1462 = arith.constant 0 : i32
    %dma_wait3A_1463 = tpu.memref_slice %arg6[%dma_wait3A_1459, %dma_wait3A_1461, %dma_wait3A_1462] : memref<2x512x64xf32, #tpu.memory_space<vmem>> -> memref<1x512x64xf32, #tpu.memory_space<vmem>>
    %dma_wait3A_1464 = tpu.memref_squeeze %dma_wait3A_1463 : memref<1x512x64xf32, #tpu.memory_space<vmem>> -> memref<512x64xf32, #tpu.memory_space<vmem>>
    %dma_wait3A_1465 = arith.constant 0 : i32
    %dma_wait3A_1466 = arith.constant 0 : i32
    %dma_wait3A_1467 = tpu.memref_slice %arg4[%dma_wait3A_1460, %dma_wait3A_1465, %dma_wait3A_1466] : memref<26x16384x64xf32, #tpu.memory_space<hbm>> -> memref<1x512x64xf32, #tpu.memory_space<hbm>>
    %dma_wait3A_1468 = tpu.memref_squeeze %dma_wait3A_1467 : memref<1x512x64xf32, #tpu.memory_space<hbm>> -> memref<512x64xf32, #tpu.memory_space<hbm>>
    %dma_wait3A_1469 = arith.constant 0 : i32
    %dma_wait3A_1470 = arith.constant 0 : i32
    %dma_wait3A_1471 = tpu.memref_slice %arg4[%dma_wait3A_1460, %dma_wait3A_1469, %dma_wait3A_1470] : memref<26x16384x64xf32, #tpu.memory_space<hbm>> -> memref<1x512x64xf32, #tpu.memory_space<hbm>>
    %dma_wait3A_1472 = tpu.memref_squeeze %dma_wait3A_1471 : memref<1x512x64xf32, #tpu.memory_space<hbm>> -> memref<512x64xf32, #tpu.memory_space<hbm>>
    %dma_wait3A_1473 = arith.constant 0 : i32
    %dma_wait3A_1474 = arith.constant 0 : i32
    %dma_wait3A_1475 = tpu.memref_slice %arg6[%dma_wait3A_1459, %dma_wait3A_1473, %dma_wait3A_1474] : memref<2x512x64xf32, #tpu.memory_space<vmem>> -> memref<1x512x64xf32, #tpu.memory_space<vmem>>
    %dma_wait3A_1476 = tpu.memref_squeeze %dma_wait3A_1475 : memref<1x512x64xf32, #tpu.memory_space<vmem>> -> memref<512x64xf32, #tpu.memory_space<vmem>>
    tpu.wait_dma2 semaphore(%arg10 : memref<!tpu.dma_semaphore, #tpu.memory_space<semaphore_mem>>) src(%dma_wait3A_1476 : memref<512x64xf32, #tpu.memory_space<vmem>>) dst(%dma_wait3A_1472 : memref<512x64xf32, #tpu.memory_space<hbm>>)
    %dma_start3A_1477 = arith.constant 25 : i32
    %dma_start3A_1478 = arith.constant 1 : i32
    %dma_start3A_1479 = arith.constant 0 : i32
    %dma_start3A_1480 = arith.constant 0 : i32
    %dma_start3A_1481 = tpu.memref_slice %arg6[%dma_start3A_1478, %dma_start3A_1479, %dma_start3A_1480] : memref<2x512x64xf32, #tpu.memory_space<vmem>> -> memref<1x512x64xf32, #tpu.memory_space<vmem>>
    %dma_start3A_1482 = tpu.memref_squeeze %dma_start3A_1481 : memref<1x512x64xf32, #tpu.memory_space<vmem>> -> memref<512x64xf32, #tpu.memory_space<vmem>>
    %dma_start3A_1483 = arith.constant 0 : i32
    %dma_start3A_1484 = tpu.memref_slice %arg5[%dma_start3A_1477, %dma_start3A_1483] : memref<26x512xi32, #tpu.memory_space<vmem>> -> memref<1x512xi32, #tpu.memory_space<vmem>>
    %dma_start3A_1485 = tpu.memref_squeeze %dma_start3A_1484 : memref<1x512xi32, #tpu.memory_space<vmem>> -> memref<512xi32, #tpu.memory_space<vmem>>
    %dma_start3A_1486 = arith.constant 0 : i32
    %dma_start3A_1487 = arith.constant 0 : i32
    %dma_start3A_1488 = tpu.memref_slice %arg3[%dma_start3A_1486, %dma_start3A_1487] : memref<1000000x64xf32, #tpu.memory_space<hbm>> -> memref<1000000x64xf32, #tpu.memory_space<hbm>>
    tpu.enqueue_indirect_dma source(%dma_start3A_1488 : memref<1000000x64xf32, #tpu.memory_space<hbm>>) target(%dma_start3A_1482 : memref<512x64xf32, #tpu.memory_space<vmem>>) offsets(%dma_start3A_1485 : memref<512xi32, #tpu.memory_space<vmem>>) semaphore(%arg8 : memref<!tpu.dma_semaphore, #tpu.memory_space<semaphore_mem>>)
    %dma_wait3A_1489 = arith.constant 0 : i32
    %dma_wait3A_1490 = arith.constant 0 : i32
    %dma_wait3A_1491 = arith.constant 0 : i32
    %dma_wait3A_1492 = tpu.memref_slice %arg6[%dma_wait3A_1489, %dma_wait3A_1490, %dma_wait3A_1491] : memref<2x512x64xf32, #tpu.memory_space<vmem>> -> memref<1x512x64xf32, #tpu.memory_space<vmem>>
    %dma_wait3A_1493 = tpu.memref_squeeze %dma_wait3A_1492 : memref<1x512x64xf32, #tpu.memory_space<vmem>> -> memref<512x64xf32, #tpu.memory_space<vmem>>
    %dma_wait3A_1494 = arith.constant 0 : i32
    %dma_wait3A_1495 = arith.constant 0 : i32
    %dma_wait3A_1496 = tpu.memref_slice %arg3[%dma_wait3A_1494, %dma_wait3A_1495] : memref<1000000x64xf32, #tpu.memory_space<hbm>> -> memref<512x64xf32, #tpu.memory_space<hbm>>
    %dma_wait3A_1497 = arith.constant 0 : i32
    %dma_wait3A_1498 = arith.constant 0 : i32
    %dma_wait3A_1499 = tpu.memref_slice %arg6[%dma_wait3A_1489, %dma_wait3A_1497, %dma_wait3A_1498] : memref<2x512x64xf32, #tpu.memory_space<vmem>> -> memref<1x512x64xf32, #tpu.memory_space<vmem>>
    %dma_wait3A_1500 = tpu.memref_squeeze %dma_wait3A_1499 : memref<1x512x64xf32, #tpu.memory_space<vmem>> -> memref<512x64xf32, #tpu.memory_space<vmem>>
    %dma_wait3A_1501 = arith.constant 0 : i32
    %dma_wait3A_1502 = arith.constant 0 : i32
    %dma_wait3A_1503 = tpu.memref_slice %arg3[%dma_wait3A_1501, %dma_wait3A_1502] : memref<1000000x64xf32, #tpu.memory_space<hbm>> -> memref<512x64xf32, #tpu.memory_space<hbm>>
    tpu.wait_dma2 semaphore(%arg7 : memref<!tpu.dma_semaphore, #tpu.memory_space<semaphore_mem>>) src(%dma_wait3A_1503 : memref<512x64xf32, #tpu.memory_space<hbm>>) dst(%dma_wait3A_1500 : memref<512x64xf32, #tpu.memory_space<vmem>>)
    %dma_start3A_1504 = arith.constant 0 : i32
    %dma_start3A_1505 = arith.constant 24 : i32
    %dma_start3A_1506 = arith.constant 0 : i32
    %dma_start3A_1507 = arith.constant 0 : i32
    %dma_start3A_1508 = tpu.memref_slice %arg6[%dma_start3A_1504, %dma_start3A_1506, %dma_start3A_1507] : memref<2x512x64xf32, #tpu.memory_space<vmem>> -> memref<1x512x64xf32, #tpu.memory_space<vmem>>
    %dma_start3A_1509 = tpu.memref_squeeze %dma_start3A_1508 : memref<1x512x64xf32, #tpu.memory_space<vmem>> -> memref<512x64xf32, #tpu.memory_space<vmem>>
    %dma_start3A_1510 = arith.constant 0 : i32
    %dma_start3A_1511 = tpu.memref_slice %arg4[%dma_start3A_1505, %mul3A_2, %dma_start3A_1510] : memref<26x16384x64xf32, #tpu.memory_space<hbm>> -> memref<1x512x64xf32, #tpu.memory_space<hbm>>
    %dma_start3A_1512 = tpu.memref_squeeze %dma_start3A_1511 : memref<1x512x64xf32, #tpu.memory_space<hbm>> -> memref<512x64xf32, #tpu.memory_space<hbm>>
    %dma_start3A_1513 = arith.constant 0 : i32
    %dma_start3A_1514 = tpu.memref_slice %arg4[%dma_start3A_1505, %mul3A_2, %dma_start3A_1513] : memref<26x16384x64xf32, #tpu.memory_space<hbm>> -> memref<1x512x64xf32, #tpu.memory_space<hbm>>
    %dma_start3A_1515 = tpu.memref_squeeze %dma_start3A_1514 : memref<1x512x64xf32, #tpu.memory_space<hbm>> -> memref<512x64xf32, #tpu.memory_space<hbm>>
    %dma_start3A_1516 = arith.constant 0 : i32
    %dma_start3A_1517 = arith.constant 0 : i32
    %dma_start3A_1518 = tpu.memref_slice %arg6[%dma_start3A_1504, %dma_start3A_1516, %dma_start3A_1517] : memref<2x512x64xf32, #tpu.memory_space<vmem>> -> memref<1x512x64xf32, #tpu.memory_space<vmem>>
    %dma_start3A_1519 = tpu.memref_squeeze %dma_start3A_1518 : memref<1x512x64xf32, #tpu.memory_space<vmem>> -> memref<512x64xf32, #tpu.memory_space<vmem>>
    tpu.enqueue_dma source(%dma_start3A_1519 : memref<512x64xf32, #tpu.memory_space<vmem>>) target(%dma_start3A_1515 : memref<512x64xf32, #tpu.memory_space<hbm>>) target_semaphore(%arg9 : memref<!tpu.dma_semaphore, #tpu.memory_space<semaphore_mem>>)
    %dma_wait3A_1520 = arith.constant 1 : i32
    %dma_wait3A_1521 = arith.constant 0 : i32
    %dma_wait3A_1522 = arith.constant 0 : i32
    %dma_wait3A_1523 = tpu.memref_slice %arg6[%dma_wait3A_1520, %dma_wait3A_1521, %dma_wait3A_1522] : memref<2x512x64xf32, #tpu.memory_space<vmem>> -> memref<1x512x64xf32, #tpu.memory_space<vmem>>
    %dma_wait3A_1524 = tpu.memref_squeeze %dma_wait3A_1523 : memref<1x512x64xf32, #tpu.memory_space<vmem>> -> memref<512x64xf32, #tpu.memory_space<vmem>>
    %dma_wait3A_1525 = arith.constant 0 : i32
    %dma_wait3A_1526 = arith.constant 0 : i32
    %dma_wait3A_1527 = tpu.memref_slice %arg3[%dma_wait3A_1525, %dma_wait3A_1526] : memref<1000000x64xf32, #tpu.memory_space<hbm>> -> memref<512x64xf32, #tpu.memory_space<hbm>>
    %dma_wait3A_1528 = arith.constant 0 : i32
    %dma_wait3A_1529 = arith.constant 0 : i32
    %dma_wait3A_1530 = tpu.memref_slice %arg6[%dma_wait3A_1520, %dma_wait3A_1528, %dma_wait3A_1529] : memref<2x512x64xf32, #tpu.memory_space<vmem>> -> memref<1x512x64xf32, #tpu.memory_space<vmem>>
    %dma_wait3A_1531 = tpu.memref_squeeze %dma_wait3A_1530 : memref<1x512x64xf32, #tpu.memory_space<vmem>> -> memref<512x64xf32, #tpu.memory_space<vmem>>
    %dma_wait3A_1532 = arith.constant 0 : i32
    %dma_wait3A_1533 = arith.constant 0 : i32
    %dma_wait3A_1534 = tpu.memref_slice %arg3[%dma_wait3A_1532, %dma_wait3A_1533] : memref<1000000x64xf32, #tpu.memory_space<hbm>> -> memref<512x64xf32, #tpu.memory_space<hbm>>
    tpu.wait_dma2 semaphore(%arg8 : memref<!tpu.dma_semaphore, #tpu.memory_space<semaphore_mem>>) src(%dma_wait3A_1534 : memref<512x64xf32, #tpu.memory_space<hbm>>) dst(%dma_wait3A_1531 : memref<512x64xf32, #tpu.memory_space<vmem>>)
    %dma_start3A_1535 = arith.constant 1 : i32
    %dma_start3A_1536 = arith.constant 25 : i32
    %dma_start3A_1537 = arith.constant 0 : i32
    %dma_start3A_1538 = arith.constant 0 : i32
    %dma_start3A_1539 = tpu.memref_slice %arg6[%dma_start3A_1535, %dma_start3A_1537, %dma_start3A_1538] : memref<2x512x64xf32, #tpu.memory_space<vmem>> -> memref<1x512x64xf32, #tpu.memory_space<vmem>>
    %dma_start3A_1540 = tpu.memref_squeeze %dma_start3A_1539 : memref<1x512x64xf32, #tpu.memory_space<vmem>> -> memref<512x64xf32, #tpu.memory_space<vmem>>
    %dma_start3A_1541 = arith.constant 0 : i32
    %dma_start3A_1542 = tpu.memref_slice %arg4[%dma_start3A_1536, %mul3A_2, %dma_start3A_1541] : memref<26x16384x64xf32, #tpu.memory_space<hbm>> -> memref<1x512x64xf32, #tpu.memory_space<hbm>>
    %dma_start3A_1543 = tpu.memref_squeeze %dma_start3A_1542 : memref<1x512x64xf32, #tpu.memory_space<hbm>> -> memref<512x64xf32, #tpu.memory_space<hbm>>
    %dma_start3A_1544 = arith.constant 0 : i32
    %dma_start3A_1545 = tpu.memref_slice %arg4[%dma_start3A_1536, %mul3A_2, %dma_start3A_1544] : memref<26x16384x64xf32, #tpu.memory_space<hbm>> -> memref<1x512x64xf32, #tpu.memory_space<hbm>>
    %dma_start3A_1546 = tpu.memref_squeeze %dma_start3A_1545 : memref<1x512x64xf32, #tpu.memory_space<hbm>> -> memref<512x64xf32, #tpu.memory_space<hbm>>
    %dma_start3A_1547 = arith.constant 0 : i32
    %dma_start3A_1548 = arith.constant 0 : i32
    %dma_start3A_1549 = tpu.memref_slice %arg6[%dma_start3A_1535, %dma_start3A_1547, %dma_start3A_1548] : memref<2x512x64xf32, #tpu.memory_space<vmem>> -> memref<1x512x64xf32, #tpu.memory_space<vmem>>
    %dma_start3A_1550 = tpu.memref_squeeze %dma_start3A_1549 : memref<1x512x64xf32, #tpu.memory_space<vmem>> -> memref<512x64xf32, #tpu.memory_space<vmem>>
    tpu.enqueue_dma source(%dma_start3A_1550 : memref<512x64xf32, #tpu.memory_space<vmem>>) target(%dma_start3A_1546 : memref<512x64xf32, #tpu.memory_space<hbm>>) target_semaphore(%arg10 : memref<!tpu.dma_semaphore, #tpu.memory_space<semaphore_mem>>)
    %dma_wait3A_1551 = arith.constant 0 : i32
    %dma_wait3A_1552 = arith.constant 0 : i32
    %dma_wait3A_1553 = arith.constant 0 : i32
    %dma_wait3A_1554 = arith.constant 0 : i32
    %dma_wait3A_1555 = tpu.memref_slice %arg6[%dma_wait3A_1551, %dma_wait3A_1553, %dma_wait3A_1554] : memref<2x512x64xf32, #tpu.memory_space<vmem>> -> memref<1x512x64xf32, #tpu.memory_space<vmem>>
    %dma_wait3A_1556 = tpu.memref_squeeze %dma_wait3A_1555 : memref<1x512x64xf32, #tpu.memory_space<vmem>> -> memref<512x64xf32, #tpu.memory_space<vmem>>
    %dma_wait3A_1557 = arith.constant 0 : i32
    %dma_wait3A_1558 = arith.constant 0 : i32
    %dma_wait3A_1559 = tpu.memref_slice %arg4[%dma_wait3A_1552, %dma_wait3A_1557, %dma_wait3A_1558] : memref<26x16384x64xf32, #tpu.memory_space<hbm>> -> memref<1x512x64xf32, #tpu.memory_space<hbm>>
    %dma_wait3A_1560 = tpu.memref_squeeze %dma_wait3A_1559 : memref<1x512x64xf32, #tpu.memory_space<hbm>> -> memref<512x64xf32, #tpu.memory_space<hbm>>
    %dma_wait3A_1561 = arith.constant 0 : i32
    %dma_wait3A_1562 = arith.constant 0 : i32
    %dma_wait3A_1563 = tpu.memref_slice %arg4[%dma_wait3A_1552, %dma_wait3A_1561, %dma_wait3A_1562] : memref<26x16384x64xf32, #tpu.memory_space<hbm>> -> memref<1x512x64xf32, #tpu.memory_space<hbm>>
    %dma_wait3A_1564 = tpu.memref_squeeze %dma_wait3A_1563 : memref<1x512x64xf32, #tpu.memory_space<hbm>> -> memref<512x64xf32, #tpu.memory_space<hbm>>
    %dma_wait3A_1565 = arith.constant 0 : i32
    %dma_wait3A_1566 = arith.constant 0 : i32
    %dma_wait3A_1567 = tpu.memref_slice %arg6[%dma_wait3A_1551, %dma_wait3A_1565, %dma_wait3A_1566] : memref<2x512x64xf32, #tpu.memory_space<vmem>> -> memref<1x512x64xf32, #tpu.memory_space<vmem>>
    %dma_wait3A_1568 = tpu.memref_squeeze %dma_wait3A_1567 : memref<1x512x64xf32, #tpu.memory_space<vmem>> -> memref<512x64xf32, #tpu.memory_space<vmem>>
    tpu.wait_dma2 semaphore(%arg9 : memref<!tpu.dma_semaphore, #tpu.memory_space<semaphore_mem>>) src(%dma_wait3A_1568 : memref<512x64xf32, #tpu.memory_space<vmem>>) dst(%dma_wait3A_1564 : memref<512x64xf32, #tpu.memory_space<hbm>>)
    %dma_wait3A_1569 = arith.constant 1 : i32
    %dma_wait3A_1570 = arith.constant 0 : i32
    %dma_wait3A_1571 = arith.constant 0 : i32
    %dma_wait3A_1572 = arith.constant 0 : i32
    %dma_wait3A_1573 = tpu.memref_slice %arg6[%dma_wait3A_1569, %dma_wait3A_1571, %dma_wait3A_1572] : memref<2x512x64xf32, #tpu.memory_space<vmem>> -> memref<1x512x64xf32, #tpu.memory_space<vmem>>
    %dma_wait3A_1574 = tpu.memref_squeeze %dma_wait3A_1573 : memref<1x512x64xf32, #tpu.memory_space<vmem>> -> memref<512x64xf32, #tpu.memory_space<vmem>>
    %dma_wait3A_1575 = arith.constant 0 : i32
    %dma_wait3A_1576 = arith.constant 0 : i32
    %dma_wait3A_1577 = tpu.memref_slice %arg4[%dma_wait3A_1570, %dma_wait3A_1575, %dma_wait3A_1576] : memref<26x16384x64xf32, #tpu.memory_space<hbm>> -> memref<1x512x64xf32, #tpu.memory_space<hbm>>
    %dma_wait3A_1578 = tpu.memref_squeeze %dma_wait3A_1577 : memref<1x512x64xf32, #tpu.memory_space<hbm>> -> memref<512x64xf32, #tpu.memory_space<hbm>>
    %dma_wait3A_1579 = arith.constant 0 : i32
    %dma_wait3A_1580 = arith.constant 0 : i32
    %dma_wait3A_1581 = tpu.memref_slice %arg4[%dma_wait3A_1570, %dma_wait3A_1579, %dma_wait3A_1580] : memref<26x16384x64xf32, #tpu.memory_space<hbm>> -> memref<1x512x64xf32, #tpu.memory_space<hbm>>
    %dma_wait3A_1582 = tpu.memref_squeeze %dma_wait3A_1581 : memref<1x512x64xf32, #tpu.memory_space<hbm>> -> memref<512x64xf32, #tpu.memory_space<hbm>>
    %dma_wait3A_1583 = arith.constant 0 : i32
    %dma_wait3A_1584 = arith.constant 0 : i32
    %dma_wait3A_1585 = tpu.memref_slice %arg6[%dma_wait3A_1569, %dma_wait3A_1583, %dma_wait3A_1584] : memref<2x512x64xf32, #tpu.memory_space<vmem>> -> memref<1x512x64xf32, #tpu.memory_space<vmem>>
    %dma_wait3A_1586 = tpu.memref_squeeze %dma_wait3A_1585 : memref<1x512x64xf32, #tpu.memory_space<vmem>> -> memref<512x64xf32, #tpu.memory_space<vmem>>
    tpu.wait_dma2 semaphore(%arg10 : memref<!tpu.dma_semaphore, #tpu.memory_space<semaphore_mem>>) src(%dma_wait3A_1586 : memref<512x64xf32, #tpu.memory_space<vmem>>) dst(%dma_wait3A_1582 : memref<512x64xf32, #tpu.memory_space<hbm>>)
    return
  }
}

</mosaic_0001>

<sc_bundles>
// kernel: kernel.3.cloned.1.call-start
scs
__scs_entry_jumppad:
0x0: {  	(pc) =	sbr.rel $0x88, $3  }
0x1: {  	(tag) =	ssettag $0x0;
	lr =	simm.s32 $0x1  }
0x2: {  	[smem:$0x3F9F] =	sst lr;
	_ =	strace $0xD0000000  }
0x3: {  	_ = 	snop  }
0x4: {  	_ = 	snop  }
0x5: {  	_ = 	snop  }
0x6: {  	_ = 	snop  }
0x7: {  	_ = 	snop  }
__scs_overlays_trampoline_lowered:
0x8: {  	[smem:$0x3FAE] =	sst s0  }
0x9: {  	[smem:$0x3FAF] =	sst s1  }
0xa: {  	[smem:$0x3FB0] =	sst s2  }
0xb: {  	[smem:$0x3FB1] =	sst s3  }
0xc: {  	[smem:$0x3FB2] =	sst s4  }
0xd: {  	[smem:$0x3FB3] =	sst s5  }
0xe: {  	[smem:$0x3FB4] =	sst s6  }
0xf: {  	[smem:$0x3FB5] =	sst s7  }
0x10: {  	[smem:$0x3FB6] =	sst s8  }
0x11: {  	[smem:$0x3FB7] =	sst s9;
	s0 =	simm.s32 @!p0 $0x0  }
0x12: {  	s1 =	sld [smem:$0x3F9D];
	s0 =	simm.s32 @p0 $0x1  }
0x13: {  	[smem:$0x3FB8] =	sst s0;
	s0 =	simm.s32 @!p1 $0x0  }
0x14: {  	s2 =	sld [smem:$0x3F9C];
	s0 =	simm.s32 @p1 $0x1  }
0x15: {  	[smem:$0x3FB9] =	sst s0;
	s0 =	simm.s32 @!p2 $0x0  }
0x16: {  	s3 =	sld [smem:$0x3FDB];
	s0 =	simm.s32 @p2 $0x1  }
0x17: {  	s4 =	simm.s32 $0x1BF5;
	[smem:$0x3FBB] =	sst s0  }
0x18: {  	s0 =	sld [smem:$0x3F9E];
	_ =	swait.ge [sflag:s4], $0x0  }
0x19: {  	s7 =	sld [smem:$0x3F9F]  }
0x1a: {  	s8 =	sadd.s32 $0xFFFFE003, lr  }
0x1b: {  	s9 =	sadd.s32 $0xFFFFFEF7, lr;
	s5 =	simm.s32 $0xFFFFFFFF;
	p2 =	slt.u32 s8, $0xFFFFF086  }
0x1c: {  	p1 =	slt.u32 s9, $0xF7A;
	s5 =	simm.s32 @!p2 $0x0  }
0x1d: {  	s5 =	simm.s32 @p1 $0x1;
	p0 =	seq.s32 s7, s2  }
0x1e: {  	s7 =	smul.u32 @!p0 $0xF7A, s2;
	p2 =	seq.s32 @!p0 s5, $0x0  }
0x1f: {  	s9 =	smul.u32 $0xF7A, s1;
	s8 =	simm.s32 @!p0 $0x1BF5;
	p2 =	por !p2, p0  }
0x20: {  	[sflag:s8] =	ssyncset.s32 @!p0 $0xFFFFF086;
	s6 =	sadd.s32 @!p0 s3, s7;
	s7 =	simm.s32 @!p0 $0x108  }
0x21: {  	s3 =	sadd.s32 s3, s9;
	s6 =	sadd.s32 @!p0 $0x88, s6;
	s7 =	simm.s32 @p2 $0x1082  }
0x22: {  	[simem:s7], [sflag:s8] =	dma.local @!p0 [hbm:s6], $0xF7A  }
0x23: {  	s9 =	sor.u32 $0xD0000000, s2;
	s6 =	simm.s32 $0x108;
	_ =	swait.ge @!p0 [sflag:s8], $0x0  }
0x24: {  	s3 =	sadd.s32 $0x88, s3;
	s6 =	simm.s32 @!p1 $0x1082;
	[sflag:s4] =	ssyncset.s32 $0xFFFFF086  }
0x25: {  	[simem:s6], [sflag:s4] =	dma.local [hbm:s3], $0xF7A  }
0x26: {  	[smem:$0x3F9F] =	sst s1;
	(tag) =	ssettag s2;
	_ =	strace s9  }
0x27: {  	s1 =	sld [smem:$0x3FAF]  }
0x28: {  	s2 =	sld [smem:$0x3FB0]  }
0x29: {  	s4 =	sld [smem:$0x3FB2]  }
0x2a: {  	p0 =	seq.s32 s5, $0x0;
	s5 =	sld [smem:$0x3FB3]  }
0x2b: {  	s6 =	sld [smem:$0x3FB4]  }
0x2c: {  	s7 =	sld [smem:$0x3FB5]  }
0x2d: {  	s3 =	simm.s32 $0x108;
	s8 =	sld [smem:$0x3FB6]  }
0x2e: {  	s3 =	simm.s32 @!p0 $0x1082;
	s9 =	sld [smem:$0x3FB7]  }
0x2f: {  	lr =	sadd.s32 s0, s3;
	s0 =	sld [smem:$0x3FAE]  }
0x30: {  	s3 =	sld [smem:$0x3FB1]  }
0x31: {  	[smem:$0x3FBA] =	sst s10  }
0x32: {  	s10 =	sld [smem:$0x3FB8];
	_ =	sdelay $0x3  }
0x33: {  	p0 =	seq.s32 s10, $0x1;
	s10 =	sld [smem:$0x3FBA];
	_ =	sdelay $0x3  }
0x34: {  	[smem:$0x3FBA] =	sst s10  }
0x35: {  	s10 =	sld [smem:$0x3FB9];
	_ =	sdelay $0x3  }
0x36: {  	p1 =	seq.s32 s10, $0x1;
	s10 =	sld [smem:$0x3FBA];
	_ =	sdelay $0x3  }
0x37: {  	[smem:$0x3FBA] =	sst s10  }
0x38: {  	s10 =	sld [smem:$0x3FBB]  }
0x39: {  	_ = 	snop;
	(pc) =	sbr.ind lr, $3  }
0x3a: {  	_ = 	snop  }
0x3b: {  	_ = 	snop  }
0x3c: {  	p2 =	seq.s32 s10, $0x1;
	s10 =	sld [smem:$0x3FBA]  }
0x3d: {  	_ =	shalt  }
0x3e: {  	_ =	shalt  }
0x3f: {  	_ =	shalt  }
0x40: {  	_ =	shalt  }
0x41: {  	_ =	shalt  }
0x42: {  	_ =	shalt  }
0x43: {  	_ =	shalt  }
0x44: {  	_ =	shalt  }
0x45: {  	_ =	shalt  }
0x46: {  	_ =	shalt  }
0x47: {  	_ =	shalt  }
0x48: {  	_ =	shalt  }
0x49: {  	_ =	shalt  }
0x4a: {  	_ =	shalt  }
0x4b: {  	_ =	shalt  }
0x4c: {  	_ =	shalt  }
0x4d: {  	_ =	shalt  }
0x4e: {  	_ =	shalt  }
0x4f: {  	_ =	shalt  }
0x50: {  	_ =	shalt  }
0x51: {  	_ =	shalt  }
0x52: {  	_ =	shalt  }
0x53: {  	_ =	shalt  }
0x54: {  	_ =	shalt  }
0x55: {  	_ =	shalt  }
0x56: {  	_ =	shalt  }
0x57: {  	_ =	shalt  }
0x58: {  	_ =	shalt  }
0x59: {  	_ =	shalt  }
0x5a: {  	_ =	shalt  }
0x5b: {  	_ =	shalt  }
0x5c: {  	_ =	shalt  }
0x5d: {  	_ =	shalt  }
0x5e: {  	_ =	shalt  }
0x5f: {  	_ =	shalt  }
0x60: {  	_ =	shalt  }
0x61: {  	_ =	shalt  }
0x62: {  	_ =	shalt  }
0x63: {  	_ =	shalt  }
0x64: {  	_ =	shalt  }
0x65: {  	_ =	shalt  }
0x66: {  	_ =	shalt  }
0x67: {  	_ =	shalt  }
0x68: {  	_ =	shalt  }
0x69: {  	_ =	shalt  }
0x6a: {  	_ =	shalt  }
0x6b: {  	_ =	shalt  }
0x6c: {  	_ =	shalt  }
0x6d: {  	_ =	shalt  }
0x6e: {  	_ =	shalt  }
0x6f: {  	_ =	shalt  }
0x70: {  	_ =	shalt  }
0x71: {  	_ =	shalt  }
0x72: {  	_ =	shalt  }
0x73: {  	_ =	shalt  }
0x74: {  	_ =	shalt  }
0x75: {  	_ =	shalt  }
0x76: {  	_ =	shalt  }
0x77: {  	_ =	shalt  }
0x78: {  	_ =	shalt  }
0x79: {  	_ =	shalt  }
0x7a: {  	_ =	shalt  }
0x7b: {  	_ =	shalt  }
0x7c: {  	_ =	shalt  }
0x7d: {  	_ =	shalt  }
0x7e: {  	_ =	shalt  }
0x7f: {  	_ =	shalt  }
0x80: {  	_ =	shalt  }
0x81: {  	_ =	shalt  }
0x82: {  	_ =	shalt  }
0x83: {  	_ =	shalt  }
0x84: {  	_ =	shalt  }
0x85: {  	_ =	shalt  }
0x86: {  	_ =	shalt  }
0x87: {  	_ =	shalt  }
.Lfunc_end0:
.L_simem_size_0:
called_computation.1_lowered:
.L_overlay_start_0:
0x88: {  	s2 =	sld [smem:$0x3FD9]  }
0x89: {  	s3 =	sld [smem:$0x3FFE];
	_ =	sdelay $0x1  }
0x8a: {  	s1 =	srdreg.scid  }
0x8b: {  	s0 =	sand.u32 $0x1, s1  }
0x8c: {  	s17 =	sshll.u32 s0, $0xA;
	s2 =	sadd.s32 s3, s2  }
0x8d: {  	s2 =	sadd.s32 s2, s17  }
0x8e: {  	[smem:$0x3FC6] =	sst s2  }
0x8f: {  	_ = 	snop  }
0x90: {  	s2 =	sld [smem:$0x3FD0];
	(tm) =	ssettm $0x1  }
0x91: {  	s18 =	sld [smem:$0x3FFB];
	_ =	sdelay $0x3  }
0x92: {  	_ =	strace s18  }
0x93: {  	s3 =	sld [smem:$0x3FFC];
	_ =	sdelay $0x3  }
0x94: {  	_ =	strace s3  }
0x95: {  	s3 =	sld [smem:$0x3FFD];
	_ =	sdelay $0x3  }
0x96: {  	_ =	strace s3  }
0x97: {  	_ =	strace $0x8FFFFFFF  }
0x98: {  	s19 =	sld [smem:$0x3FDB];
	_ =	sdelay $0x1  }
0x99: {  	s4 =	simm.s32 $_scs_section_size  }
0x9a: {  	s5 =	simm.s32 $_size__tile_overlayer_lowered;
	s6 =	simm.s32 $_tile_overlayer_lowered  }
0x9b: {  	s22 =	simm.s32 $0x1BFF;
	s21 =	sshll.u32 s6, $0x1;
	s3 =	sadd.s32 s4, s19  }
0x9c: {  	s7 =	simm.s32 $0x0;
	s20 =	sshll.u32 s5, $0x1;
	s5 =	sadd.s32 s21, s3  }
0x9d: {  	[timem:s7], [sflag:s22] =	dma.local [hbm:s5], s20  }
0x9e: {  	_ =	swait.ge [sflag:s22], s20  }
0x9f: {  	s4 =	ssub.s32 $0x0, s20;
	[sflag:s22] =	ssyncset.done $0x0  }
0xa0: {  	[sflag:s22] =	ssyncadd.s32 s4;
	_ =	sdelay $0x1  }
0xa1: {  	s23 =	simm.s32 $0x1B8B  }
0xa2: {  	_ =	swait.ge [sflag:s23], $0x1  }
0xa3: {  	[sflag:s23] =	ssyncset.done $0x0  }
0xa4: {  	s25 =	simm.s32 $0x1B8E;
	s24 =	sld [smem:$0x3FFE];
	[sflag:s23] =	ssyncadd.s32 $0xFFFFFFFF  }
0xa5: {  	s26 =	simm.s32 $execute0_lowered;
	[smem:$0x3FD2] =	sst s25  }
0xa6: {  	s5 =	sshll.u32 s26, $0x1;
	_ =	strace $0x80000046;
	[dreg:$0x1] =	wrdreg $0xFFFFFFFF  }
0xa7: {  	s28 =	simm.s32 $_size_execute0_lowered;
	s3 =	sadd.s32 s3, s5;
	[dreg:$0x0] =	wrdreg $0x0  }
0xa8: {  	s5 =	sshll.u32 s28, $0x1;
	[dreg:$0x2] =	wrdreg s3  }
0xa9: {  	[dreg:$0x3] =	wrdreg s5  }
0xaa: {  	[dreg:$0x4] =	wrdreg $0xC0  }
0xab: {  	_ =	task [dreg:s7], $0x5FFFF  }
0xac: {  	[dreg:$0x1] =	wrdreg $0xFFFFFFFF  }
0xad: {  	[dreg:$0x0] =	wrdreg $0x60  }
0xae: {  	[dreg:$0x2] =	wrdreg s24  }
0xaf: {  	[dreg:$0x3] =	wrdreg s2  }
0xb0: {  	[dreg:$0x4] =	wrdreg $0x9  }
0xb1: {  	_ =	task.clear_ibuf [dreg:s7], $0x5FFFF;
	_ =	strace $0x90000046  }
0xb2: {  	s29 =	simm.s32 $0x9;
	_ =	strace $0x80000048  }
0xb3: {  	_ =	swait.ge [sflag:s29], $0x1  }
0xb4: {  	[sflag:s29] =	ssyncadd.s32 $0xFFFFFFFF  }
0xb5: {  	_ =	strace $0x90000048  }
0xb6: {  	_ =	sfence  }
0xb7: {  	s30 =	sld [smem:$0x0];
	_ =	sdelay $0x2  }
0xb8: {  	s31 =	sshll.u32 s1, $0xD;
	s1 =	sshrl.u32 s1, $0x2  }
0xb9: {  	s3 =	sand.u32 $0x4000, s31;
	s1 =	sadd.s32 s1, s30  }
0xba: {  	s0 =	sor.u32 s3, s0;
	s1 =	sshll.u32 s1, $0x11  }
0xbb: {  	s0 =	sor.u32 s1, s0  }
0xbc: {  	s0 =	sadd.s32 $0x8F2B, s0  }
0xbd: {  	[sflag:s0] =	ssyncadd.remote.s32 $0x1  }
0xbe: {  	_ =	sfence.sel $0xFFFF  }
0xbf: {  	[dreg:$0x0] =	wrdreg $0xFFFFFFFF;
	(pc) =	sbr.abs _section_cstart, $3  }
0xc0: {  	[dreg:$0x1] =	wrdreg $0xFFFFFFFF  }
0xc1: {  	_ =	task.clear_ibuf [dreg:s7], $0x2FFFF;
	_ =	strace $0x9FFFFFFF  }
0xc2: {  	(tm) =	ssettm $0x7FFFFFFF  }
0xc3: {  	_ =	shalt  }
tec
execute0_lowered:
.L_overlay_start_1:
0x0: {  	(tag) =	ssettag $0x1  }
0x1: {  	s0 =	srdreg.scid  }
0x2: {  	s11 =	stileid.u32;
	s0 =	sand.u32 $0x1, s0  }
0x3: {  	s2 =	sshll.u32 s11, $0xA;
	s3 =	sshll.u32 s0, $0x9  }
0x4: {  	s1 =	rddreg [dreg:$0x0];
	s3 =	sor.u32 s3, s2  }
0x5: {  	s4 =	rddreg [dreg:$0x1];
	s5 =	sshrl.u32 s3, $0x3  }
0x6: {  	s2 =	simm.s32 $0x0;
	s3 =	sshll.u32 s3, $0x3;
	s5 =	sadd.s32 s5, s1  }
0x7: {  	[smem:$0x7FF] =	sst s2;
	s28 =	sadd.s32 s4, s3;
	s5 =	sadd.s32 $0xA00, s5  }
0x8: {  	_ =	strace $0x80000047;
	s3 =	sadd.s32 $0x20000, s28;
	[dreg:$0x3] =	wrdreg s5  }
0x9: {  	s17 =	sadd.s32 $0x40000, s28;
	[dreg:$0x4] =	wrdreg s3  }
0xa: {  	s18 =	sadd.s32 $0x60000, s28;
	[dreg:$0x5] =	wrdreg s17  }
0xb: {  	s19 =	sadd.s32 $0x80000, s28;
	[dreg:$0x6] =	wrdreg s18  }
0xc: {  	s20 =	sadd.s32 $0xA0000, s28;
	[dreg:$0x7] =	wrdreg s19  }
0xd: {  	s21 =	sadd.s32 $0xC0000, s28;
	[dreg:$0x8] =	wrdreg s20  }
0xe: {  	s22 =	sadd.s32 $0xE0000, s28;
	[dreg:$0x9] =	wrdreg s21  }
0xf: {  	s23 =	sadd.s32 $0x100000, s28;
	[dreg:$0xa] =	wrdreg s22  }
0x10: {  	s24 =	sadd.s32 $0x120000, s28;
	[dreg:$0xb] =	wrdreg s23  }
0x11: {  	s25 =	sadd.s32 $0x140000, s28;
	[dreg:$0xc] =	wrdreg s24  }
0x12: {  	s26 =	sadd.s32 $0x160000, s28;
	[dreg:$0xd] =	wrdreg s25  }
0x13: {  	s4 =	sadd.s32 $0x180000, s28;
	[dreg:$0xe] =	wrdreg s26  }
0x14: {  	s6 =	sadd.s32 $0x1C0000, s28;
	[dreg:$0xf] =	wrdreg s4  }
0x15: {  	s7 =	sadd.s32 $0x1E0000, s28;
	[dreg:$0x11] =	wrdreg s6  }
0x16: {  	s8 =	sadd.s32 $0x200000, s28;
	[dreg:$0x12] =	wrdreg s7  }
0x17: {  	s9 =	sadd.s32 $0x220000, s28;
	[dreg:$0x13] =	wrdreg s8  }
0x18: {  	s10 =	sadd.s32 $0x240000, s28;
	[dreg:$0x14] =	wrdreg s9  }
0x19: {  	s31 =	simm.s32 $0x5;
	s12 =	sadd.s32 $0x260000, s28;
	[dreg:$0x15] =	wrdreg s10  }
0x1a: {  	s30 =	simm.s32 $0x1200;
	s13 =	sadd.s32 $0x280000, s28;
	[dreg:$0x16] =	wrdreg s12  }
0x1b: {  	s29 =	simm.s32 $0x1400;
	s14 =	sadd.s32 $0x2A0000, s28;
	[dreg:$0x17] =	wrdreg s13  }
0x1c: {  	p0 =	por $0x0, $0x0;
	s15 =	sadd.s32 $0x2C0000, s28;
	[dreg:$0x18] =	wrdreg s14  }
0x1d: {  	s0 =	ssub.s32 $0x2, s0;
	s16 =	sadd.s32 $0x2E0000, s28;
	[dreg:$0x19] =	wrdreg s15  }
0x1e: {  	s5 =	sadd.s32 $0x1A0000, s28;
	[dreg:$0x1a] =	wrdreg s16;
	s17 =	sadd.s32 $0x300000, s28  }
0x1f: {  	s18 =	sshrl.u32 s0, $0x1;
	s19 =	sadd.s32 $0x320000, s28;
	s3 =	sadd.s32 $0xF42E00, s1  }
0x20: {  	s20 =	simm.s32 $0x4000;
	s21 =	simm.s32 $0x400;
	s6 =	simm.s32 $0x3400  }
0x21: {  	s22 =	simm.s32 $0x600;
	s4 =	simm.s32 $0xB400;
	[dreg:$0x10] =	wrdreg s5  }
0x22: {  	s23 =	simm.s32 $0x800;
	s9 =	simm.s32 $0x1;
	[dreg:$0x1b] =	wrdreg s17  }
0x23: {  	s24 =	simm.s32 $0xA00;
	s7 =	simm.s32 $0x3;
	[dreg:$0x1c] =	wrdreg s19  }
0x24: {  	s25 =	simm.s32 $0xC00;
	s10 =	simm.s32 $0x2;
	[dreg:$0x1d] =	wrdreg s20  }
0x25: {  	s26 =	simm.s32 $0xE00;
	s8 =	simm.s32 $0x4;
	[dreg:$0x1e] =	wrdreg s21  }
0x26: {  	s16 =	simm.s32 $0x2A00;
	s15 =	simm.s32 $0x2C00;
	[dreg:$0x1f] =	wrdreg s22  }
0x27: {  	s14 =	simm.s32 $0x2E00;
	s0 =	ssub.s32 s0, s18;
	[smem:$0x7FA] =	sst s23  }
0x28: {  	s13 =	simm.s32 $0x3000;
	[smem:$0x7FB] =	sst s24;
	s0 =	smax.u32 s0, $0x1  }
0x29: {  	s12 =	simm.s32 $0x3200;
	[smem:$0x7FC] =	sst s25;
	p1 =	sne.s32 s0, $0x1  }
.Ltmp0:
0x2a: {  	s5 =	simm.s32 $0x200;
	[smem:$0x7FD] =	sst s26;
	(pc) =	sbr.rel @!p1 .LBB2_1-.Ltmp0, $4  }
0x2b: {  	s26 =	simm.s32 $0x1600;
	s25 =	simm.s32 $0x1800;
	s24 =	simm.s32 $0x1A00  }
0x2c: {  	s23 =	simm.s32 $0x1C00;
	s22 =	simm.s32 $0x1E00;
	s21 =	simm.s32 $0x2000  }
0x2d: {  	s20 =	simm.s32 $0x2200;
	s19 =	simm.s32 $0x2400;
	s18 =	simm.s32 $0x2600  }
0x2e: {  	s17 =	simm.s32 $0x2800;
	s1 =	sadd.s32 $0xFFFFFFFF, s0;
	s0 =	rddreg [dreg:$0x3]  }
0x2f: {  	s11 =	smov.u32 s1;
	s1 =	rddreg [dreg:$0x1d]  }
0x30: {  	[tilespmem:s2], [sflag:$0x5] =	stream.strided.gather [hbm4b:s0+s5], $0x3400, s1, s5, $0x38;
	[tilespmem:$0x13400] =	vst v63  }
0x31: {  	_ =	swait.ge [sflag:s31], $0x3400  }
0x32: {  	[sflag:s31] =	ssyncset.done $0x0  }
0x33: {  	[sflag:s31] =	ssyncadd.s32 $0xFFFFCC00  }
0x34: {  	[tilespmem:s6], [sflag:$0x1] =	stream.indirect.gather [hbm4b:s3+s5], $0x40, s2, s5, $0xb8;
	[tilespmem:$0x13400] =	vst v63  }
0x35: {  	_ = 	snop  }
0x36: {  	[tilespmem:s4], [sflag:$0x2] =	stream.indirect.gather [hbm4b:s3+s5], $0x40, s5, s5, $0xb8;
	[tilespmem:$0x13400] =	vst v63  }
0x37: {  	_ =	swait.ge [sflag:s9], $0x8000  }
0x38: {  	[sflag:s9] =	ssyncset.done $0x0  }
0x39: {  	[sflag:s9] =	ssyncadd.s32 $0xFFFF8000  }
0x3a: {  	[hbm4b:s28+s2] =	stream.linear.scatter [tilespmem:s6], [sflag:$0x3], $0x8000, $0x38;
	[tilespmem:$0x13400] =	vst v63  }
0x3b: {  	_ =	swait.ge [sflag:s7], $0x8000  }
0x3c: {  	[sflag:s7] =	ssyncset.done $0x0  }
0x3d: {  	s1 =	rddreg [dreg:$0x1e];
	[sflag:s7] =	ssyncadd.s32 $0xFFFF8000  }
0x3e: {  	[tilespmem:s6], [sflag:$0x1] =	stream.indirect.gather [hbm4b:s3+s5], $0x40, s1, s5, $0xb8;
	[tilespmem:$0x13400] =	vst v63  }
0x3f: {  	_ =	swait.ge [sflag:s10], $0x8000  }
0x40: {  	[sflag:s10] =	ssyncset.done $0x0  }
0x41: {  	s1 =	rddreg [dreg:$0x4];
	[sflag:s10] =	ssyncadd.s32 $0xFFFF8000  }
0x42: {  	[hbm4b:s1+s2] =	stream.linear.scatter [tilespmem:s4], [sflag:$0x4], $0x8000, $0x38;
	[tilespmem:$0x13400] =	vst v63  }
0x43: {  	_ =	swait.ge [sflag:s8], $0x8000  }
0x44: {  	[sflag:s8] =	ssyncset.done $0x0  }
0x45: {  	s1 =	rddreg [dreg:$0x1f];
	[sflag:s8] =	ssyncadd.s32 $0xFFFF8000  }
0x46: {  	[tilespmem:s4], [sflag:$0x2] =	stream.indirect.gather [hbm4b:s3+s5], $0x40, s1, s5, $0xb8;
	[tilespmem:$0x13400] =	vst v63  }
0x47: {  	_ =	swait.ge [sflag:s9], $0x8000  }
0x48: {  	[sflag:s9] =	ssyncset.done $0x0  }
0x49: {  	s1 =	rddreg [dreg:$0x5];
	[sflag:s9] =	ssyncadd.s32 $0xFFFF8000  }
0x4a: {  	[hbm4b:s1+s2] =	stream.linear.scatter [tilespmem:s6], [sflag:$0x3], $0x8000, $0x38;
	[tilespmem:$0x13400] =	vst v63  }
0x4b: {  	_ =	swait.ge [sflag:s7], $0x8000  }
0x4c: {  	s1 =	sld [smem:$0x7FA]  }
0x4d: {  	[sflag:s7] =	ssyncset.done $0x0  }
0x4e: {  	[sflag:s7] =	ssyncadd.s32 $0xFFFF8000  }
0x4f: {  	[tilespmem:s6], [sflag:$0x1] =	stream.indirect.gather [hbm4b:s3+s5], $0x40, s1, s5, $0xb8;
	[tilespmem:$0x13400] =	vst v63  }
0x50: {  	_ =	swait.ge [sflag:s10], $0x8000  }
0x51: {  	[sflag:s10] =	ssyncset.done $0x0  }
0x52: {  	s1 =	rddreg [dreg:$0x6];
	[sflag:s10] =	ssyncadd.s32 $0xFFFF8000  }
0x53: {  	[hbm4b:s1+s2] =	stream.linear.scatter [tilespmem:s4], [sflag:$0x4], $0x8000, $0x38;
	[tilespmem:$0x13400] =	vst v63  }
0x54: {  	_ =	swait.ge [sflag:s8], $0x8000  }
0x55: {  	s1 =	sld [smem:$0x7FB]  }
0x56: {  	[sflag:s8] =	ssyncset.done $0x0  }
0x57: {  	[sflag:s8] =	ssyncadd.s32 $0xFFFF8000  }
0x58: {  	[tilespmem:s4], [sflag:$0x2] =	stream.indirect.gather [hbm4b:s3+s5], $0x40, s1, s5, $0xb8;
	[tilespmem:$0x13400] =	vst v63  }
0x59: {  	_ =	swait.ge [sflag:s9], $0x8000  }
0x5a: {  	[sflag:s9] =	ssyncset.done $0x0  }
0x5b: {  	s1 =	rddreg [dreg:$0x7];
	[sflag:s9] =	ssyncadd.s32 $0xFFFF8000  }
0x5c: {  	[hbm4b:s1+s2] =	stream.linear.scatter [tilespmem:s6], [sflag:$0x3], $0x8000, $0x38;
	[tilespmem:$0x13400] =	vst v63  }
0x5d: {  	_ =	swait.ge [sflag:s7], $0x8000  }
0x5e: {  	s1 =	sld [smem:$0x7FC]  }
0x5f: {  	[sflag:s7] =	ssyncset.done $0x0  }
0x60: {  	[sflag:s7] =	ssyncadd.s32 $0xFFFF8000  }
0x61: {  	[tilespmem:s6], [sflag:$0x1] =	stream.indirect.gather [hbm4b:s3+s5], $0x40, s1, s5, $0xb8;
	[tilespmem:$0x13400] =	vst v63  }
0x62: {  	_ =	swait.ge [sflag:s10], $0x8000  }
0x63: {  	[sflag:s10] =	ssyncset.done $0x0  }
0x64: {  	s1 =	rddreg [dreg:$0x8];
	[sflag:s10] =	ssyncadd.s32 $0xFFFF8000  }
0x65: {  	[hbm4b:s1+s2] =	stream.linear.scatter [tilespmem:s4], [sflag:$0x4], $0x8000, $0x38;
	[tilespmem:$0x13400] =	vst v63  }
0x66: {  	_ =	swait.ge [sflag:s8], $0x8000  }
0x67: {  	s1 =	sld [smem:$0x7FD]  }
0x68: {  	[sflag:s8] =	ssyncset.done $0x0  }
0x69: {  	[sflag:s8] =	ssyncadd.s32 $0xFFFF8000  }
0x6a: {  	[tilespmem:s4], [sflag:$0x2] =	stream.indirect.gather [hbm4b:s3+s5], $0x40, s1, s5, $0xb8;
	[tilespmem:$0x13400] =	vst v63  }
0x6b: {  	_ =	swait.ge [sflag:s9], $0x8000  }
0x6c: {  	[sflag:s9] =	ssyncset.done $0x0  }
0x6d: {  	s1 =	rddreg [dreg:$0x9];
	[sflag:s9] =	ssyncadd.s32 $0xFFFF8000  }
0x6e: {  	[hbm4b:s1+s2] =	stream.linear.scatter [tilespmem:s6], [sflag:$0x3], $0x8000, $0x38;
	[tilespmem:$0x13400] =	vst v63  }
0x6f: {  	_ =	swait.ge [sflag:s7], $0x8000  }
0x70: {  	[sflag:s7] =	ssyncset.done $0x0  }
0x71: {  	s1 =	simm.s32 $0x1000;
	[sflag:s7] =	ssyncadd.s32 $0xFFFF8000  }
0x72: {  	[tilespmem:s6], [sflag:$0x1] =	stream.indirect.gather [hbm4b:s3+s5], $0x40, s1, s5, $0xb8;
	[tilespmem:$0x13400] =	vst v63  }
0x73: {  	_ =	swait.ge [sflag:s10], $0x8000  }
0x74: {  	[sflag:s10] =	ssyncset.done $0x0  }
0x75: {  	s1 =	rddreg [dreg:$0xa];
	[sflag:s10] =	ssyncadd.s32 $0xFFFF8000  }
0x76: {  	[hbm4b:s1+s2] =	stream.linear.scatter [tilespmem:s4], [sflag:$0x4], $0x8000, $0x38;
	[tilespmem:$0x13400] =	vst v63  }
0x77: {  	_ =	swait.ge [sflag:s8], $0x8000  }
0x78: {  	[sflag:s8] =	ssyncset.done $0x0  }
0x79: {  	[sflag:s8] =	ssyncadd.s32 $0xFFFF8000  }
0x7a: {  	[tilespmem:s4], [sflag:$0x2] =	stream.indirect.gather [hbm4b:s3+s5], $0x40, s30, s5, $0xb8;
	[tilespmem:$0x13400] =	vst v63  }
0x7b: {  	_ =	swait.ge [sflag:s9], $0x8000  }
0x7c: {  	[sflag:s9] =	ssyncset.done $0x0  }
0x7d: {  	s1 =	rddreg [dreg:$0xb];
	[sflag:s9] =	ssyncadd.s32 $0xFFFF8000  }
0x7e: {  	[hbm4b:s1+s2] =	stream.linear.scatter [tilespmem:s6], [sflag:$0x3], $0x8000, $0x38;
	[tilespmem:$0x13400] =	vst v63  }
0x7f: {  	_ =	swait.ge [sflag:s7], $0x8000  }
0x80: {  	[sflag:s7] =	ssyncset.done $0x0  }
0x81: {  	[sflag:s7] =	ssyncadd.s32 $0xFFFF8000  }
0x82: {  	[tilespmem:s6], [sflag:$0x1] =	stream.indirect.gather [hbm4b:s3+s5], $0x40, s29, s5, $0xb8;
	[tilespmem:$0x13400] =	vst v63  }
0x83: {  	_ =	swait.ge [sflag:s10], $0x8000  }
0x84: {  	[sflag:s10] =	ssyncset.done $0x0  }
0x85: {  	s1 =	rddreg [dreg:$0xc];
	[sflag:s10] =	ssyncadd.s32 $0xFFFF8000  }
0x86: {  	[hbm4b:s1+s2] =	stream.linear.scatter [tilespmem:s4], [sflag:$0x4], $0x8000, $0x38;
	[tilespmem:$0x13400] =	vst v63  }
0x87: {  	_ =	swait.ge [sflag:s8], $0x8000  }
0x88: {  	[sflag:s8] =	ssyncset.done $0x0  }
0x89: {  	[sflag:s8] =	ssyncadd.s32 $0xFFFF8000  }
0x8a: {  	[tilespmem:s4], [sflag:$0x2] =	stream.indirect.gather [hbm4b:s3+s5], $0x40, s26, s5, $0xb8;
	[tilespmem:$0x13400] =	vst v63  }
0x8b: {  	_ =	swait.ge [sflag:s9], $0x8000  }
0x8c: {  	[sflag:s9] =	ssyncset.done $0x0  }
0x8d: {  	s1 =	rddreg [dreg:$0xd];
	[sflag:s9] =	ssyncadd.s32 $0xFFFF8000  }
0x8e: {  	[hbm4b:s1+s2] =	stream.linear.scatter [tilespmem:s6], [sflag:$0x3], $0x8000, $0x38;
	[tilespmem:$0x13400] =	vst v63  }
0x8f: {  	_ =	swait.ge [sflag:s7], $0x8000  }
0x90: {  	[sflag:s7] =	ssyncset.done $0x0  }
0x91: {  	[sflag:s7] =	ssyncadd.s32 $0xFFFF8000  }
0x92: {  	[tilespmem:s6], [sflag:$0x1] =	stream.indirect.gather [hbm4b:s3+s5], $0x40, s25, s5, $0xb8;
	[tilespmem:$0x13400] =	vst v63  }
0x93: {  	_ =	swait.ge [sflag:s10], $0x8000  }
0x94: {  	[sflag:s10] =	ssyncset.done $0x0  }
0x95: {  	s1 =	rddreg [dreg:$0xe];
	[sflag:s10] =	ssyncadd.s32 $0xFFFF8000  }
0x96: {  	[hbm4b:s1+s2] =	stream.linear.scatter [tilespmem:s4], [sflag:$0x4], $0x8000, $0x38;
	[tilespmem:$0x13400] =	vst v63  }
0x97: {  	_ =	swait.ge [sflag:s8], $0x8000  }
0x98: {  	[sflag:s8] =	ssyncset.done $0x0  }
0x99: {  	[sflag:s8] =	ssyncadd.s32 $0xFFFF8000  }
0x9a: {  	[tilespmem:s4], [sflag:$0x2] =	stream.indirect.gather [hbm4b:s3+s5], $0x40, s24, s5, $0xb8;
	[tilespmem:$0x13400] =	vst v63  }
0x9b: {  	_ =	swait.ge [sflag:s9], $0x8000  }
0x9c: {  	[sflag:s9] =	ssyncset.done $0x0  }
0x9d: {  	s1 =	rddreg [dreg:$0xf];
	[sflag:s9] =	ssyncadd.s32 $0xFFFF8000  }
0x9e: {  	[hbm4b:s1+s2] =	stream.linear.scatter [tilespmem:s6], [sflag:$0x3], $0x8000, $0x38;
	[tilespmem:$0x13400] =	vst v63  }
0x9f: {  	_ =	swait.ge [sflag:s7], $0x8000  }
0xa0: {  	[sflag:s7] =	ssyncset.done $0x0  }
0xa1: {  	[sflag:s7] =	ssyncadd.s32 $0xFFFF8000  }
0xa2: {  	[tilespmem:s6], [sflag:$0x1] =	stream.indirect.gather [hbm4b:s3+s5], $0x40, s23, s5, $0xb8;
	[tilespmem:$0x13400] =	vst v63  }
0xa3: {  	_ =	swait.ge [sflag:s10], $0x8000  }
0xa4: {  	[sflag:s10] =	ssyncset.done $0x0  }
0xa5: {  	s1 =	rddreg [dreg:$0x10];
	[sflag:s10] =	ssyncadd.s32 $0xFFFF8000  }
0xa6: {  	[hbm4b:s1+s2] =	stream.linear.scatter [tilespmem:s4], [sflag:$0x4], $0x8000, $0x38;
	[tilespmem:$0x13400] =	vst v63  }
0xa7: {  	_ =	swait.ge [sflag:s8], $0x8000  }
0xa8: {  	[sflag:s8] =	ssyncset.done $0x0  }
0xa9: {  	[sflag:s8] =	ssyncadd.s32 $0xFFFF8000  }
0xaa: {  	[tilespmem:s4], [sflag:$0x2] =	stream.indirect.gather [hbm4b:s3+s5], $0x40, s22, s5, $0xb8;
	[tilespmem:$0x13400] =	vst v63  }
0xab: {  	_ =	swait.ge [sflag:s9], $0x8000  }
0xac: {  	[sflag:s9] =	ssyncset.done $0x0  }
0xad: {  	s1 =	rddreg [dreg:$0x11];
	[sflag:s9] =	ssyncadd.s32 $0xFFFF8000  }
0xae: {  	[hbm4b:s1+s2] =	stream.linear.scatter [tilespmem:s6], [sflag:$0x3], $0x8000, $0x38;
	[tilespmem:$0x13400] =	vst v63  }
0xaf: {  	_ =	swait.ge [sflag:s7], $0x8000  }
0xb0: {  	[sflag:s7] =	ssyncset.done $0x0  }
0xb1: {  	[sflag:s7] =	ssyncadd.s32 $0xFFFF8000  }
0xb2: {  	[tilespmem:s6], [sflag:$0x1] =	stream.indirect.gather [hbm4b:s3+s5], $0x40, s21, s5, $0xb8;
	[tilespmem:$0x13400] =	vst v63  }
0xb3: {  	_ =	swait.ge [sflag:s10], $0x8000  }
0xb4: {  	[sflag:s10] =	ssyncset.done $0x0  }
0xb5: {  	s1 =	rddreg [dreg:$0x12];
	[sflag:s10] =	ssyncadd.s32 $0xFFFF8000  }
0xb6: {  	[hbm4b:s1+s2] =	stream.linear.scatter [tilespmem:s4], [sflag:$0x4], $0x8000, $0x38;
	[tilespmem:$0x13400] =	vst v63  }
0xb7: {  	_ =	swait.ge [sflag:s8], $0x8000  }
0xb8: {  	[sflag:s8] =	ssyncset.done $0x0  }
0xb9: {  	[sflag:s8] =	ssyncadd.s32 $0xFFFF8000  }
0xba: {  	[tilespmem:s4], [sflag:$0x2] =	stream.indirect.gather [hbm4b:s3+s5], $0x40, s20, s5, $0xb8;
	[tilespmem:$0x13400] =	vst v63  }
0xbb: {  	_ =	swait.ge [sflag:s9], $0x8000  }
0xbc: {  	[sflag:s9] =	ssyncset.done $0x0  }
0xbd: {  	s1 =	rddreg [dreg:$0x13];
	[sflag:s9] =	ssyncadd.s32 $0xFFFF8000  }
0xbe: {  	[hbm4b:s1+s2] =	stream.linear.scatter [tilespmem:s6], [sflag:$0x3], $0x8000, $0x38;
	[tilespmem:$0x13400] =	vst v63  }
0xbf: {  	_ =	swait.ge [sflag:s7], $0x8000  }
0xc0: {  	[sflag:s7] =	ssyncset.done $0x0  }
0xc1: {  	[sflag:s7] =	ssyncadd.s32 $0xFFFF8000  }
0xc2: {  	[tilespmem:s6], [sflag:$0x1] =	stream.indirect.gather [hbm4b:s3+s5], $0x40, s19, s5, $0xb8;
	[tilespmem:$0x13400] =	vst v63  }
0xc3: {  	_ =	swait.ge [sflag:s10], $0x8000  }
0xc4: {  	[sflag:s10] =	ssyncset.done $0x0  }
0xc5: {  	s1 =	rddreg [dreg:$0x14];
	[sflag:s10] =	ssyncadd.s32 $0xFFFF8000  }
0xc6: {  	[hbm4b:s1+s2] =	stream.linear.scatter [tilespmem:s4], [sflag:$0x4], $0x8000, $0x38;
	[tilespmem:$0x13400] =	vst v63  }
0xc7: {  	_ =	swait.ge [sflag:s8], $0x8000  }
0xc8: {  	[sflag:s8] =	ssyncset.done $0x0  }
0xc9: {  	[sflag:s8] =	ssyncadd.s32 $0xFFFF8000  }
0xca: {  	[tilespmem:s4], [sflag:$0x2] =	stream.indirect.gather [hbm4b:s3+s5], $0x40, s18, s5, $0xb8;
	[tilespmem:$0x13400] =	vst v63  }
0xcb: {  	_ =	swait.ge [sflag:s9], $0x8000  }
0xcc: {  	[sflag:s9] =	ssyncset.done $0x0  }
0xcd: {  	s1 =	rddreg [dreg:$0x15];
	[sflag:s9] =	ssyncadd.s32 $0xFFFF8000  }
0xce: {  	[hbm4b:s1+s2] =	stream.linear.scatter [tilespmem:s6], [sflag:$0x3], $0x8000, $0x38;
	[tilespmem:$0x13400] =	vst v63  }
0xcf: {  	_ =	swait.ge [sflag:s7], $0x8000  }
0xd0: {  	[sflag:s7] =	ssyncset.done $0x0  }
0xd1: {  	[sflag:s7] =	ssyncadd.s32 $0xFFFF8000  }
0xd2: {  	[tilespmem:s6], [sflag:$0x1] =	stream.indirect.gather [hbm4b:s3+s5], $0x40, s17, s5, $0xb8;
	[tilespmem:$0x13400] =	vst v63  }
0xd3: {  	_ =	swait.ge [sflag:s10], $0x8000  }
0xd4: {  	[sflag:s10] =	ssyncset.done $0x0  }
0xd5: {  	s1 =	rddreg [dreg:$0x16];
	[sflag:s10] =	ssyncadd.s32 $0xFFFF8000  }
0xd6: {  	[hbm4b:s1+s2] =	stream.linear.scatter [tilespmem:s4], [sflag:$0x4], $0x8000, $0x38;
	[tilespmem:$0x13400] =	vst v63  }
0xd7: {  	_ =	swait.ge [sflag:s8], $0x8000  }
0xd8: {  	[sflag:s8] =	ssyncset.done $0x0  }
0xd9: {  	[sflag:s8] =	ssyncadd.s32 $0xFFFF8000  }
0xda: {  	[tilespmem:s4], [sflag:$0x2] =	stream.indirect.gather [hbm4b:s3+s5], $0x40, s16, s5, $0xb8;
	[tilespmem:$0x13400] =	vst v63  }
0xdb: {  	_ =	swait.ge [sflag:s9], $0x8000  }
0xdc: {  	[sflag:s9] =	ssyncset.done $0x0  }
0xdd: {  	s1 =	rddreg [dreg:$0x17];
	[sflag:s9] =	ssyncadd.s32 $0xFFFF8000  }
0xde: {  	[hbm4b:s1+s2] =	stream.linear.scatter [tilespmem:s6], [sflag:$0x3], $0x8000, $0x38;
	[tilespmem:$0x13400] =	vst v63  }
0xdf: {  	_ =	swait.ge [sflag:s7], $0x8000  }
0xe0: {  	[sflag:s7] =	ssyncset.done $0x0  }
0xe1: {  	[sflag:s7] =	ssyncadd.s32 $0xFFFF8000  }
0xe2: {  	[tilespmem:s6], [sflag:$0x1] =	stream.indirect.gather [hbm4b:s3+s5], $0x40, s15, s5, $0xb8;
	[tilespmem:$0x13400] =	vst v63  }
0xe3: {  	_ =	swait.ge [sflag:s10], $0x8000  }
0xe4: {  	[sflag:s10] =	ssyncset.done $0x0  }
0xe5: {  	s1 =	rddreg [dreg:$0x18];
	[sflag:s10] =	ssyncadd.s32 $0xFFFF8000  }
0xe6: {  	[hbm4b:s1+s2] =	stream.linear.scatter [tilespmem:s4], [sflag:$0x4], $0x8000, $0x38;
	[tilespmem:$0x13400] =	vst v63  }
0xe7: {  	_ =	swait.ge [sflag:s8], $0x8000  }
0xe8: {  	[sflag:s8] =	ssyncset.done $0x0  }
0xe9: {  	[sflag:s8] =	ssyncadd.s32 $0xFFFF8000  }
0xea: {  	[tilespmem:s4], [sflag:$0x2] =	stream.indirect.gather [hbm4b:s3+s5], $0x40, s14, s5, $0xb8;
	[tilespmem:$0x13400] =	vst v63  }
0xeb: {  	_ =	swait.ge [sflag:s9], $0x8000  }
0xec: {  	[sflag:s9] =	ssyncset.done $0x0  }
0xed: {  	s1 =	rddreg [dreg:$0x19];
	[sflag:s9] =	ssyncadd.s32 $0xFFFF8000  }
0xee: {  	[hbm4b:s1+s2] =	stream.linear.scatter [tilespmem:s6], [sflag:$0x3], $0x8000, $0x38;
	[tilespmem:$0x13400] =	vst v63  }
0xef: {  	_ =	swait.ge [sflag:s7], $0x8000  }
0xf0: {  	[sflag:s7] =	ssyncset.done $0x0  }
0xf1: {  	[sflag:s7] =	ssyncadd.s32 $0xFFFF8000  }
0xf2: {  	[tilespmem:s6], [sflag:$0x1] =	stream.indirect.gather [hbm4b:s3+s5], $0x40, s13, s5, $0xb8;
	[tilespmem:$0x13400] =	vst v63  }
0xf3: {  	_ =	swait.ge [sflag:s10], $0x8000  }
0xf4: {  	[sflag:s10] =	ssyncset.done $0x0  }
0xf5: {  	s1 =	rddreg [dreg:$0x1a];
	[sflag:s10] =	ssyncadd.s32 $0xFFFF8000  }
0xf6: {  	[hbm4b:s1+s2] =	stream.linear.scatter [tilespmem:s4], [sflag:$0x4], $0x8000, $0x38;
	[tilespmem:$0x13400] =	vst v63  }
0xf7: {  	_ =	swait.ge [sflag:s8], $0x8000  }
0xf8: {  	[sflag:s8] =	ssyncset.done $0x0  }
0xf9: {  	[sflag:s8] =	ssyncadd.s32 $0xFFFF8000  }
0xfa: {  	[tilespmem:s4], [sflag:$0x2] =	stream.indirect.gather [hbm4b:s3+s5], $0x40, s12, s5, $0xb8;
	[tilespmem:$0x13400] =	vst v63  }
0xfb: {  	_ =	swait.ge [sflag:s9], $0x8000  }
0xfc: {  	[sflag:s9] =	ssyncset.done $0x0  }
0xfd: {  	s1 =	rddreg [dreg:$0x1b];
	[sflag:s9] =	ssyncadd.s32 $0xFFFF8000  }
0xfe: {  	[hbm4b:s1+s2] =	stream.linear.scatter [tilespmem:s6], [sflag:$0x3], $0x8000, $0x38;
	[tilespmem:$0x13400] =	vst v63  }
0xff: {  	_ =	swait.ge [sflag:s10], $0x8000  }
0x100: {  	[sflag:s10] =	ssyncset.done $0x0  }
0x101: {  	p1 =	sne.s32 s11, $0x1;
	s1 =	rddreg [dreg:$0x1c];
	[sflag:s10] =	ssyncadd.s32 $0xFFFF8000  }
0x102: {  	[hbm4b:s1+s2] =	stream.linear.scatter [tilespmem:s4], [sflag:$0x4], $0x8000, $0x38;
	[tilespmem:$0x13400] =	vst v63  }
.Ltmp1:
0x103: {  	_ =	swait.ge [sflag:s7], $0x8000;
	(pc) =	sbr.rel @!p1 .LBB2_3-.Ltmp1, $4  }
0x104: {  	[sflag:s7] =	ssyncset.done $0x0  }
0x105: {  	[sflag:s7] =	ssyncadd.s32 $0xFFFF8000  }
0x106: {  	p0 =	por $0x1, $0x1;
	_ =	swait.ge [sflag:s8], $0x8000  }
0x107: {  	s1 =	sadd.s32 $0xFFFFFFFF, s11;
	s0 =	rddreg [dreg:$0x3];
	[sflag:s8] =	ssyncset.done $0x0  }
.LBB2_4:
0x108: {  	s11 =	rddreg [dreg:$0x1d];
	[sflag:s8] =	ssyncadd.s32 $0xFFFF8000  }
0x109: {  	[tilespmem:s2], [sflag:$0x5] =	stream.strided.gather [hbm4b:s0+s5], $0x3400, s11, s5, $0x38;
	[tilespmem:$0x13400] =	vst v63  }
0x10a: {  	_ =	swait.ge [sflag:s31], $0x3400  }
0x10b: {  	[sflag:s31] =	ssyncset.done $0x0  }
0x10c: {  	[sflag:s31] =	ssyncadd.s32 $0xFFFFCC00  }
0x10d: {  	[tilespmem:s6], [sflag:$0x1] =	stream.indirect.gather [hbm4b:s3+s5], $0x40, s2, s5, $0xb8;
	[tilespmem:$0x13400] =	vst v63  }
0x10e: {  	_ = 	snop  }
0x10f: {  	[tilespmem:s4], [sflag:$0x2] =	stream.indirect.gather [hbm4b:s3+s5], $0x40, s5, s5, $0xb8;
	[tilespmem:$0x13400] =	vst v63  }
0x110: {  	_ =	swait.ge [sflag:s9], $0x8000  }
0x111: {  	[sflag:s9] =	ssyncset.done $0x0  }
0x112: {  	[sflag:s9] =	ssyncadd.s32 $0xFFFF8000  }
0x113: {  	[hbm4b:s28+s2] =	stream.linear.scatter [tilespmem:s6], [sflag:$0x3], $0x8000, $0x38;
	[tilespmem:$0x13400] =	vst v63  }
0x114: {  	_ =	swait.ge [sflag:s7], $0x8000  }
0x115: {  	[sflag:s7] =	ssyncset.done $0x0  }
0x116: {  	s11 =	rddreg [dreg:$0x1e];
	[sflag:s7] =	ssyncadd.s32 $0xFFFF8000  }
0x117: {  	[tilespmem:s6], [sflag:$0x1] =	stream.indirect.gather [hbm4b:s3+s5], $0x40, s11, s5, $0xb8;
	[tilespmem:$0x13400] =	vst v63  }
0x118: {  	_ =	swait.ge [sflag:s10], $0x8000  }
0x119: {  	[sflag:s10] =	ssyncset.done $0x0  }
0x11a: {  	s11 =	rddreg [dreg:$0x4];
	[sflag:s10] =	ssyncadd.s32 $0xFFFF8000  }
0x11b: {  	[hbm4b:s11+s2] =	stream.linear.scatter [tilespmem:s4], [sflag:$0x4], $0x8000, $0x38;
	[tilespmem:$0x13400] =	vst v63  }
0x11c: {  	_ =	swait.ge [sflag:s8], $0x8000  }
0x11d: {  	[sflag:s8] =	ssyncset.done $0x0  }
0x11e: {  	s11 =	rddreg [dreg:$0x1f];
	[sflag:s8] =	ssyncadd.s32 $0xFFFF8000  }
0x11f: {  	[tilespmem:s4], [sflag:$0x2] =	stream.indirect.gather [hbm4b:s3+s5], $0x40, s11, s5, $0xb8;
	[tilespmem:$0x13400] =	vst v63  }
0x120: {  	_ =	swait.ge [sflag:s9], $0x8000  }
0x121: {  	[sflag:s9] =	ssyncset.done $0x0  }
0x122: {  	s11 =	rddreg [dreg:$0x5];
	[sflag:s9] =	ssyncadd.s32 $0xFFFF8000  }
0x123: {  	[hbm4b:s11+s2] =	stream.linear.scatter [tilespmem:s6], [sflag:$0x3], $0x8000, $0x38;
	[tilespmem:$0x13400] =	vst v63  }
0x124: {  	_ =	swait.ge [sflag:s7], $0x8000  }
0x125: {  	s11 =	sld [smem:$0x7FA]  }
0x126: {  	[sflag:s7] =	ssyncset.done $0x0  }
0x127: {  	[sflag:s7] =	ssyncadd.s32 $0xFFFF8000  }
0x128: {  	[tilespmem:s6], [sflag:$0x1] =	stream.indirect.gather [hbm4b:s3+s5], $0x40, s11, s5, $0xb8;
	[tilespmem:$0x13400] =	vst v63  }
0x129: {  	_ =	swait.ge [sflag:s10], $0x8000  }
0x12a: {  	[sflag:s10] =	ssyncset.done $0x0  }
0x12b: {  	s11 =	rddreg [dreg:$0x6];
	[sflag:s10] =	ssyncadd.s32 $0xFFFF8000  }
0x12c: {  	[hbm4b:s11+s2] =	stream.linear.scatter [tilespmem:s4], [sflag:$0x4], $0x8000, $0x38;
	[tilespmem:$0x13400] =	vst v63  }
0x12d: {  	_ =	swait.ge [sflag:s8], $0x8000  }
0x12e: {  	s11 =	sld [smem:$0x7FB]  }
0x12f: {  	[sflag:s8] =	ssyncset.done $0x0  }
0x130: {  	[sflag:s8] =	ssyncadd.s32 $0xFFFF8000  }
0x131: {  	[tilespmem:s4], [sflag:$0x2] =	stream.indirect.gather [hbm4b:s3+s5], $0x40, s11, s5, $0xb8;
	[tilespmem:$0x13400] =	vst v63  }
0x132: {  	_ =	swait.ge [sflag:s9], $0x8000  }
0x133: {  	[sflag:s9] =	ssyncset.done $0x0  }
0x134: {  	s11 =	rddreg [dreg:$0x7];
	[sflag:s9] =	ssyncadd.s32 $0xFFFF8000  }
0x135: {  	[hbm4b:s11+s2] =	stream.linear.scatter [tilespmem:s6], [sflag:$0x3], $0x8000, $0x38;
	[tilespmem:$0x13400] =	vst v63  }
0x136: {  	_ =	swait.ge [sflag:s7], $0x8000  }
0x137: {  	s11 =	sld [smem:$0x7FC]  }
0x138: {  	[sflag:s7] =	ssyncset.done $0x0  }
0x139: {  	[sflag:s7] =	ssyncadd.s32 $0xFFFF8000  }
0x13a: {  	[tilespmem:s6], [sflag:$0x1] =	stream.indirect.gather [hbm4b:s3+s5], $0x40, s11, s5, $0xb8;
	[tilespmem:$0x13400] =	vst v63  }
0x13b: {  	_ =	swait.ge [sflag:s10], $0x8000  }
0x13c: {  	[sflag:s10] =	ssyncset.done $0x0  }
0x13d: {  	s11 =	rddreg [dreg:$0x8];
	[sflag:s10] =	ssyncadd.s32 $0xFFFF8000  }
0x13e: {  	[hbm4b:s11+s2] =	stream.linear.scatter [tilespmem:s4], [sflag:$0x4], $0x8000, $0x38;
	[tilespmem:$0x13400] =	vst v63  }
0x13f: {  	_ =	swait.ge [sflag:s8], $0x8000  }
0x140: {  	s11 =	sld [smem:$0x7FD]  }
0x141: {  	[sflag:s8] =	ssyncset.done $0x0  }
0x142: {  	[sflag:s8] =	ssyncadd.s32 $0xFFFF8000  }
0x143: {  	[tilespmem:s4], [sflag:$0x2] =	stream.indirect.gather [hbm4b:s3+s5], $0x40, s11, s5, $0xb8;
	[tilespmem:$0x13400] =	vst v63  }
0x144: {  	_ =	swait.ge [sflag:s9], $0x8000  }
0x145: {  	[sflag:s9] =	ssyncset.done $0x0  }
0x146: {  	s11 =	rddreg [dreg:$0x9];
	[sflag:s9] =	ssyncadd.s32 $0xFFFF8000  }
0x147: {  	[hbm4b:s11+s2] =	stream.linear.scatter [tilespmem:s6], [sflag:$0x3], $0x8000, $0x38;
	[tilespmem:$0x13400] =	vst v63  }
0x148: {  	_ =	swait.ge [sflag:s7], $0x8000  }
0x149: {  	[sflag:s7] =	ssyncset.done $0x0  }
0x14a: {  	s11 =	simm.s32 $0x1000;
	[sflag:s7] =	ssyncadd.s32 $0xFFFF8000  }
0x14b: {  	[tilespmem:s6], [sflag:$0x1] =	stream.indirect.gather [hbm4b:s3+s5], $0x40, s11, s5, $0xb8;
	[tilespmem:$0x13400] =	vst v63  }
0x14c: {  	_ =	swait.ge [sflag:s10], $0x8000  }
0x14d: {  	[sflag:s10] =	ssyncset.done $0x0  }
0x14e: {  	s11 =	rddreg [dreg:$0xa];
	[sflag:s10] =	ssyncadd.s32 $0xFFFF8000  }
0x14f: {  	[hbm4b:s11+s2] =	stream.linear.scatter [tilespmem:s4], [sflag:$0x4], $0x8000, $0x38;
	[tilespmem:$0x13400] =	vst v63  }
0x150: {  	_ =	swait.ge [sflag:s8], $0x8000  }
0x151: {  	[sflag:s8] =	ssyncset.done $0x0  }
0x152: {  	[sflag:s8] =	ssyncadd.s32 $0xFFFF8000  }
0x153: {  	[tilespmem:s4], [sflag:$0x2] =	stream.indirect.gather [hbm4b:s3+s5], $0x40, s30, s5, $0xb8;
	[tilespmem:$0x13400] =	vst v63  }
0x154: {  	_ =	swait.ge [sflag:s9], $0x8000  }
0x155: {  	[sflag:s9] =	ssyncset.done $0x0  }
0x156: {  	s11 =	rddreg [dreg:$0xb];
	[sflag:s9] =	ssyncadd.s32 $0xFFFF8000  }
0x157: {  	[hbm4b:s11+s2] =	stream.linear.scatter [tilespmem:s6], [sflag:$0x3], $0x8000, $0x38;
	[tilespmem:$0x13400] =	vst v63  }
0x158: {  	_ =	swait.ge [sflag:s7], $0x8000  }
0x159: {  	[sflag:s7] =	ssyncset.done $0x0  }
0x15a: {  	[sflag:s7] =	ssyncadd.s32 $0xFFFF8000  }
0x15b: {  	[tilespmem:s6], [sflag:$0x1] =	stream.indirect.gather [hbm4b:s3+s5], $0x40, s29, s5, $0xb8;
	[tilespmem:$0x13400] =	vst v63  }
0x15c: {  	_ =	swait.ge [sflag:s10], $0x8000  }
0x15d: {  	[sflag:s10] =	ssyncset.done $0x0  }
0x15e: {  	s11 =	rddreg [dreg:$0xc];
	[sflag:s10] =	ssyncadd.s32 $0xFFFF8000  }
0x15f: {  	[hbm4b:s11+s2] =	stream.linear.scatter [tilespmem:s4], [sflag:$0x4], $0x8000, $0x38;
	[tilespmem:$0x13400] =	vst v63  }
0x160: {  	_ =	swait.ge [sflag:s8], $0x8000  }
0x161: {  	[sflag:s8] =	ssyncset.done $0x0  }
0x162: {  	[sflag:s8] =	ssyncadd.s32 $0xFFFF8000  }
0x163: {  	[tilespmem:s4], [sflag:$0x2] =	stream.indirect.gather [hbm4b:s3+s5], $0x40, s26, s5, $0xb8;
	[tilespmem:$0x13400] =	vst v63  }
0x164: {  	_ =	swait.ge [sflag:s9], $0x8000  }
0x165: {  	[sflag:s9] =	ssyncset.done $0x0  }
0x166: {  	s11 =	rddreg [dreg:$0xd];
	[sflag:s9] =	ssyncadd.s32 $0xFFFF8000  }
0x167: {  	[hbm4b:s11+s2] =	stream.linear.scatter [tilespmem:s6], [sflag:$0x3], $0x8000, $0x38;
	[tilespmem:$0x13400] =	vst v63  }
0x168: {  	_ =	swait.ge [sflag:s7], $0x8000  }
0x169: {  	[sflag:s7] =	ssyncset.done $0x0  }
0x16a: {  	[sflag:s7] =	ssyncadd.s32 $0xFFFF8000  }
0x16b: {  	[tilespmem:s6], [sflag:$0x1] =	stream.indirect.gather [hbm4b:s3+s5], $0x40, s25, s5, $0xb8;
	[tilespmem:$0x13400] =	vst v63  }
0x16c: {  	_ =	swait.ge [sflag:s10], $0x8000  }
0x16d: {  	[sflag:s10] =	ssyncset.done $0x0  }
0x16e: {  	s11 =	rddreg [dreg:$0xe];
	[sflag:s10] =	ssyncadd.s32 $0xFFFF8000  }
0x16f: {  	[hbm4b:s11+s2] =	stream.linear.scatter [tilespmem:s4], [sflag:$0x4], $0x8000, $0x38;
	[tilespmem:$0x13400] =	vst v63  }
0x170: {  	_ =	swait.ge [sflag:s8], $0x8000  }
0x171: {  	[sflag:s8] =	ssyncset.done $0x0  }
0x172: {  	[sflag:s8] =	ssyncadd.s32 $0xFFFF8000  }
0x173: {  	[tilespmem:s4], [sflag:$0x2] =	stream.indirect.gather [hbm4b:s3+s5], $0x40, s24, s5, $0xb8;
	[tilespmem:$0x13400] =	vst v63  }
0x174: {  	_ =	swait.ge [sflag:s9], $0x8000  }
0x175: {  	[sflag:s9] =	ssyncset.done $0x0  }
0x176: {  	s11 =	rddreg [dreg:$0xf];
	[sflag:s9] =	ssyncadd.s32 $0xFFFF8000  }
0x177: {  	[hbm4b:s11+s2] =	stream.linear.scatter [tilespmem:s6], [sflag:$0x3], $0x8000, $0x38;
	[tilespmem:$0x13400] =	vst v63  }
0x178: {  	_ =	swait.ge [sflag:s7], $0x8000  }
0x179: {  	[sflag:s7] =	ssyncset.done $0x0  }
0x17a: {  	[sflag:s7] =	ssyncadd.s32 $0xFFFF8000  }
0x17b: {  	[tilespmem:s6], [sflag:$0x1] =	stream.indirect.gather [hbm4b:s3+s5], $0x40, s23, s5, $0xb8;
	[tilespmem:$0x13400] =	vst v63  }
0x17c: {  	_ =	swait.ge [sflag:s10], $0x8000  }
0x17d: {  	[sflag:s10] =	ssyncset.done $0x0  }
0x17e: {  	s11 =	rddreg [dreg:$0x10];
	[sflag:s10] =	ssyncadd.s32 $0xFFFF8000  }
0x17f: {  	[hbm4b:s11+s2] =	stream.linear.scatter [tilespmem:s4], [sflag:$0x4], $0x8000, $0x38;
	[tilespmem:$0x13400] =	vst v63  }
0x180: {  	_ =	swait.ge [sflag:s8], $0x8000  }
0x181: {  	[sflag:s8] =	ssyncset.done $0x0  }
0x182: {  	[sflag:s8] =	ssyncadd.s32 $0xFFFF8000  }
0x183: {  	[tilespmem:s4], [sflag:$0x2] =	stream.indirect.gather [hbm4b:s3+s5], $0x40, s22, s5, $0xb8;
	[tilespmem:$0x13400] =	vst v63  }
0x184: {  	_ =	swait.ge [sflag:s9], $0x8000  }
0x185: {  	[sflag:s9] =	ssyncset.done $0x0  }
0x186: {  	s11 =	rddreg [dreg:$0x11];
	[sflag:s9] =	ssyncadd.s32 $0xFFFF8000  }
0x187: {  	[hbm4b:s11+s2] =	stream.linear.scatter [tilespmem:s6], [sflag:$0x3], $0x8000, $0x38;
	[tilespmem:$0x13400] =	vst v63  }
0x188: {  	_ =	swait.ge [sflag:s7], $0x8000  }
0x189: {  	[sflag:s7] =	ssyncset.done $0x0  }
0x18a: {  	[sflag:s7] =	ssyncadd.s32 $0xFFFF8000  }
0x18b: {  	[tilespmem:s6], [sflag:$0x1] =	stream.indirect.gather [hbm4b:s3+s5], $0x40, s21, s5, $0xb8;
	[tilespmem:$0x13400] =	vst v63  }
0x18c: {  	_ =	swait.ge [sflag:s10], $0x8000  }
0x18d: {  	[sflag:s10] =	ssyncset.done $0x0  }
0x18e: {  	s11 =	rddreg [dreg:$0x12];
	[sflag:s10] =	ssyncadd.s32 $0xFFFF8000  }
0x18f: {  	[hbm4b:s11+s2] =	stream.linear.scatter [tilespmem:s4], [sflag:$0x4], $0x8000, $0x38;
	[tilespmem:$0x13400] =	vst v63  }
0x190: {  	_ =	swait.ge [sflag:s8], $0x8000  }
0x191: {  	[sflag:s8] =	ssyncset.done $0x0  }
0x192: {  	[sflag:s8] =	ssyncadd.s32 $0xFFFF8000  }
0x193: {  	[tilespmem:s4], [sflag:$0x2] =	stream.indirect.gather [hbm4b:s3+s5], $0x40, s20, s5, $0xb8;
	[tilespmem:$0x13400] =	vst v63  }
0x194: {  	_ =	swait.ge [sflag:s9], $0x8000  }
0x195: {  	[sflag:s9] =	ssyncset.done $0x0  }
0x196: {  	s11 =	rddreg [dreg:$0x13];
	[sflag:s9] =	ssyncadd.s32 $0xFFFF8000  }
0x197: {  	[hbm4b:s11+s2] =	stream.linear.scatter [tilespmem:s6], [sflag:$0x3], $0x8000, $0x38;
	[tilespmem:$0x13400] =	vst v63  }
0x198: {  	_ =	swait.ge [sflag:s7], $0x8000  }
0x199: {  	[sflag:s7] =	ssyncset.done $0x0  }
0x19a: {  	[sflag:s7] =	ssyncadd.s32 $0xFFFF8000  }
0x19b: {  	[tilespmem:s6], [sflag:$0x1] =	stream.indirect.gather [hbm4b:s3+s5], $0x40, s19, s5, $0xb8;
	[tilespmem:$0x13400] =	vst v63  }
0x19c: {  	_ =	swait.ge [sflag:s10], $0x8000  }
0x19d: {  	[sflag:s10] =	ssyncset.done $0x0  }
0x19e: {  	s11 =	rddreg [dreg:$0x14];
	[sflag:s10] =	ssyncadd.s32 $0xFFFF8000  }
0x19f: {  	[hbm4b:s11+s2] =	stream.linear.scatter [tilespmem:s4], [sflag:$0x4], $0x8000, $0x38;
	[tilespmem:$0x13400] =	vst v63  }
0x1a0: {  	_ =	swait.ge [sflag:s8], $0x8000  }
0x1a1: {  	[sflag:s8] =	ssyncset.done $0x0  }
0x1a2: {  	[sflag:s8] =	ssyncadd.s32 $0xFFFF8000  }
0x1a3: {  	[tilespmem:s4], [sflag:$0x2] =	stream.indirect.gather [hbm4b:s3+s5], $0x40, s18, s5, $0xb8;
	[tilespmem:$0x13400] =	vst v63  }
0x1a4: {  	_ =	swait.ge [sflag:s9], $0x8000  }
0x1a5: {  	[sflag:s9] =	ssyncset.done $0x0  }
0x1a6: {  	s11 =	rddreg [dreg:$0x15];
	[sflag:s9] =	ssyncadd.s32 $0xFFFF8000  }
0x1a7: {  	[hbm4b:s11+s2] =	stream.linear.scatter [tilespmem:s6], [sflag:$0x3], $0x8000, $0x38;
	[tilespmem:$0x13400] =	vst v63  }
0x1a8: {  	_ =	swait.ge [sflag:s7], $0x8000  }
0x1a9: {  	[sflag:s7] =	ssyncset.done $0x0  }
0x1aa: {  	[sflag:s7] =	ssyncadd.s32 $0xFFFF8000  }
0x1ab: {  	[tilespmem:s6], [sflag:$0x1] =	stream.indirect.gather [hbm4b:s3+s5], $0x40, s17, s5, $0xb8;
	[tilespmem:$0x13400] =	vst v63  }
0x1ac: {  	_ =	swait.ge [sflag:s10], $0x8000  }
0x1ad: {  	[sflag:s10] =	ssyncset.done $0x0  }
0x1ae: {  	s11 =	rddreg [dreg:$0x16];
	[sflag:s10] =	ssyncadd.s32 $0xFFFF8000  }
0x1af: {  	[hbm4b:s11+s2] =	stream.linear.scatter [tilespmem:s4], [sflag:$0x4], $0x8000, $0x38;
	[tilespmem:$0x13400] =	vst v63  }
0x1b0: {  	_ =	swait.ge [sflag:s8], $0x8000  }
0x1b1: {  	[sflag:s8] =	ssyncset.done $0x0  }
0x1b2: {  	[sflag:s8] =	ssyncadd.s32 $0xFFFF8000  }
0x1b3: {  	[tilespmem:s4], [sflag:$0x2] =	stream.indirect.gather [hbm4b:s3+s5], $0x40, s16, s5, $0xb8;
	[tilespmem:$0x13400] =	vst v63  }
0x1b4: {  	_ =	swait.ge [sflag:s9], $0x8000  }
0x1b5: {  	[sflag:s9] =	ssyncset.done $0x0  }
0x1b6: {  	s11 =	rddreg [dreg:$0x17];
	[sflag:s9] =	ssyncadd.s32 $0xFFFF8000  }
0x1b7: {  	[hbm4b:s11+s2] =	stream.linear.scatter [tilespmem:s6], [sflag:$0x3], $0x8000, $0x38;
	[tilespmem:$0x13400] =	vst v63  }
0x1b8: {  	_ =	swait.ge [sflag:s7], $0x8000  }
0x1b9: {  	[sflag:s7] =	ssyncset.done $0x0  }
0x1ba: {  	[sflag:s7] =	ssyncadd.s32 $0xFFFF8000  }
0x1bb: {  	[tilespmem:s6], [sflag:$0x1] =	stream.indirect.gather [hbm4b:s3+s5], $0x40, s15, s5, $0xb8;
	[tilespmem:$0x13400] =	vst v63  }
0x1bc: {  	_ =	swait.ge [sflag:s10], $0x8000  }
0x1bd: {  	[sflag:s10] =	ssyncset.done $0x0  }
0x1be: {  	s11 =	rddreg [dreg:$0x18];
	[sflag:s10] =	ssyncadd.s32 $0xFFFF8000  }
0x1bf: {  	[hbm4b:s11+s2] =	stream.linear.scatter [tilespmem:s4], [sflag:$0x4], $0x8000, $0x38;
	[tilespmem:$0x13400] =	vst v63  }
0x1c0: {  	_ =	swait.ge [sflag:s8], $0x8000  }
0x1c1: {  	[sflag:s8] =	ssyncset.done $0x0  }
0x1c2: {  	[sflag:s8] =	ssyncadd.s32 $0xFFFF8000  }
0x1c3: {  	[tilespmem:s4], [sflag:$0x2] =	stream.indirect.gather [hbm4b:s3+s5], $0x40, s14, s5, $0xb8;
	[tilespmem:$0x13400] =	vst v63  }
0x1c4: {  	_ =	swait.ge [sflag:s9], $0x8000  }
0x1c5: {  	[sflag:s9] =	ssyncset.done $0x0  }
0x1c6: {  	s11 =	rddreg [dreg:$0x19];
	[sflag:s9] =	ssyncadd.s32 $0xFFFF8000  }
0x1c7: {  	[hbm4b:s11+s2] =	stream.linear.scatter [tilespmem:s6], [sflag:$0x3], $0x8000, $0x38;
	[tilespmem:$0x13400] =	vst v63  }
0x1c8: {  	_ =	swait.ge [sflag:s7], $0x8000  }
0x1c9: {  	[sflag:s7] =	ssyncset.done $0x0  }
0x1ca: {  	[sflag:s7] =	ssyncadd.s32 $0xFFFF8000  }
0x1cb: {  	[tilespmem:s6], [sflag:$0x1] =	stream.indirect.gather [hbm4b:s3+s5], $0x40, s13, s5, $0xb8;
	[tilespmem:$0x13400] =	vst v63  }
0x1cc: {  	_ =	swait.ge [sflag:s10], $0x8000  }
0x1cd: {  	[sflag:s10] =	ssyncset.done $0x0  }
0x1ce: {  	s11 =	rddreg [dreg:$0x1a];
	[sflag:s10] =	ssyncadd.s32 $0xFFFF8000  }
0x1cf: {  	[hbm4b:s11+s2] =	stream.linear.scatter [tilespmem:s4], [sflag:$0x4], $0x8000, $0x38;
	[tilespmem:$0x13400] =	vst v63  }
0x1d0: {  	_ =	swait.ge [sflag:s8], $0x8000  }
0x1d1: {  	[sflag:s8] =	ssyncset.done $0x0  }
0x1d2: {  	[sflag:s8] =	ssyncadd.s32 $0xFFFF8000  }
0x1d3: {  	[tilespmem:s4], [sflag:$0x2] =	stream.indirect.gather [hbm4b:s3+s5], $0x40, s12, s5, $0xb8;
	[tilespmem:$0x13400] =	vst v63  }
0x1d4: {  	_ =	swait.ge [sflag:s9], $0x8000  }
0x1d5: {  	[sflag:s9] =	ssyncset.done $0x0  }
0x1d6: {  	s11 =	rddreg [dreg:$0x1b];
	[sflag:s9] =	ssyncadd.s32 $0xFFFF8000  }
0x1d7: {  	[hbm4b:s11+s2] =	stream.linear.scatter [tilespmem:s6], [sflag:$0x3], $0x8000, $0x38;
	[tilespmem:$0x13400] =	vst v63  }
0x1d8: {  	_ =	swait.ge [sflag:s10], $0x8000  }
0x1d9: {  	[sflag:s10] =	ssyncset.done $0x0  }
0x1da: {  	p1 =	sne.s32 s1, $0x1;
	s11 =	rddreg [dreg:$0x1c];
	[sflag:s10] =	ssyncadd.s32 $0xFFFF8000  }
0x1db: {  	[hbm4b:s11+s2] =	stream.linear.scatter [tilespmem:s4], [sflag:$0x4], $0x8000, $0x38;
	[tilespmem:$0x13400] =	vst v63  }
.Ltmp2:
0x1dc: {  	_ =	swait.ge [sflag:s7], $0x8000;
	(pc) =	sbr.rel @p1 .LBB2_4-.Ltmp2, $4  }
0x1dd: {  	[sflag:s7] =	ssyncset.done $0x0  }
0x1de: {  	[sflag:s7] =	ssyncadd.s32 $0xFFFF8000  }
0x1df: {  	_ =	swait.ge [sflag:s8], $0x8000  }
0x1e0: {  	s1 =	sadd.s32 $0xFFFFFFFF, s1;
	s0 =	rddreg [dreg:$0x3];
	[sflag:s8] =	ssyncset.done $0x0  }
0x1e1: {  	s12 =	simm.s32 $0x1000;
	s30 =	simm.s32 $0x1200;
	s29 =	simm.s32 $0x1400  }
0x1e2: {  	s26 =	simm.s32 $0x1600;
	s25 =	simm.s32 $0x1800;
	s24 =	simm.s32 $0x1A00  }
0x1e3: {  	s23 =	simm.s32 $0x1C00;
	s22 =	simm.s32 $0x1E00;
	s21 =	simm.s32 $0x2000  }
0x1e4: {  	s20 =	simm.s32 $0x2200;
	s19 =	simm.s32 $0x2400;
	s18 =	simm.s32 $0x2600  }
0x1e5: {  	s17 =	simm.s32 $0x2800;
	s16 =	simm.s32 $0x2A00;
	s15 =	simm.s32 $0x2C00  }
0x1e6: {  	s14 =	simm.s32 $0x2E00;
	s13 =	simm.s32 $0x3000;
	s11 =	stileid.u32  }
.LBB2_6:
0x1e7: {  	s1 =	rddreg [dreg:$0x1d];
	[sflag:s8] =	ssyncadd.s32 @p0 $0xFFFF8000  }
0x1e8: {  	[tilespmem:s2], [sflag:$0x5] =	stream.strided.gather [hbm4b:s0+s5], $0x3400, s1, s5, $0x38;
	[tilespmem:$0x13400] =	vst v63  }
0x1e9: {  	_ =	swait.ge [sflag:s31], $0x3400  }
0x1ea: {  	[sflag:s31] =	ssyncset.done $0x0  }
0x1eb: {  	[sflag:s31] =	ssyncadd.s32 $0xFFFFCC00  }
0x1ec: {  	[tilespmem:s6], [sflag:$0x1] =	stream.indirect.gather [hbm4b:s3+s5], $0x40, s2, s5, $0xb8;
	[tilespmem:$0x13400] =	vst v63  }
0x1ed: {  	_ = 	snop  }
0x1ee: {  	[tilespmem:s4], [sflag:$0x2] =	stream.indirect.gather [hbm4b:s3+s5], $0x40, s5, s5, $0xb8;
	[tilespmem:$0x13400] =	vst v63  }
0x1ef: {  	_ =	swait.ge [sflag:s9], $0x8000  }
0x1f0: {  	[sflag:s9] =	ssyncset.done $0x0  }
0x1f1: {  	[sflag:s9] =	ssyncadd.s32 $0xFFFF8000  }
0x1f2: {  	[hbm4b:s28+s2] =	stream.linear.scatter [tilespmem:s6], [sflag:$0x3], $0x8000, $0x38;
	[tilespmem:$0x13400] =	vst v63  }
0x1f3: {  	_ =	swait.ge [sflag:s7], $0x8000  }
0x1f4: {  	[sflag:s7] =	ssyncset.done $0x0  }
0x1f5: {  	s31 =	rddreg [dreg:$0x1e];
	[sflag:s7] =	ssyncadd.s32 $0xFFFF8000  }
0x1f6: {  	[tilespmem:s6], [sflag:$0x1] =	stream.indirect.gather [hbm4b:s3+s5], $0x40, s31, s5, $0xb8;
	[tilespmem:$0x13400] =	vst v63  }
0x1f7: {  	_ =	swait.ge [sflag:s10], $0x8000  }
0x1f8: {  	[sflag:s10] =	ssyncset.done $0x0  }
0x1f9: {  	s1 =	rddreg [dreg:$0x4];
	[sflag:s10] =	ssyncadd.s32 $0xFFFF8000  }
0x1fa: {  	[hbm4b:s1+s2] =	stream.linear.scatter [tilespmem:s4], [sflag:$0x4], $0x8000, $0x38;
	[tilespmem:$0x13400] =	vst v63  }
0x1fb: {  	_ =	swait.ge [sflag:s8], $0x8000  }
0x1fc: {  	[sflag:s8] =	ssyncset.done $0x0  }
0x1fd: {  	s28 =	rddreg [dreg:$0x1f];
	[sflag:s8] =	ssyncadd.s32 $0xFFFF8000  }
0x1fe: {  	[tilespmem:s4], [sflag:$0x2] =	stream.indirect.gather [hbm4b:s3+s5], $0x40, s28, s5, $0xb8;
	[tilespmem:$0x13400] =	vst v63  }
0x1ff: {  	_ =	swait.ge [sflag:s9], $0x8000  }
0x200: {  	[sflag:s9] =	ssyncset.done $0x0  }
0x201: {  	s31 =	rddreg [dreg:$0x5];
	[sflag:s9] =	ssyncadd.s32 $0xFFFF8000  }
0x202: {  	[hbm4b:s31+s2] =	stream.linear.scatter [tilespmem:s6], [sflag:$0x3], $0x8000, $0x38;
	[tilespmem:$0x13400] =	vst v63  }
0x203: {  	_ =	swait.ge [sflag:s7], $0x8000  }
0x204: {  	s1 =	sld [smem:$0x7FA]  }
0x205: {  	[sflag:s7] =	ssyncset.done $0x0  }
0x206: {  	[sflag:s7] =	ssyncadd.s32 $0xFFFF8000  }
0x207: {  	[tilespmem:s6], [sflag:$0x1] =	stream.indirect.gather [hbm4b:s3+s5], $0x40, s1, s5, $0xb8;
	[tilespmem:$0x13400] =	vst v63  }
0x208: {  	_ =	swait.ge [sflag:s10], $0x8000  }
0x209: {  	[sflag:s10] =	ssyncset.done $0x0  }
0x20a: {  	s28 =	rddreg [dreg:$0x6];
	[sflag:s10] =	ssyncadd.s32 $0xFFFF8000  }
0x20b: {  	[hbm4b:s28+s2] =	stream.linear.scatter [tilespmem:s4], [sflag:$0x4], $0x8000, $0x38;
	[tilespmem:$0x13400] =	vst v63  }
0x20c: {  	_ =	swait.ge [sflag:s8], $0x8000  }
0x20d: {  	s31 =	sld [smem:$0x7FB]  }
0x20e: {  	[sflag:s8] =	ssyncset.done $0x0  }
0x20f: {  	[sflag:s8] =	ssyncadd.s32 $0xFFFF8000  }
0x210: {  	[tilespmem:s4], [sflag:$0x2] =	stream.indirect.gather [hbm4b:s3+s5], $0x40, s31, s5, $0xb8;
	[tilespmem:$0x13400] =	vst v63  }
0x211: {  	_ =	swait.ge [sflag:s9], $0x8000  }
0x212: {  	[sflag:s9] =	ssyncset.done $0x0  }
0x213: {  	s1 =	rddreg [dreg:$0x7];
	[sflag:s9] =	ssyncadd.s32 $0xFFFF8000  }
0x214: {  	[hbm4b:s1+s2] =	stream.linear.scatter [tilespmem:s6], [sflag:$0x3], $0x8000, $0x38;
	[tilespmem:$0x13400] =	vst v63  }
0x215: {  	_ =	swait.ge [sflag:s7], $0x8000  }
0x216: {  	s28 =	sld [smem:$0x7FC]  }
0x217: {  	[sflag:s7] =	ssyncset.done $0x0  }
0x218: {  	[sflag:s7] =	ssyncadd.s32 $0xFFFF8000  }
0x219: {  	[tilespmem:s6], [sflag:$0x1] =	stream.indirect.gather [hbm4b:s3+s5], $0x40, s28, s5, $0xb8;
	[tilespmem:$0x13400] =	vst v63  }
0x21a: {  	_ =	swait.ge [sflag:s10], $0x8000  }
0x21b: {  	[sflag:s10] =	ssyncset.done $0x0  }
0x21c: {  	s31 =	rddreg [dreg:$0x8];
	[sflag:s10] =	ssyncadd.s32 $0xFFFF8000  }
0x21d: {  	[hbm4b:s31+s2] =	stream.linear.scatter [tilespmem:s4], [sflag:$0x4], $0x8000, $0x38;
	[tilespmem:$0x13400] =	vst v63  }
0x21e: {  	_ =	swait.ge [sflag:s8], $0x8000  }
0x21f: {  	s1 =	sld [smem:$0x7FD]  }
0x220: {  	[sflag:s8] =	ssyncset.done $0x0  }
0x221: {  	[sflag:s8] =	ssyncadd.s32 $0xFFFF8000  }
0x222: {  	[tilespmem:s4], [sflag:$0x2] =	stream.indirect.gather [hbm4b:s3+s5], $0x40, s1, s5, $0xb8;
	[tilespmem:$0x13400] =	vst v63  }
0x223: {  	_ =	swait.ge [sflag:s9], $0x8000  }
0x224: {  	[sflag:s9] =	ssyncset.done $0x0  }
0x225: {  	s28 =	rddreg [dreg:$0x9];
	[sflag:s9] =	ssyncadd.s32 $0xFFFF8000  }
0x226: {  	[hbm4b:s28+s2] =	stream.linear.scatter [tilespmem:s6], [sflag:$0x3], $0x8000, $0x38;
	[tilespmem:$0x13400] =	vst v63  }
0x227: {  	_ =	swait.ge [sflag:s7], $0x8000  }
0x228: {  	[sflag:s7] =	ssyncset.done $0x0  }
0x229: {  	[sflag:s7] =	ssyncadd.s32 $0xFFFF8000  }
0x22a: {  	[tilespmem:s6], [sflag:$0x1] =	stream.indirect.gather [hbm4b:s3+s5], $0x40, s12, s5, $0xb8;
	[tilespmem:$0x13400] =	vst v63  }
0x22b: {  	_ =	swait.ge [sflag:s10], $0x8000  }
0x22c: {  	[sflag:s10] =	ssyncset.done $0x0  }
0x22d: {  	s31 =	rddreg [dreg:$0xa];
	[sflag:s10] =	ssyncadd.s32 $0xFFFF8000  }
0x22e: {  	[hbm4b:s31+s2] =	stream.linear.scatter [tilespmem:s4], [sflag:$0x4], $0x8000, $0x38;
	[tilespmem:$0x13400] =	vst v63  }
0x22f: {  	_ =	swait.ge [sflag:s8], $0x8000  }
0x230: {  	[sflag:s8] =	ssyncset.done $0x0  }
0x231: {  	[sflag:s8] =	ssyncadd.s32 $0xFFFF8000  }
0x232: {  	[tilespmem:s4], [sflag:$0x2] =	stream.indirect.gather [hbm4b:s3+s5], $0x40, s30, s5, $0xb8;
	[tilespmem:$0x13400] =	vst v63  }
0x233: {  	_ =	swait.ge [sflag:s9], $0x8000  }
0x234: {  	[sflag:s9] =	ssyncset.done $0x0  }
0x235: {  	s1 =	rddreg [dreg:$0xb];
	[sflag:s9] =	ssyncadd.s32 $0xFFFF8000  }
0x236: {  	[hbm4b:s1+s2] =	stream.linear.scatter [tilespmem:s6], [sflag:$0x3], $0x8000, $0x38;
	[tilespmem:$0x13400] =	vst v63  }
0x237: {  	_ =	swait.ge [sflag:s7], $0x8000  }
0x238: {  	[sflag:s7] =	ssyncset.done $0x0  }
0x239: {  	[sflag:s7] =	ssyncadd.s32 $0xFFFF8000  }
0x23a: {  	[tilespmem:s6], [sflag:$0x1] =	stream.indirect.gather [hbm4b:s3+s5], $0x40, s29, s5, $0xb8;
	[tilespmem:$0x13400] =	vst v63  }
0x23b: {  	_ =	swait.ge [sflag:s10], $0x8000  }
0x23c: {  	[sflag:s10] =	ssyncset.done $0x0  }
0x23d: {  	s12 =	rddreg [dreg:$0xc];
	[sflag:s10] =	ssyncadd.s32 $0xFFFF8000  }
0x23e: {  	[hbm4b:s12+s2] =	stream.linear.scatter [tilespmem:s4], [sflag:$0x4], $0x8000, $0x38;
	[tilespmem:$0x13400] =	vst v63  }
0x23f: {  	_ =	swait.ge [sflag:s8], $0x8000  }
0x240: {  	[sflag:s8] =	ssyncset.done $0x0  }
0x241: {  	[sflag:s8] =	ssyncadd.s32 $0xFFFF8000  }
0x242: {  	[tilespmem:s4], [sflag:$0x2] =	stream.indirect.gather [hbm4b:s3+s5], $0x40, s26, s5, $0xb8;
	[tilespmem:$0x13400] =	vst v63  }
0x243: {  	_ =	swait.ge [sflag:s9], $0x8000  }
0x244: {  	[sflag:s9] =	ssyncset.done $0x0  }
0x245: {  	s28 =	rddreg [dreg:$0xd];
	[sflag:s9] =	ssyncadd.s32 $0xFFFF8000  }
0x246: {  	[hbm4b:s28+s2] =	stream.linear.scatter [tilespmem:s6], [sflag:$0x3], $0x8000, $0x38;
	[tilespmem:$0x13400] =	vst v63  }
0x247: {  	_ =	swait.ge [sflag:s7], $0x8000  }
0x248: {  	[sflag:s7] =	ssyncset.done $0x0  }
0x249: {  	[sflag:s7] =	ssyncadd.s32 $0xFFFF8000  }
0x24a: {  	[tilespmem:s6], [sflag:$0x1] =	stream.indirect.gather [hbm4b:s3+s5], $0x40, s25, s5, $0xb8;
	[tilespmem:$0x13400] =	vst v63  }
0x24b: {  	_ =	swait.ge [sflag:s10], $0x8000  }
0x24c: {  	[sflag:s10] =	ssyncset.done $0x0  }
0x24d: {  	s29 =	rddreg [dreg:$0xe];
	[sflag:s10] =	ssyncadd.s32 $0xFFFF8000  }
0x24e: {  	[hbm4b:s29+s2] =	stream.linear.scatter [tilespmem:s4], [sflag:$0x4], $0x8000, $0x38;
	[tilespmem:$0x13400] =	vst v63  }
0x24f: {  	_ =	swait.ge [sflag:s8], $0x8000  }
0x250: {  	[sflag:s8] =	ssyncset.done $0x0  }
0x251: {  	[sflag:s8] =	ssyncadd.s32 $0xFFFF8000  }
0x252: {  	[tilespmem:s4], [sflag:$0x2] =	stream.indirect.gather [hbm4b:s3+s5], $0x40, s24, s5, $0xb8;
	[tilespmem:$0x13400] =	vst v63  }
0x253: {  	_ =	swait.ge [sflag:s9], $0x8000  }
0x254: {  	[sflag:s9] =	ssyncset.done $0x0  }
0x255: {  	s30 =	rddreg [dreg:$0xf];
	[sflag:s9] =	ssyncadd.s32 $0xFFFF8000  }
0x256: {  	[hbm4b:s30+s2] =	stream.linear.scatter [tilespmem:s6], [sflag:$0x3], $0x8000, $0x38;
	[tilespmem:$0x13400] =	vst v63  }
0x257: {  	_ =	swait.ge [sflag:s7], $0x8000  }
0x258: {  	[sflag:s7] =	ssyncset.done $0x0  }
0x259: {  	[sflag:s7] =	ssyncadd.s32 $0xFFFF8000  }
0x25a: {  	[tilespmem:s6], [sflag:$0x1] =	stream.indirect.gather [hbm4b:s3+s5], $0x40, s23, s5, $0xb8;
	[tilespmem:$0x13400] =	vst v63  }
0x25b: {  	_ =	swait.ge [sflag:s10], $0x8000  }
0x25c: {  	[sflag:s10] =	ssyncset.done $0x0  }
0x25d: {  	s31 =	rddreg [dreg:$0x10];
	[sflag:s10] =	ssyncadd.s32 $0xFFFF8000  }
0x25e: {  	[hbm4b:s31+s2] =	stream.linear.scatter [tilespmem:s4], [sflag:$0x4], $0x8000, $0x38;
	[tilespmem:$0x13400] =	vst v63  }
0x25f: {  	_ =	swait.ge [sflag:s8], $0x8000  }
0x260: {  	[sflag:s8] =	ssyncset.done $0x0  }
0x261: {  	[sflag:s8] =	ssyncadd.s32 $0xFFFF8000  }
0x262: {  	[tilespmem:s4], [sflag:$0x2] =	stream.indirect.gather [hbm4b:s3+s5], $0x40, s22, s5, $0xb8;
	[tilespmem:$0x13400] =	vst v63  }
0x263: {  	_ =	swait.ge [sflag:s9], $0x8000  }
0x264: {  	[sflag:s9] =	ssyncset.done $0x0  }
0x265: {  	s1 =	rddreg [dreg:$0x11];
	[sflag:s9] =	ssyncadd.s32 $0xFFFF8000  }
0x266: {  	[hbm4b:s1+s2] =	stream.linear.scatter [tilespmem:s6], [sflag:$0x3], $0x8000, $0x38;
	[tilespmem:$0x13400] =	vst v63  }
0x267: {  	_ =	swait.ge [sflag:s7], $0x8000  }
0x268: {  	[sflag:s7] =	ssyncset.done $0x0  }
0x269: {  	[sflag:s7] =	ssyncadd.s32 $0xFFFF8000  }
0x26a: {  	[tilespmem:s6], [sflag:$0x1] =	stream.indirect.gather [hbm4b:s3+s5], $0x40, s21, s5, $0xb8;
	[tilespmem:$0x13400] =	vst v63  }
0x26b: {  	_ =	swait.ge [sflag:s10], $0x8000  }
0x26c: {  	[sflag:s10] =	ssyncset.done $0x0  }
0x26d: {  	s12 =	rddreg [dreg:$0x12];
	[sflag:s10] =	ssyncadd.s32 $0xFFFF8000  }
0x26e: {  	[hbm4b:s12+s2] =	stream.linear.scatter [tilespmem:s4], [sflag:$0x4], $0x8000, $0x38;
	[tilespmem:$0x13400] =	vst v63  }
0x26f: {  	_ =	swait.ge [sflag:s8], $0x8000  }
0x270: {  	[sflag:s8] =	ssyncset.done $0x0  }
0x271: {  	[sflag:s8] =	ssyncadd.s32 $0xFFFF8000  }
0x272: {  	[tilespmem:s4], [sflag:$0x2] =	stream.indirect.gather [hbm4b:s3+s5], $0x40, s20, s5, $0xb8;
	[tilespmem:$0x13400] =	vst v63  }
0x273: {  	_ =	swait.ge [sflag:s9], $0x8000  }
0x274: {  	[sflag:s9] =	ssyncset.done $0x0  }
0x275: {  	s20 =	rddreg [dreg:$0x13];
	[sflag:s9] =	ssyncadd.s32 $0xFFFF8000  }
0x276: {  	[hbm4b:s20+s2] =	stream.linear.scatter [tilespmem:s6], [sflag:$0x3], $0x8000, $0x38;
	[tilespmem:$0x13400] =	vst v63  }
0x277: {  	_ =	swait.ge [sflag:s7], $0x8000  }
0x278: {  	[sflag:s7] =	ssyncset.done $0x0  }
0x279: {  	[sflag:s7] =	ssyncadd.s32 $0xFFFF8000  }
0x27a: {  	[tilespmem:s6], [sflag:$0x1] =	stream.indirect.gather [hbm4b:s3+s5], $0x40, s19, s5, $0xb8;
	[tilespmem:$0x13400] =	vst v63  }
0x27b: {  	_ =	swait.ge [sflag:s10], $0x8000  }
0x27c: {  	[sflag:s10] =	ssyncset.done $0x0  }
0x27d: {  	s21 =	rddreg [dreg:$0x14];
	[sflag:s10] =	ssyncadd.s32 $0xFFFF8000  }
0x27e: {  	[hbm4b:s21+s2] =	stream.linear.scatter [tilespmem:s4], [sflag:$0x4], $0x8000, $0x38;
	[tilespmem:$0x13400] =	vst v63  }
0x27f: {  	_ =	swait.ge [sflag:s8], $0x8000  }
0x280: {  	[sflag:s8] =	ssyncset.done $0x0  }
0x281: {  	[sflag:s8] =	ssyncadd.s32 $0xFFFF8000  }
0x282: {  	[tilespmem:s4], [sflag:$0x2] =	stream.indirect.gather [hbm4b:s3+s5], $0x40, s18, s5, $0xb8;
	[tilespmem:$0x13400] =	vst v63  }
0x283: {  	_ =	swait.ge [sflag:s9], $0x8000  }
0x284: {  	[sflag:s9] =	ssyncset.done $0x0  }
0x285: {  	s22 =	rddreg [dreg:$0x15];
	[sflag:s9] =	ssyncadd.s32 $0xFFFF8000  }
0x286: {  	[hbm4b:s22+s2] =	stream.linear.scatter [tilespmem:s6], [sflag:$0x3], $0x8000, $0x38;
	[tilespmem:$0x13400] =	vst v63  }
0x287: {  	_ =	swait.ge [sflag:s7], $0x8000  }
0x288: {  	[sflag:s7] =	ssyncset.done $0x0  }
0x289: {  	[sflag:s7] =	ssyncadd.s32 $0xFFFF8000  }
0x28a: {  	[tilespmem:s6], [sflag:$0x1] =	stream.indirect.gather [hbm4b:s3+s5], $0x40, s17, s5, $0xb8;
	[tilespmem:$0x13400] =	vst v63  }
0x28b: {  	_ =	swait.ge [sflag:s10], $0x8000  }
0x28c: {  	[sflag:s10] =	ssyncset.done $0x0  }
0x28d: {  	s23 =	rddreg [dreg:$0x16];
	[sflag:s10] =	ssyncadd.s32 $0xFFFF8000  }
0x28e: {  	[hbm4b:s23+s2] =	stream.linear.scatter [tilespmem:s4], [sflag:$0x4], $0x8000, $0x38;
	[tilespmem:$0x13400] =	vst v63  }
0x28f: {  	_ =	swait.ge [sflag:s8], $0x8000  }
0x290: {  	[sflag:s8] =	ssyncset.done $0x0  }
0x291: {  	[sflag:s8] =	ssyncadd.s32 $0xFFFF8000  }
0x292: {  	[tilespmem:s4], [sflag:$0x2] =	stream.indirect.gather [hbm4b:s3+s5], $0x40, s16, s5, $0xb8;
	[tilespmem:$0x13400] =	vst v63  }
0x293: {  	_ =	swait.ge [sflag:s9], $0x8000  }
0x294: {  	[sflag:s9] =	ssyncset.done $0x0  }
0x295: {  	s24 =	rddreg [dreg:$0x17];
	[sflag:s9] =	ssyncadd.s32 $0xFFFF8000  }
0x296: {  	[hbm4b:s24+s2] =	stream.linear.scatter [tilespmem:s6], [sflag:$0x3], $0x8000, $0x38;
	[tilespmem:$0x13400] =	vst v63  }
0x297: {  	_ =	swait.ge [sflag:s7], $0x8000  }
0x298: {  	[sflag:s7] =	ssyncset.done $0x0  }
0x299: {  	[sflag:s7] =	ssyncadd.s32 $0xFFFF8000  }
0x29a: {  	[tilespmem:s6], [sflag:$0x1] =	stream.indirect.gather [hbm4b:s3+s5], $0x40, s15, s5, $0xb8;
	[tilespmem:$0x13400] =	vst v63  }
0x29b: {  	_ =	swait.ge [sflag:s10], $0x8000  }
0x29c: {  	[sflag:s10] =	ssyncset.done $0x0  }
0x29d: {  	s25 =	rddreg [dreg:$0x18];
	[sflag:s10] =	ssyncadd.s32 $0xFFFF8000  }
0x29e: {  	[hbm4b:s25+s2] =	stream.linear.scatter [tilespmem:s4], [sflag:$0x4], $0x8000, $0x38;
	[tilespmem:$0x13400] =	vst v63  }
0x29f: {  	_ =	swait.ge [sflag:s8], $0x8000  }
0x2a0: {  	[sflag:s8] =	ssyncset.done $0x0  }
0x2a1: {  	[sflag:s8] =	ssyncadd.s32 $0xFFFF8000  }
0x2a2: {  	[tilespmem:s4], [sflag:$0x2] =	stream.indirect.gather [hbm4b:s3+s5], $0x40, s14, s5, $0xb8;
	[tilespmem:$0x13400] =	vst v63  }
0x2a3: {  	_ =	swait.ge [sflag:s9], $0x8000  }
0x2a4: {  	[sflag:s9] =	ssyncset.done $0x0  }
0x2a5: {  	s26 =	rddreg [dreg:$0x19];
	[sflag:s9] =	ssyncadd.s32 $0xFFFF8000  }
0x2a6: {  	[hbm4b:s26+s2] =	stream.linear.scatter [tilespmem:s6], [sflag:$0x3], $0x8000, $0x38;
	[tilespmem:$0x13400] =	vst v63  }
0x2a7: {  	_ =	swait.ge [sflag:s7], $0x8000  }
0x2a8: {  	[sflag:s7] =	ssyncset.done $0x0  }
0x2a9: {  	[sflag:s7] =	ssyncadd.s32 $0xFFFF8000  }
0x2aa: {  	[tilespmem:s6], [sflag:$0x1] =	stream.indirect.gather [hbm4b:s3+s5], $0x40, s13, s5, $0xb8;
	[tilespmem:$0x13400] =	vst v63  }
0x2ab: {  	_ =	swait.ge [sflag:s10], $0x8000  }
0x2ac: {  	[sflag:s10] =	ssyncset.done $0x0  }
0x2ad: {  	s28 =	rddreg [dreg:$0x1a];
	[sflag:s10] =	ssyncadd.s32 $0xFFFF8000  }
0x2ae: {  	[hbm4b:s28+s2] =	stream.linear.scatter [tilespmem:s4], [sflag:$0x4], $0x8000, $0x38;
	[tilespmem:$0x13400] =	vst v63  }
0x2af: {  	_ =	swait.ge [sflag:s8], $0x8000  }
0x2b0: {  	[sflag:s8] =	ssyncset.done $0x0  }
0x2b1: {  	s29 =	simm.s32 $0x3200;
	[sflag:s8] =	ssyncadd.s32 $0xFFFF8000  }
0x2b2: {  	[tilespmem:s4], [sflag:$0x2] =	stream.indirect.gather [hbm4b:s3+s5], $0x40, s29, s5, $0xb8;
	[tilespmem:$0x13400] =	vst v63  }
0x2b3: {  	_ =	swait.ge [sflag:s9], $0x8000  }
0x2b4: {  	[sflag:s9] =	ssyncset.done $0x0  }
0x2b5: {  	s30 =	rddreg [dreg:$0x1b];
	[sflag:s9] =	ssyncadd.s32 $0xFFFF8000  }
0x2b6: {  	[hbm4b:s30+s2] =	stream.linear.scatter [tilespmem:s6], [sflag:$0x3], $0x8000, $0x38;
	[tilespmem:$0x13400] =	vst v63  }
0x2b7: {  	_ =	swait.ge [sflag:s10], $0x8000  }
0x2b8: {  	[sflag:s10] =	ssyncset.done $0x0  }
0x2b9: {  	s31 =	rddreg [dreg:$0x1c];
	[sflag:s10] =	ssyncadd.s32 $0xFFFF8000  }
0x2ba: {  	[hbm4b:s31+s2] =	stream.linear.scatter [tilespmem:s4], [sflag:$0x4], $0x8000, $0x38;
	[tilespmem:$0x13400] =	vst v63  }
0x2bb: {  	_ =	swait.ge [sflag:s7], $0x8000  }
0x2bc: {  	[sflag:s7] =	ssyncset.done $0x0  }
0x2bd: {  	[sflag:s7] =	ssyncadd.s32 $0xFFFF8000  }
0x2be: {  	_ =	swait.ge [sflag:s8], $0x8000  }
0x2bf: {  	[sflag:s8] =	ssyncset.done $0x0  }
0x2c0: {  	[sflag:s8] =	ssyncadd.s32 $0xFFFF8000  }
0x2c1: {  	_ =	sfence.sel $0x180000  }
0x2c2: {  	[bflag:$0x0] =	sbarrier.arrive $0xFFFF  }
0x2c3: {  	_ =	strace $0x90000047  }
0x2c4: {  	[bflag:$0x2] =	sbarrier.arrive $0xFFFF  }
0x2c5: {  	p0 =	sne.s32 s11, $0x0;
	s0 =	rddreg [dreg:$0x2]  }
0x2c6: {  	s0 =	sadd.s32 @!p0 $0x100000, s0  }
0x2c7: {  	[sflag:s0] =	ssyncadd.tile.s32 @!p0 $0x1;
	_ =	shalt  }
.LBB2_1:
0x2c8: {  	s12 =	simm.s32 $0x1000;
	s30 =	simm.s32 $0x1200;
	s29 =	simm.s32 $0x1400  }
.Ltmp3:
0x2c9: {  	s26 =	simm.s32 $0x1600;
	s25 =	simm.s32 $0x1800;
	(pc) =	sbr.rel .LBB2_6-.Ltmp3, $4  }
0x2ca: {  	s24 =	simm.s32 $0x1A00;
	s23 =	simm.s32 $0x1C00;
	s22 =	simm.s32 $0x1E00  }
0x2cb: {  	s21 =	simm.s32 $0x2000;
	s20 =	simm.s32 $0x2200;
	s19 =	simm.s32 $0x2400  }
0x2cc: {  	s18 =	simm.s32 $0x2600;
	s17 =	simm.s32 $0x2800;
	s16 =	simm.s32 $0x2A00  }
0x2cd: {  	s15 =	simm.s32 $0x2C00;
	s14 =	simm.s32 $0x2E00;
	s13 =	simm.s32 $0x3000  }
.LBB2_3:
0x2ce: {  	s12 =	simm.s32 $0x1000  }
0x2cf: {  	s30 =	simm.s32 $0x1200;
	s29 =	simm.s32 $0x1400;
	s26 =	simm.s32 $0x1600  }
.Ltmp4:
0x2d0: {  	s25 =	simm.s32 $0x1800;
	s24 =	simm.s32 $0x1A00;
	(pc) =	sbr.rel .LBB2_6-.Ltmp4, $4  }
0x2d1: {  	s23 =	simm.s32 $0x1C00;
	s22 =	simm.s32 $0x1E00;
	s21 =	simm.s32 $0x2000  }
0x2d2: {  	s20 =	simm.s32 $0x2200;
	s19 =	simm.s32 $0x2400;
	s18 =	simm.s32 $0x2600  }
0x2d3: {  	s17 =	simm.s32 $0x2800;
	s16 =	simm.s32 $0x2A00;
	s15 =	simm.s32 $0x2C00  }
0x2d4: {  	s14 =	simm.s32 $0x2E00;
	s13 =	simm.s32 $0x3000;
	s11 =	stileid.u32  }
.Lfunc_end2:
_tile_overlayer_lowered:
.L_overlay_start_2:
0x2d5: {  	(tag) =	ssettag $0x2  }
0x2d6: {  	s0 =	rddreg [dreg:$0x0];
	s2 =	stileid.u32  }
0x2d7: {  	s1 =	rddreg [dreg:$0x1];
	p0 =	sne.s32 s2, $0x0  }
0x2d8: {  	s3 =	rddreg [dreg:$0x2];
	[bflag:$0x3] =	sbarrier.arrive $0xFFFF;
	s2 =	simm.s32 @!p0 $0x1C05  }
0x2d9: {  	[timem:s3], [sflag:s2] =	dma.local @!p0 [hbm:s0], s1  }
0x2da: {  	s0 =	simm.s32 @!p0 $0x5  }
0x2db: {  	_ =	swait.ge @!p0 [sflag:s0], s1  }
0x2dc: {  	s1 =	ssub.s32 @!p0 $0x0, s1;
	[sflag:s0] =	ssyncset.done @!p0 $0x0  }
0x2dd: {  	[sflag:s0] =	ssyncadd.s32 @!p0 s1  }
0x2de: {  	[bflag:$0x3] =	sbarrier.arrive $0xFFFF  }
0x2df: {  	_ =	shalt  }

// kernel: sparse-core-data-format-call.cloned.1.call-start
scs
called_computation_lowered:
.L_overlay_start_0:
0x0: {  	s2 =	sld [smem:$0x3FD9]  }
0x1: {  	s3 =	sld [smem:$0x3FFE];
	_ =	sdelay $0x1  }
0x2: {  	s1 =	srdreg.scid  }
0x3: {  	s0 =	sand.u32 $0x1, s1  }
0x4: {  	s18 =	sshll.u32 s0, $0xA;
	s2 =	sadd.s32 s3, s2  }
0x5: {  	s2 =	sadd.s32 s2, s18  }
0x6: {  	[smem:$0x3FC6] =	sst s2  }
0x7: {  	_ = 	snop  }
0x8: {  	s2 =	sld [smem:$0x3FD0];
	(tm) =	ssettm $0x1  }
0x9: {  	s19 =	sld [smem:$0x3FFB];
	_ =	sdelay $0x3  }
0xa: {  	_ =	strace s19  }
0xb: {  	s3 =	sld [smem:$0x3FFC];
	_ =	sdelay $0x3  }
0xc: {  	_ =	strace s3  }
0xd: {  	s3 =	sld [smem:$0x3FFD];
	_ =	sdelay $0x3  }
0xe: {  	_ =	strace s3  }
0xf: {  	_ =	strace $0x8FFFFFFF  }
0x10: {  	s20 =	sld [smem:$0x3FDB];
	_ =	sdelay $0x1  }
0x11: {  	s4 =	simm.s32 $_scs_section_size  }
0x12: {  	s5 =	simm.s32 $_size__tile_overlayer_lowered;
	s6 =	simm.s32 $_tile_overlayer_lowered  }
0x13: {  	s23 =	simm.s32 $0x1BFF;
	s22 =	sshll.u32 s6, $0x1;
	s3 =	sadd.s32 s4, s20  }
0x14: {  	s7 =	simm.s32 $0x0;
	s21 =	sshll.u32 s5, $0x1;
	s5 =	sadd.s32 s22, s3  }
0x15: {  	[timem:s7], [sflag:s23] =	dma.local [hbm:s5], s21  }
0x16: {  	_ =	swait.ge [sflag:s23], s21  }
0x17: {  	s4 =	ssub.s32 $0x0, s21;
	[sflag:s23] =	ssyncset.done $0x0  }
0x18: {  	[sflag:s23] =	ssyncadd.s32 s4;
	_ =	sdelay $0x1  }
0x19: {  	s24 =	simm.s32 $0x1B8B  }
0x1a: {  	_ =	swait.ge [sflag:s24], $0x1  }
0x1b: {  	[sflag:s24] =	ssyncset.done $0x0  }
0x1c: {  	s26 =	simm.s32 $0x1B8E;
	s25 =	sld [smem:$0x3FFE];
	[sflag:s24] =	ssyncadd.s32 $0xFFFFFFFF  }
0x1d: {  	s27 =	simm.s32 $execute0_lowered;
	[smem:$0x3FD2] =	sst s26  }
0x1e: {  	s5 =	sshll.u32 s27, $0x1;
	_ =	strace $0x80000049;
	[dreg:$0x1] =	wrdreg $0xFFFFFFFF  }
0x1f: {  	s28 =	simm.s32 $_size_execute0_lowered;
	s3 =	sadd.s32 s3, s5;
	[dreg:$0x0] =	wrdreg $0x0  }
0x20: {  	s5 =	sshll.u32 s28, $0x1;
	[dreg:$0x2] =	wrdreg s3  }
0x21: {  	[dreg:$0x3] =	wrdreg s5  }
0x22: {  	[dreg:$0x4] =	wrdreg $0xC0  }
0x23: {  	_ =	task [dreg:s7], $0x5FFFF  }
0x24: {  	[dreg:$0x1] =	wrdreg $0xFFFFFFFF  }
0x25: {  	[dreg:$0x0] =	wrdreg $0x60  }
0x26: {  	[dreg:$0x2] =	wrdreg s25  }
0x27: {  	[dreg:$0x3] =	wrdreg s2  }
0x28: {  	[dreg:$0x4] =	wrdreg $0x9  }
0x29: {  	_ =	task.clear_ibuf [dreg:s7], $0x5FFFF;
	_ =	strace $0x90000049  }
0x2a: {  	s29 =	simm.s32 $0x9;
	_ =	strace $0x8000004B  }
0x2b: {  	_ =	swait.ge [sflag:s29], $0x1  }
0x2c: {  	[sflag:s29] =	ssyncadd.s32 $0xFFFFFFFF  }
0x2d: {  	_ =	strace $0x9000004B  }
0x2e: {  	_ =	sfence  }
0x2f: {  	s30 =	sld [smem:$0x0];
	_ =	sdelay $0x2  }
0x30: {  	s31 =	sshll.u32 s1, $0xD;
	s1 =	sshrl.u32 s1, $0x2  }
0x31: {  	s3 =	sand.u32 $0x4000, s31;
	s1 =	sadd.s32 s1, s30  }
0x32: {  	s0 =	sor.u32 s3, s0;
	s1 =	sshll.u32 s1, $0x11  }
0x33: {  	s0 =	sor.u32 s1, s0  }
0x34: {  	s0 =	sadd.s32 $0x8F2B, s0  }
0x35: {  	[sflag:s0] =	ssyncadd.remote.s32 $0x1  }
0x36: {  	_ =	sfence.sel $0xFFFF  }
0x37: {  	[dreg:$0x0] =	wrdreg $0xFFFFFFFF;
	(pc) =	sbr.abs _section_cstart, $3  }
0x38: {  	[dreg:$0x1] =	wrdreg $0xFFFFFFFF  }
0x39: {  	_ =	task.clear_ibuf [dreg:s7], $0x2FFFF;
	_ =	strace $0x9FFFFFFF  }
0x3a: {  	(tm) =	ssettm $0x7FFFFFFF  }
0x3b: {  	_ =	shalt  }
tec
execute0_lowered:
.L_overlay_start_1:
0x0: {  	(tag) =	ssettag $0x1  }
0x1: {  	s0 =	srdreg.scid  }
0x2: {  	s1 =	sshll.u32 s0, $0x4  }
0x3: {  	s0 =	stileid.u32;
	s1 =	sand.u32 $0x10, s1  }
0x4: {  	s7 =	rddreg [dreg:$0x0];
	s1 =	sor.u32 s0, s1  }
0x5: {  	s4 =	simm.s32 $0x1;
	s8 =	simm.s32 $0x2;
	s2 =	sshll.u32 s1, $0x7  }
0x6: {  	s13 =	simm.s32 $0x0;
	s9 =	simm.s32 $0x20000;
	s1 =	ssub.s32 $0x4000, s2  }
0x7: {  	s14 =	simm.s32 $0x0;
	s11 =	simm.s32 $0x0;
	s3 =	sand.u32 $0xF80, s1  }
0x8: {  	s12 =	simm.s32 $0x0;
	s5 =	sshrl.u32 s1, $0xC;
	p0 =	sne.s32 s3, $0x0  }
.Ltmp0:
0x9: {  	s1 =	rddreg [dreg:$0x2];
	s4 =	simm.s32 @!p0 $0x0;
	(pc) =	sbr.rel .LBB1_1-.Ltmp0, $4  }
0xa: {  	s6 =	sadd.s32 $0xA00, s7;
	s3 =	rddreg [dreg:$0x1];
	s5 =	sadd.s32 s4, s5  }
0xb: {  	_ =	strace $0x8000004A;
	s4 =	simm.s32 $0x1;
	s5 =	smul.u32 $0xD, s5  }
0xc: {  	s7 =	sadd.s32 $0x40A00, s7;
	s10 =	smov.u32 s2;
	[sflag:s4] =	ssyncpa.u1 $0x0  }
0xd: {  	p0 =	por $0x0, $0x0;
	[sflag:s8] =	ssyncpa.u1 $0x0;
	s8 =	sadd.s32 $0x1, s5  }
.LBB1_7:
0xe: {  	s15 =	sadd.s32 $0x1000, s10  }
0xf: {  	s13 =	sadd.s32 $0x2, s11;
	s17 =	smov.u32 s11;
	p2 =	sgt.s32 s15, $0x3FFF  }
0x10: {  	s17 =	smov.u32 @p2 s13  }
0x11: {  	s15 =	smov.u32 @p2 s2;
	p2 =	sgt.s32 s17, $0x19  }
0x12: {  	s17 =	simm.s32 @p2 $0x0;
	p2 =	sne.s32 s12, s8  }
.Ltmp1:
0x13: {  	p1 =	slt.u32 s12, $0x2;
	(pc) =	sbr.rel @!p2 .LBB1_8-.Ltmp1, $4  }
0x14: {  	s16 =	simm.s32 @!p1 $0x2  }
0x15: {  	s14 =	smov.u32 s11;
	p0 =	por !p0, !p0;
	_ =	swait.ge @!p1 [sflag:s16], $0x4000  }
0x16: {  	s13 =	smov.u32 s10;
	[sflag:s16] =	ssyncset.done @!p1 $0x0;
	s10 =	smov.u32 s15  }
0x17: {  	s12 =	sadd.s32 $0x1, s12;
	[sflag:s16] =	ssyncadd.s32 @!p1 $0xFFFFC000;
	s11 =	smov.u32 s17  }
.LBB1_1:
0x18: {  	p1 =	sge.u32 s12, s5  }
0x19: {  	s15 =	sxor.u32 @!p1 $0xFFFFFFFF, s12;
	s16 =	sshll.u32 @!p1 s11, $0x12  }
0x1a: {  	s17 =	sshll.u32 @!p1 s10, $0x4;
	s19 =	simm.s32 @!p1 $0x40;
	s20 =	simm.s32 @!p1 $0x80  }
0x1b: {  	s15 =	sshll.u32 @!p1 s15, $0xE;
	s17 =	sand.u32 @!p1 $0x3FFF0, s17;
	s18 =	sadd.s32 @!p1 s6, s16  }
0x1c: {  	s16 =	sadd.s32 @!p1 s16, s7;
	s15 =	sand.u32 @!p1 $0x4000, s15;
	s18 =	sadd.s32 @!p1 s17, s18  }
0x1d: {  	[tilespmem:s15], [sflag:$0x1] =	stream.strided.gather @!p1 [hbm4b:s18+s19], $0x2000, s20, s19, $0x38;
	[tilespmem:$0x10100] =	vst v63  }
0x1e: {  	s31 =	sadd.s32 $0xFFFFFFFF, s12;
	s16 =	sadd.s32 @!p1 s17, s16;
	s15 =	sor.u32 @!p1 $0x2000, s15  }
0x1f: {  	[tilespmem:s15], [sflag:$0x1] =	stream.strided.gather @!p1 [hbm4b:s16+s19], $0x2000, s20, s19, $0x38;
	[tilespmem:$0x10100] =	vst v63  }
0x20: {  	p1 =	sge.u32 s31, s5  }
.Ltmp2:
0x21: {  	_ = 	snop;
	(pc) =	sbr.rel @p1 .LBB1_7-.Ltmp2, $1  }
0x22: {  	_ =	sdelay $0x3  }
0x23: {  	s15 =	simm.s32 $0x1;
	s17 =	sand.u32 $0x1, s12  }
0x24: {  	_ =	swait.ge [sflag:s4], $0x4000;
	s15 =	simm.s32 @!p0 $0x0;
	s17 =	smul.u32 $0x10200, s17  }
0x25: {  	p2 =	por $0x1, $0x1;
	[sflag:s4] =	ssyncset.done $0x0;
	s16 =	smul.u32 $0x10200, s15  }
0x26: {  	s18 =	sshll.u32 s15, $0x10;
	[sflag:s4] =	ssyncadd.s32 $0xFFFFC000;
	s30 =	sshrl.u32 s17, $0x2  }
0x27: {  	s31 =	sshrl.u32 s18, $0x2;
	s18 =	simm.s32 $0x0;
	s16 =	sshrl.u32 s16, $0x2  }
0x28: {  	s15 =	sor.u32 $0x8000, s30;
	s17 =	sadd.s32 $0x20, s31;
	s16 =	sor.u32 $0x8000, s16  }
.LBB1_3:
0x29: {  	s19 =	sshll.u32 s18, $0xD  }
0x2a: {  	s19 =	sand.u32 $0x3FFFE000, s19  }
0x2b: {  	s21 =	sadd.s32 s19, s17  }
0x2c: {  	s31 =	smul.u32 $0x8100, s18;
	v3 =	vld [tilespmem:s21+$0x10]  }
0x2d: {  	v1 =	vld [tilespmem:s21+$0xFFFFFFF0]  }
0x2e: {  	s18 =	sshra.s32 s31, $0x2;
	v0 =	vld [tilespmem:s21+$0x0]  }
0x2f: {  	s18 =	sadd.s32 s18, s16;
	v2 =	vld [tilespmem:s21+$0xFFFFFFE0]  }
0x30: {  	s19 =	sadd.s32 $0x0, s18  }
0x31: {  	p1 =	por p2, p2;
	s20 =	simm.s32 $0x4;
	s21 =	sadd.s32 $0x40, s21;
	[tilespmem:s19+$0x1830 ss:$0x81] =	vst.msk $0xffff, v3  }
.LBB1_4:
0x32: {  	v3 =	vld [tilespmem:s21+$0x10];
	p2 =	sne.s32 s20, $0x1FC;
	[tilespmem:s19+$0x810 ss:$0x81] =	vst.msk $0xffff, v1;
	s22 =	smov.u32 s20;
	s20 =	sadd.s32 $0x4, s20  }
.Ltmp3:
0x33: {  	v1 =	vld [tilespmem:s21+$0xFFFFFFF0];
	[tilespmem:s19+$0x1020 ss:$0x81] =	vst.msk $0xffff, v0;
	(pc) =	sbr.rel @p2 .LBB1_4-.Ltmp3, $4  }
0x34: {  	v0 =	vld [tilespmem:s21+$0x0];
	[tilespmem:s19+$0x0 ss:$0x81] =	vst.msk $0xffff, v2  }
0x35: {  	s19 =	sshra.s32 s22, $0x2;
	v2 =	vld [tilespmem:s21+$0xFFFFFFE0]  }
0x36: {  	s19 =	sadd.s32 s19, s18  }
0x37: {  	s21 =	sadd.s32 $0x40, s21;
	[tilespmem:s19+$0x1830 ss:$0x81] =	vst.msk $0xffff, v3  }
.Ltmp4:
0x38: {  	(pc) =	sbr.rel @p1 .LBB1_3-.Ltmp4, $4  }
0x39: {  	_ = 	snop  }
0x3a: {  	[tilespmem:s19+$0x810 ss:$0x81] =	vst.msk $0xffff, v1  }
0x3b: {  	[tilespmem:s19+$0x1020 ss:$0x81] =	vst.msk $0xffff, v0  }
0x3c: {  	s18 =	simm.s32 $0x1;
	p2 =	por $0x0, $0x0;
	[tilespmem:s19+$0x0 ss:$0x81] =	vst.msk $0xffff, v2  }
0x3d: {  	s16 =	sshll.u32 s13, $0x3;
	s17 =	sand.u32 $0x78, s13;
	s14 =	sshll.u32 s14, $0x11  }
.Ltmp5:
0x3e: {  	s30 =	sand.u32 $0x1F800, s13;
	s16 =	sand.u32 $0x3C00, s16;
	(pc) =	sbr.rel .LBB1_7-.Ltmp5, $4  }
0x3f: {  	s31 =	sand.u32 $0x7, s13;
	s14 =	sadd.s32 s3, s14;
	s16 =	sor.u32 s17, s16  }
0x40: {  	s13 =	sshll.u32 s31, $0x12;
	s14 =	sadd.s32 s30, s14;
	s16 =	sshrl.u32 s16, $0x3  }
0x41: {  	s13 =	sor.u32 $0x400, s13;
	s14 =	sadd.s32 s16, s14  }
0x42: {  	[hbm4b:s14+s13] =	stream.strided.scatter [tilespmem:s15], [sflag:$0x2], $0x4000, s9, s13, $0x20;
	[tilespmem:$0x10100] =	vst v63  }
.LBB1_8:
0x43: {  	_ =	sfence.sel $0x180000  }
0x44: {  	s2 =	simm.s32 $0x1;
	[bflag:$0x0] =	sbarrier.arrive $0xFFFF  }
0x45: {  	s31 =	simm.s32 $0x2;
	[sflag:s2] =	ssyncpa.u1 $0x1  }
0x46: {  	[sflag:s31] =	ssyncpa.u1 $0x1  }
0x47: {  	p0 =	sne.s32 s0, $0x0;
	_ =	strace $0x9000004A  }
0x48: {  	s0 =	sadd.s32 @!p0 $0x100000, s1;
	[bflag:$0x2] =	sbarrier.arrive $0xFFFF  }
0x49: {  	[sflag:s0] =	ssyncadd.tile.s32 @!p0 $0x1;
	_ =	shalt  }
.Lfunc_end1:
_tile_overlayer_lowered:
.L_overlay_start_2:
0x4a: {  	(tag) =	ssettag $0x2  }
0x4b: {  	s0 =	rddreg [dreg:$0x0];
	s2 =	stileid.u32  }
0x4c: {  	s1 =	rddreg [dreg:$0x1];
	p0 =	sne.s32 s2, $0x0  }
0x4d: {  	s3 =	rddreg [dreg:$0x2];
	[bflag:$0x3] =	sbarrier.arrive $0xFFFF;
	s2 =	simm.s32 @!p0 $0x1C01  }
0x4e: {  	[timem:s3], [sflag:s2] =	dma.local @!p0 [hbm:s0], s1  }
0x4f: {  	s0 =	simm.s32 @!p0 $0x1  }
0x50: {  	_ =	swait.ge @!p0 [sflag:s0], s1  }
0x51: {  	s1 =	ssub.s32 @!p0 $0x0, s1;
	[sflag:s0] =	ssyncset.done @!p0 $0x0  }
0x52: {  	[sflag:s0] =	ssyncadd.s32 @!p0 s1  }
0x53: {  	[bflag:$0x3] =	sbarrier.arrive $0xFFFF  }
0x54: {  	_ =	shalt  }

</sc_bundles>
